<compile_context>
chip_gen: v7x
topology: tpu7x:2x2x1
jax: 0.10.2.dev20260603
libtpu: 0.0.44.dev20260713+nightly
codegen_flags: <defaults>
</compile_context>

<pallas_src>
import functools
import jax
import jax.numpy as jnp
from jax import lax
from jax.experimental import pallas as pl
from jax.experimental.pallas import tpu as pltpu
from jax.experimental.pallas import tpu_sc as plsc

VX, VY, VZ = 0.2, 0.2, 4.0
PCR = (0.0, -40.0, -3.0, 70.4, 40.0, 1.0)
CZ, CY, CX = 1, 400, 352
B = 2
N = 262144
C1, C2 = 64, 128
L = B * CZ * CY * CX
X_OFF = VX / 2 + PCR[0]
Y_OFF = VY / 2 + PCR[1]
Z_OFF = VZ / 2 + PCR[2]

BLK = 2048
GRID = N // BLK


def _voxelize_body(pts_ref, flat_ref, vals_ref):
    pts = pts_ref[...]
    bidx = pts[:, 0:1].astype(jnp.int32)
    x = pts[:, 1:2]
    y = pts[:, 2:3]
    z = pts[:, 3:4]
    cxf = jnp.clip(jnp.floor((x - PCR[0]) / VX), 0.0, CX - 1)
    cyf = jnp.clip(jnp.floor((y - PCR[1]) / VY), 0.0, CY - 1)
    czf = jnp.clip(jnp.floor((z - PCR[2]) / VZ), 0.0, CZ - 1)
    flat = ((bidx * CZ + czf.astype(jnp.int32)) * CY + cyf.astype(jnp.int32)) * CX + cxf.astype(jnp.int32)
    flat_ref[...] = flat
    ones = jnp.ones_like(x)
    vals_ref[...] = jnp.concatenate([ones, x, y, z], axis=1)


def _voxelize(points):
    return pl.pallas_call(
        _voxelize_body,
        grid=(GRID,),
        in_specs=[pl.BlockSpec((BLK, 5), lambda i: (i, 0))],
        out_specs=[
            pl.BlockSpec((BLK, 1), lambda i: (i, 0)),
            pl.BlockSpec((BLK, 4), lambda i: (i, 0)),
        ],
        out_shape=[
            jax.ShapeDtypeStruct((N, 1), jnp.int32),
            jax.ShapeDtypeStruct((N, 4), jnp.float32),
        ],
    )(points)


_NTILES = 16
_PPT = N // _NTILES
_LPT = L // _NTILES
_GCH = 8192


def _scatter_mean_sc(flat, ones, xs, ys, zs, zeros):
    mesh = plsc.VectorSubcoreMesh(core_axis_name="c", subcore_axis_name="s", num_cores=1)
    f32 = jnp.float32

    @functools.partial(
        pl.kernel,
        mesh=mesh,
        out_type=[jax.ShapeDtypeStruct((N,), f32) for _ in range(4)],
        scratch_types=[
            pltpu.VMEM((_PPT,), jnp.int32),
            pltpu.VMEM((_PPT,), f32),
            pltpu.VMEM((_PPT,), f32),
        ]
        + [pltpu.VMEM_SHARED((L,), f32) for _ in range(4)],
    )
    def ka(flat_hbm, ones_hbm, xs_hbm, ys_hbm, zs_hbm, zeros_hbm,
           cnt_hbm, sx_hbm, sy_hbm, sz_hbm,
           idx_v, fld_v, gbuf_v, c0, c1, c2, c3):
        sid = lax.axis_index("s")
        zbase = sid * _LPT
        canvases = (c0, c1, c2, c3)
        srcs = (ones_hbm, xs_hbm, ys_hbm, zs_hbm)
        outs = (cnt_hbm, sx_hbm, sy_hbm, sz_hbm)
        rem = _LPT - _PPT
        pltpu.sync_copy(zeros_hbm.at[pl.ds(0, _PPT)], gbuf_v)
        for c in canvases:
            pltpu.sync_copy(gbuf_v, c.at[pl.ds(zbase, _PPT)])
            pltpu.sync_copy(gbuf_v.at[pl.ds(0, rem)], c.at[pl.ds(zbase + _PPT, rem)])
        plsc.subcore_barrier()
        base = sid * _PPT
        pltpu.sync_copy(flat_hbm.at[pl.ds(base, _PPT)], idx_v)
        for c, s in zip(canvases, srcs):
            pltpu.sync_copy(s.at[pl.ds(base, _PPT)], fld_v)
            pltpu.sync_copy(fld_v, c.at[idx_v], add=True)
        plsc.subcore_barrier()
        for c, o in zip(canvases, outs):
            pltpu.sync_copy(c.at[idx_v], gbuf_v)
            pltpu.sync_copy(gbuf_v, o.at[pl.ds(base, _PPT)])

    return ka(flat, ones, xs, ys, zs, zeros)


def _vfe1_body(pts_ref, vm_ref, w_ref, h_ref, stats_ref, acc_ref):
    @pl.when(pl.program_id(0) == 0)
    def _init():
        acc_ref[...] = jnp.zeros_like(acc_ref)

    pts = pts_ref[...]
    x = pts[:, 1:2]
    y = pts[:, 2:3]
    z = pts[:, 3:4]
    cxf = jnp.clip(jnp.floor((x - PCR[0]) / VX), 0.0, CX - 1)
    cyf = jnp.clip(jnp.floor((y - PCR[1]) / VY), 0.0, CY - 1)
    czf = jnp.clip(jnp.floor((z - PCR[2]) / VZ), 0.0, CZ - 1)
    vm = vm_ref[...]
    cnt = jnp.maximum(vm[:, 0:1], 1.0)
    vmean = vm[:, 1:4] / cnt
    xyz = pts[:, 1:4]
    f_cluster = xyz - vmean
    f_center = jnp.concatenate(
        [x - (cxf * VX + X_OFF), y - (cyf * VY + Y_OFF), z - (czf * VZ + Z_OFF)],
        axis=1,
    )
    features = jnp.concatenate([pts[:, 1:5], f_cluster, f_center], axis=1)
    h = jnp.dot(features, w_ref[...], preferred_element_type=jnp.float32)
    h_ref[...] = h
    s1 = jnp.sum(h, axis=0, keepdims=True)
    s2 = jnp.sum(h * h, axis=0, keepdims=True)
    acc_ref[...] += jnp.concatenate([s1, s2], axis=0)
    stats_ref[...] = acc_ref[...]


def _vfe1(points, vm, W1):
    return pl.pallas_call(
        _vfe1_body,
        grid=(GRID,),
        in_specs=[
            pl.BlockSpec((BLK, 5), lambda i: (i, 0)),
            pl.BlockSpec((BLK, 4), lambda i: (i, 0)),
            pl.BlockSpec((10, C1), lambda i: (0, 0)),
        ],
        out_specs=[
            pl.BlockSpec((BLK, C1), lambda i: (i, 0)),
            pl.BlockSpec((2, C1), lambda i: (0, 0)),
        ],
        out_shape=[
            jax.ShapeDtypeStruct((N, C1), jnp.float32),
            jax.ShapeDtypeStruct((2, C1), jnp.float32),
        ],
        scratch_shapes=[pltpu.VMEM((2, C1), jnp.float32)],
    )(points, vm, W1)


def _affine_relu_body(h_ref, stats_ref, g_ref, b_ref, out_ref):
    stats = stats_ref[...]
    m = stats[0:1, :] / N
    v = stats[1:2, :] / N - m * m
    scale = g_ref[...][None, :] * jax.lax.rsqrt(v + 1e-3)
    shift = b_ref[...][None, :] - m * scale
    out_ref[...] = jnp.maximum(h_ref[...] * scale + shift, 0.0)


def _affine_relu(h, stats, g, b, C):
    return pl.pallas_call(
        _affine_relu_body,
        grid=(GRID,),
        in_specs=[
            pl.BlockSpec((BLK, C), lambda i: (i, 0)),
            pl.BlockSpec((2, C), lambda i: (0, 0)),
            pl.BlockSpec((C,), lambda i: (0,)),
            pl.BlockSpec((C,), lambda i: (0,)),
        ],
        out_specs=pl.BlockSpec((BLK, C), lambda i: (i, 0)),
        out_shape=jax.ShapeDtypeStruct((N, C), jnp.float32),
    )(h, stats, g, b)


def _vfe2_body(p1_ref, v1g_ref, w_ref, h_ref, stats_ref, acc_ref):
    @pl.when(pl.program_id(0) == 0)
    def _init():
        acc_ref[...] = jnp.zeros_like(acc_ref)

    f2 = jnp.concatenate([p1_ref[...], v1g_ref[...]], axis=1)
    h = jnp.dot(f2, w_ref[...], preferred_element_type=jnp.float32)
    h_ref[...] = h
    s1 = jnp.sum(h, axis=0, keepdims=True)
    s2 = jnp.sum(h * h, axis=0, keepdims=True)
    acc_ref[...] += jnp.concatenate([s1, s2], axis=0)
    stats_ref[...] = acc_ref[...]


def _vfe2(p1, v1g, W2):
    return pl.pallas_call(
        _vfe2_body,
        grid=(GRID,),
        in_specs=[
            pl.BlockSpec((BLK, C1), lambda i: (i, 0)),
            pl.BlockSpec((BLK, C1), lambda i: (i, 0)),
            pl.BlockSpec((2 * C1, C2), lambda i: (0, 0)),
        ],
        out_specs=[
            pl.BlockSpec((BLK, C2), lambda i: (i, 0)),
            pl.BlockSpec((2, C2), lambda i: (0, 0)),
        ],
        out_shape=[
            jax.ShapeDtypeStruct((N, C2), jnp.float32),
            jax.ShapeDtypeStruct((2, C2), jnp.float32),
        ],
        scratch_shapes=[pltpu.VMEM((2, C2), jnp.float32)],
    )(p1, v1g, W2)


def kernel(points, W1, g1, b1, W2, g2, b2, batch_size):
    del batch_size
    flat2d, _vals = _voxelize(points)
    flat = flat2d[:, 0]
    cnt_g, sx_g, sy_g, sz_g = _scatter_mean_sc(
        flat, jnp.ones((N,), jnp.float32), points[:, 1], points[:, 2], points[:, 3],
        jnp.zeros((L,), jnp.float32))
    vm = jnp.stack([cnt_g, sx_g, sy_g, sz_g], axis=1)
    h1, stats1 = _vfe1(points, vm, W1)
    p1 = _affine_relu(h1, stats1, g1, b1, C1)
    v1 = jnp.maximum(jax.ops.segment_max(p1, flat, num_segments=L), 0.0)
    v1g = v1[flat]
    h2, stats2 = _vfe2(p1, v1g, W2)
    p2 = _affine_relu(h2, stats2, g2, b2, C2)
    return jnp.maximum(jax.ops.segment_max(p2, flat, num_segments=L), 0.0)

# --- scband reference (transcript-rebuilt; emitter-appended) ---
"""Pipeline reference for scband-dynamic-vfe-13254269075962 (READ-ONLY COPY).

The authoritative reference and input builder live on the scoring server;
editing this copy changes nothing except your own understanding.
"""

import jax, jax.numpy as jnp
import numpy as np

VX, VY, VZ = 0.2, 0.2, 4.0
PCR = (0.0, -40.0, -3.0, 70.4, 40.0, 1.0)
CZ, CY, CX = 1, 400, 352  # round((1+3+0.1)/4), round(80/0.2), round(70.4/0.2)
B = 2
N = 262144
C1, C2 = 64, 128
X_OFF = VX / 2 + PCR[0]
Y_OFF = VY / 2 + PCR[1]
Z_OFF = VZ / 2 + PCR[2]


def setup_inputs(seed: int = 0) -> dict:
    key = jax.random.key(seed)
    ks = jax.random.split(key, 8)
    u = jax.random.uniform(ks[0], (N, 4), dtype=jnp.float32)
    x = u[:, 0] * (PCR[3] - PCR[0]) + PCR[0]
    y = u[:, 1] * (PCR[4] - PCR[1]) + PCR[1]
    z = u[:, 2] * (PCR[5] - PCR[2]) + PCR[2]
    inten = u[:, 3]
    bidx = jnp.repeat(jnp.arange(B, dtype=jnp.float32), N // B)
    points = jnp.stack([bidx, x, y, z, inten], axis=1)
    W1 = jax.random.normal(ks[1], (10, C1), dtype=jnp.float32) * 0.1
    g1 = jnp.ones((C1,), dtype=jnp.float32)
    b1 = jnp.zeros((C1,), dtype=jnp.float32)
    W2 = jax.random.normal(ks[2], (2 * C1, C2), dtype=jnp.float32) * 0.1
    g2 = jnp.ones((C2,), dtype=jnp.float32)
    b2 = jnp.zeros((C2,), dtype=jnp.float32)
    return {"points": points, "W1": W1, "g1": g1, "b1": b1, "W2": W2, "g2": g2, "b2": b2, "batch_size": B}


def _bn_relu(h, g, b):
    m = jnp.mean(h, axis=0)
    v = jnp.var(h, axis=0)
    return jax.nn.relu((h - m) / jnp.sqrt(v + 1e-3) * g + b)


def reference(points, W1, g1, b1, W2, g2, b2, batch_size=B):
    bidx = points[:, 0].astype(jnp.int32)
    feats = points[:, 1:5]
    xyz = points[:, 1:4]
    cx = jnp.clip(jnp.floor((points[:, 1] - PCR[0]) / VX).astype(jnp.int32), 0, CX - 1)
    cy = jnp.clip(jnp.floor((points[:, 2] - PCR[1]) / VY).astype(jnp.int32), 0, CY - 1)
    cz = jnp.clip(jnp.floor((points[:, 3] - PCR[2]) / VZ).astype(jnp.int32), 0, CZ - 1)
    flat = ((bidx * CZ + cz) * CY + cy) * CX + cx
    L = B * CZ * CY * CX
    ones = jnp.ones((points.shape[0],), dtype=jnp.float32)
    cnt = jax.ops.segment_sum(ones, flat, num_segments=L)
    # cluster_scatter (average) -> map voxel mean back to each point
    sums = jax.ops.segment_sum(xyz, flat, num_segments=L)
    vmean = sums / jnp.maximum(cnt, 1.0)[:, None]
    points_mean = vmean[flat]
    f_cluster = xyz - points_mean
    # voxel-center offsets
    f_center = jnp.stack([
        points[:, 1] - (cx.astype(jnp.float32) * VX + X_OFF),
        points[:, 2] - (cy.astype(jnp.float32) * VY + Y_OFF),
        points[:, 3] - (cz.astype(jnp.float32) * VZ + Z_OFF),
    ], axis=1)
    features = jnp.concatenate([feats, f_cluster, f_center], axis=1)  # [N, 10]
    # VFE layer 1 + scatter-max + map back
    p1 = _bn_relu(features @ W1, g1, b1)
    v1 = jax.ops.segment_max(p1, flat, num_segments=L)
    v1 = jnp.where(cnt[:, None] > 0, v1, 0.0)
    features2 = jnp.concatenate([p1, v1[flat]], axis=1)  # [N, 128]
    # VFE layer 2 + final scatter-max
    p2 = _bn_relu(features2 @ W2, g2, b2)
    v2 = jax.ops.segment_max(p2, flat, num_segments=L)
    voxel_feats = jnp.where(cnt[:, None] > 0, v2, 0.0)
    return voxel_feats


if False:  # reference __main__ guard neutralized (emitter)
    out = reference(**setup_inputs())
    print(out.shape)

if __name__ == "__main__":
    import jax
    _d = setup_inputs()
    print(jax.jit(kernel)(*tuple(_d.values())))

</pallas_src>

<mosaic_0001>
#map = affine_map<(d0, d1) -> (0)>
module attributes {stable_mosaic.version = 14 : i64} {
  func.func @ka(%arg0: i32, %arg1: i32, %arg2: memref<262144xi32, #tpu.memory_space<hbm>>, %arg3: memref<262144xf32, #tpu.memory_space<hbm>>, %arg4: memref<262144xf32, #tpu.memory_space<hbm>>, %arg5: memref<262144xf32, #tpu.memory_space<hbm>>, %arg6: memref<262144xf32, #tpu.memory_space<hbm>>, %arg7: memref<281600xf32, #tpu.memory_space<hbm>>, %arg8: memref<262144xf32, #tpu.memory_space<hbm>>, %arg9: memref<262144xf32, #tpu.memory_space<hbm>>, %arg10: memref<262144xf32, #tpu.memory_space<hbm>>, %arg11: memref<262144xf32, #tpu.memory_space<hbm>>, %arg12: memref<16384xi32, #tpu.memory_space<vmem>>, %arg13: memref<16384xf32, #tpu.memory_space<vmem>>, %arg14: memref<16384xf32, #tpu.memory_space<vmem>>, %arg15: memref<281600xf32, #tpu.memory_space<vmem_shared>>, %arg16: memref<281600xf32, #tpu.memory_space<vmem_shared>>, %arg17: memref<281600xf32, #tpu.memory_space<vmem_shared>>, %arg18: memref<281600xf32, #tpu.memory_space<vmem_shared>>) attributes {dimension_semantics = [#tpu.dimension_semantics<core_parallel>, #tpu.dimension_semantics<subcore_parallel>], iteration_bounds = array<i64: 1, 16>, scalar_prefetch = 0 : i64, scratch_operands = 7 : i64, tpu.core_type = #tpu.core_type<sc_vector_subcore>, window_params = [{transform_indices = #map}, {transform_indices = #map}, {transform_indices = #map}, {transform_indices = #map}, {transform_indices = #map}, {transform_indices = #map}, {transform_indices = #map}, {transform_indices = #map}, {transform_indices = #map}, {transform_indices = #map}]} {
    %mul3A = arith.constant 17600 : i32
    %mul3A_0 = arith.muli %arg1, %mul3A : i32
    "tpu.region"() ({
      %run_scoped3A = tpu.sem_alloc : memref<!tpu.dma_semaphore, #tpu.memory_space<semaphore_mem>>
      %dma_start3A = arith.constant 0 : i32
      %dma_start3A_11 = tpu.memref_slice %arg7[%dma_start3A] : memref<281600xf32, #tpu.memory_space<hbm>> -> memref<16384xf32, #tpu.memory_space<hbm>>
      %dma_start3A_12 = arith.constant 0 : i32
      %dma_start3A_13 = tpu.memref_slice %arg7[%dma_start3A_12] : memref<281600xf32, #tpu.memory_space<hbm>> -> memref<16384xf32, #tpu.memory_space<hbm>>
      tpu.enqueue_dma source(%dma_start3A_13 : memref<16384xf32, #tpu.memory_space<hbm>>) target(%arg14 : memref<16384xf32, #tpu.memory_space<vmem>>) target_semaphore(%run_scoped3A : memref<!tpu.dma_semaphore, #tpu.memory_space<semaphore_mem>>)
      %dma_wait3A = arith.constant 0 : i32
      %dma_wait3A_14 = tpu.memref_slice %arg7[%dma_wait3A] : memref<281600xf32, #tpu.memory_space<hbm>> -> memref<16384xf32, #tpu.memory_space<hbm>>
      %dma_wait3A_15 = arith.constant 0 : i32
      %dma_wait3A_16 = tpu.memref_slice %arg7[%dma_wait3A_15] : memref<281600xf32, #tpu.memory_space<hbm>> -> memref<16384xf32, #tpu.memory_space<hbm>>
      tpu.wait_dma2 semaphore(%run_scoped3A : memref<!tpu.dma_semaphore, #tpu.memory_space<semaphore_mem>>) src(%dma_wait3A_16 : memref<16384xf32, #tpu.memory_space<hbm>>) dst(%arg14 : memref<16384xf32, #tpu.memory_space<vmem>>)
      tpu.yield
    }) : () -> ()
    "tpu.region"() ({
      %run_scoped3A = tpu.sem_alloc : memref<!tpu.dma_semaphore, #tpu.memory_space<semaphore_mem>>
      %dma_start3A = tpu.memref_slice %arg15[%mul3A_0] : memref<281600xf32, #tpu.memory_space<vmem_shared>> -> memref<16384xf32, #tpu.memory_space<vmem_shared>>
      %dma_start3A_11 = tpu.memref_slice %arg15[%mul3A_0] : memref<281600xf32, #tpu.memory_space<vmem_shared>> -> memref<16384xf32, #tpu.memory_space<vmem_shared>>
      tpu.enqueue_dma source(%arg14 : memref<16384xf32, #tpu.memory_space<vmem>>) target(%dma_start3A_11 : memref<16384xf32, #tpu.memory_space<vmem_shared>>) target_semaphore(%run_scoped3A : memref<!tpu.dma_semaphore, #tpu.memory_space<semaphore_mem>>)
      %dma_wait3A = tpu.memref_slice %arg15[%mul3A_0] : memref<281600xf32, #tpu.memory_space<vmem_shared>> -> memref<16384xf32, #tpu.memory_space<vmem_shared>>
      %dma_wait3A_12 = tpu.memref_slice %arg15[%mul3A_0] : memref<281600xf32, #tpu.memory_space<vmem_shared>> -> memref<16384xf32, #tpu.memory_space<vmem_shared>>
      tpu.wait_dma2 semaphore(%run_scoped3A : memref<!tpu.dma_semaphore, #tpu.memory_space<semaphore_mem>>) src(%arg14 : memref<16384xf32, #tpu.memory_space<vmem>>) dst(%dma_wait3A_12 : memref<16384xf32, #tpu.memory_space<vmem_shared>>)
      tpu.yield
    }) : () -> ()
    %add3A = arith.constant 16384 : i32
    %add3A_1 = arith.addi %mul3A_0, %add3A : i32
    "tpu.region"() ({
      %run_scoped3A = tpu.sem_alloc : memref<!tpu.dma_semaphore, #tpu.memory_space<semaphore_mem>>
      %dma_start3A = arith.constant 0 : i32
      %dma_start3A_11 = tpu.memref_slice %arg14[%dma_start3A] : memref<16384xf32, #tpu.memory_space<vmem>> -> memref<1216xf32, #tpu.memory_space<vmem>>
      %dma_start3A_12 = tpu.memref_slice %arg15[%add3A_1] : memref<281600xf32, #tpu.memory_space<vmem_shared>> -> memref<1216xf32, #tpu.memory_space<vmem_shared>>
      %dma_start3A_13 = tpu.memref_slice %arg15[%add3A_1] : memref<281600xf32, #tpu.memory_space<vmem_shared>> -> memref<1216xf32, #tpu.memory_space<vmem_shared>>
      %dma_start3A_14 = arith.constant 0 : i32
      %dma_start3A_15 = tpu.memref_slice %arg14[%dma_start3A_14] : memref<16384xf32, #tpu.memory_space<vmem>> -> memref<1216xf32, #tpu.memory_space<vmem>>
      tpu.enqueue_dma source(%dma_start3A_15 : memref<1216xf32, #tpu.memory_space<vmem>>) target(%dma_start3A_13 : memref<1216xf32, #tpu.memory_space<vmem_shared>>) target_semaphore(%run_scoped3A : memref<!tpu.dma_semaphore, #tpu.memory_space<semaphore_mem>>)
      %dma_wait3A = arith.constant 0 : i32
      %dma_wait3A_16 = tpu.memref_slice %arg14[%dma_wait3A] : memref<16384xf32, #tpu.memory_space<vmem>> -> memref<1216xf32, #tpu.memory_space<vmem>>
      %dma_wait3A_17 = tpu.memref_slice %arg15[%add3A_1] : memref<281600xf32, #tpu.memory_space<vmem_shared>> -> memref<1216xf32, #tpu.memory_space<vmem_shared>>
      %dma_wait3A_18 = tpu.memref_slice %arg15[%add3A_1] : memref<281600xf32, #tpu.memory_space<vmem_shared>> -> memref<1216xf32, #tpu.memory_space<vmem_shared>>
      %dma_wait3A_19 = arith.constant 0 : i32
      %dma_wait3A_20 = tpu.memref_slice %arg14[%dma_wait3A_19] : memref<16384xf32, #tpu.memory_space<vmem>> -> memref<1216xf32, #tpu.memory_space<vmem>>
      tpu.wait_dma2 semaphore(%run_scoped3A : memref<!tpu.dma_semaphore, #tpu.memory_space<semaphore_mem>>) src(%dma_wait3A_20 : memref<1216xf32, #tpu.memory_space<vmem>>) dst(%dma_wait3A_18 : memref<1216xf32, #tpu.memory_space<vmem_shared>>)
      tpu.yield
    }) : () -> ()
    "tpu.region"() ({
      %run_scoped3A = tpu.sem_alloc : memref<!tpu.dma_semaphore, #tpu.memory_space<semaphore_mem>>
      %dma_start3A = tpu.memref_slice %arg16[%mul3A_0] : memref<281600xf32, #tpu.memory_space<vmem_shared>> -> memref<16384xf32, #tpu.memory_space<vmem_shared>>
      %dma_start3A_11 = tpu.memref_slice %arg16[%mul3A_0] : memref<281600xf32, #tpu.memory_space<vmem_shared>> -> memref<16384xf32, #tpu.memory_space<vmem_shared>>
      tpu.enqueue_dma source(%arg14 : memref<16384xf32, #tpu.memory_space<vmem>>) target(%dma_start3A_11 : memref<16384xf32, #tpu.memory_space<vmem_shared>>) target_semaphore(%run_scoped3A : memref<!tpu.dma_semaphore, #tpu.memory_space<semaphore_mem>>)
      %dma_wait3A = tpu.memref_slice %arg16[%mul3A_0] : memref<281600xf32, #tpu.memory_space<vmem_shared>> -> memref<16384xf32, #tpu.memory_space<vmem_shared>>
      %dma_wait3A_12 = tpu.memref_slice %arg16[%mul3A_0] : memref<281600xf32, #tpu.memory_space<vmem_shared>> -> memref<16384xf32, #tpu.memory_space<vmem_shared>>
      tpu.wait_dma2 semaphore(%run_scoped3A : memref<!tpu.dma_semaphore, #tpu.memory_space<semaphore_mem>>) src(%arg14 : memref<16384xf32, #tpu.memory_space<vmem>>) dst(%dma_wait3A_12 : memref<16384xf32, #tpu.memory_space<vmem_shared>>)
      tpu.yield
    }) : () -> ()
    %add3A_2 = arith.constant 16384 : i32
    %add3A_3 = arith.addi %mul3A_0, %add3A_2 : i32
    "tpu.region"() ({
      %run_scoped3A = tpu.sem_alloc : memref<!tpu.dma_semaphore, #tpu.memory_space<semaphore_mem>>
      %dma_start3A = arith.constant 0 : i32
      %dma_start3A_11 = tpu.memref_slice %arg14[%dma_start3A] : memref<16384xf32, #tpu.memory_space<vmem>> -> memref<1216xf32, #tpu.memory_space<vmem>>
      %dma_start3A_12 = tpu.memref_slice %arg16[%add3A_3] : memref<281600xf32, #tpu.memory_space<vmem_shared>> -> memref<1216xf32, #tpu.memory_space<vmem_shared>>
      %dma_start3A_13 = tpu.memref_slice %arg16[%add3A_3] : memref<281600xf32, #tpu.memory_space<vmem_shared>> -> memref<1216xf32, #tpu.memory_space<vmem_shared>>
      %dma_start3A_14 = arith.constant 0 : i32
      %dma_start3A_15 = tpu.memref_slice %arg14[%dma_start3A_14] : memref<16384xf32, #tpu.memory_space<vmem>> -> memref<1216xf32, #tpu.memory_space<vmem>>
      tpu.enqueue_dma source(%dma_start3A_15 : memref<1216xf32, #tpu.memory_space<vmem>>) target(%dma_start3A_13 : memref<1216xf32, #tpu.memory_space<vmem_shared>>) target_semaphore(%run_scoped3A : memref<!tpu.dma_semaphore, #tpu.memory_space<semaphore_mem>>)
      %dma_wait3A = arith.constant 0 : i32
      %dma_wait3A_16 = tpu.memref_slice %arg14[%dma_wait3A] : memref<16384xf32, #tpu.memory_space<vmem>> -> memref<1216xf32, #tpu.memory_space<vmem>>
      %dma_wait3A_17 = tpu.memref_slice %arg16[%add3A_3] : memref<281600xf32, #tpu.memory_space<vmem_shared>> -> memref<1216xf32, #tpu.memory_space<vmem_shared>>
      %dma_wait3A_18 = tpu.memref_slice %arg16[%add3A_3] : memref<281600xf32, #tpu.memory_space<vmem_shared>> -> memref<1216xf32, #tpu.memory_space<vmem_shared>>
      %dma_wait3A_19 = arith.constant 0 : i32
      %dma_wait3A_20 = tpu.memref_slice %arg14[%dma_wait3A_19] : memref<16384xf32, #tpu.memory_space<vmem>> -> memref<1216xf32, #tpu.memory_space<vmem>>
      tpu.wait_dma2 semaphore(%run_scoped3A : memref<!tpu.dma_semaphore, #tpu.memory_space<semaphore_mem>>) src(%dma_wait3A_20 : memref<1216xf32, #tpu.memory_space<vmem>>) dst(%dma_wait3A_18 : memref<1216xf32, #tpu.memory_space<vmem_shared>>)
      tpu.yield
    }) : () -> ()
    "tpu.region"() ({
      %run_scoped3A = tpu.sem_alloc : memref<!tpu.dma_semaphore, #tpu.memory_space<semaphore_mem>>
      %dma_start3A = tpu.memref_slice %arg17[%mul3A_0] : memref<281600xf32, #tpu.memory_space<vmem_shared>> -> memref<16384xf32, #tpu.memory_space<vmem_shared>>
      %dma_start3A_11 = tpu.memref_slice %arg17[%mul3A_0] : memref<281600xf32, #tpu.memory_space<vmem_shared>> -> memref<16384xf32, #tpu.memory_space<vmem_shared>>
      tpu.enqueue_dma source(%arg14 : memref<16384xf32, #tpu.memory_space<vmem>>) target(%dma_start3A_11 : memref<16384xf32, #tpu.memory_space<vmem_shared>>) target_semaphore(%run_scoped3A : memref<!tpu.dma_semaphore, #tpu.memory_space<semaphore_mem>>)
      %dma_wait3A = tpu.memref_slice %arg17[%mul3A_0] : memref<281600xf32, #tpu.memory_space<vmem_shared>> -> memref<16384xf32, #tpu.memory_space<vmem_shared>>
      %dma_wait3A_12 = tpu.memref_slice %arg17[%mul3A_0] : memref<281600xf32, #tpu.memory_space<vmem_shared>> -> memref<16384xf32, #tpu.memory_space<vmem_shared>>
      tpu.wait_dma2 semaphore(%run_scoped3A : memref<!tpu.dma_semaphore, #tpu.memory_space<semaphore_mem>>) src(%arg14 : memref<16384xf32, #tpu.memory_space<vmem>>) dst(%dma_wait3A_12 : memref<16384xf32, #tpu.memory_space<vmem_shared>>)
      tpu.yield
    }) : () -> ()
    %add3A_4 = arith.constant 16384 : i32
    %add3A_5 = arith.addi %mul3A_0, %add3A_4 : i32
    "tpu.region"() ({
      %run_scoped3A = tpu.sem_alloc : memref<!tpu.dma_semaphore, #tpu.memory_space<semaphore_mem>>
      %dma_start3A = arith.constant 0 : i32
      %dma_start3A_11 = tpu.memref_slice %arg14[%dma_start3A] : memref<16384xf32, #tpu.memory_space<vmem>> -> memref<1216xf32, #tpu.memory_space<vmem>>
      %dma_start3A_12 = tpu.memref_slice %arg17[%add3A_5] : memref<281600xf32, #tpu.memory_space<vmem_shared>> -> memref<1216xf32, #tpu.memory_space<vmem_shared>>
      %dma_start3A_13 = tpu.memref_slice %arg17[%add3A_5] : memref<281600xf32, #tpu.memory_space<vmem_shared>> -> memref<1216xf32, #tpu.memory_space<vmem_shared>>
      %dma_start3A_14 = arith.constant 0 : i32
      %dma_start3A_15 = tpu.memref_slice %arg14[%dma_start3A_14] : memref<16384xf32, #tpu.memory_space<vmem>> -> memref<1216xf32, #tpu.memory_space<vmem>>
      tpu.enqueue_dma source(%dma_start3A_15 : memref<1216xf32, #tpu.memory_space<vmem>>) target(%dma_start3A_13 : memref<1216xf32, #tpu.memory_space<vmem_shared>>) target_semaphore(%run_scoped3A : memref<!tpu.dma_semaphore, #tpu.memory_space<semaphore_mem>>)
      %dma_wait3A = arith.constant 0 : i32
      %dma_wait3A_16 = tpu.memref_slice %arg14[%dma_wait3A] : memref<16384xf32, #tpu.memory_space<vmem>> -> memref<1216xf32, #tpu.memory_space<vmem>>
      %dma_wait3A_17 = tpu.memref_slice %arg17[%add3A_5] : memref<281600xf32, #tpu.memory_space<vmem_shared>> -> memref<1216xf32, #tpu.memory_space<vmem_shared>>
      %dma_wait3A_18 = tpu.memref_slice %arg17[%add3A_5] : memref<281600xf32, #tpu.memory_space<vmem_shared>> -> memref<1216xf32, #tpu.memory_space<vmem_shared>>
      %dma_wait3A_19 = arith.constant 0 : i32
      %dma_wait3A_20 = tpu.memref_slice %arg14[%dma_wait3A_19] : memref<16384xf32, #tpu.memory_space<vmem>> -> memref<1216xf32, #tpu.memory_space<vmem>>
      tpu.wait_dma2 semaphore(%run_scoped3A : memref<!tpu.dma_semaphore, #tpu.memory_space<semaphore_mem>>) src(%dma_wait3A_20 : memref<1216xf32, #tpu.memory_space<vmem>>) dst(%dma_wait3A_18 : memref<1216xf32, #tpu.memory_space<vmem_shared>>)
      tpu.yield
    }) : () -> ()
    "tpu.region"() ({
      %run_scoped3A = tpu.sem_alloc : memref<!tpu.dma_semaphore, #tpu.memory_space<semaphore_mem>>
      %dma_start3A = tpu.memref_slice %arg18[%mul3A_0] : memref<281600xf32, #tpu.memory_space<vmem_shared>> -> memref<16384xf32, #tpu.memory_space<vmem_shared>>
      %dma_start3A_11 = tpu.memref_slice %arg18[%mul3A_0] : memref<281600xf32, #tpu.memory_space<vmem_shared>> -> memref<16384xf32, #tpu.memory_space<vmem_shared>>
      tpu.enqueue_dma source(%arg14 : memref<16384xf32, #tpu.memory_space<vmem>>) target(%dma_start3A_11 : memref<16384xf32, #tpu.memory_space<vmem_shared>>) target_semaphore(%run_scoped3A : memref<!tpu.dma_semaphore, #tpu.memory_space<semaphore_mem>>)
      %dma_wait3A = tpu.memref_slice %arg18[%mul3A_0] : memref<281600xf32, #tpu.memory_space<vmem_shared>> -> memref<16384xf32, #tpu.memory_space<vmem_shared>>
      %dma_wait3A_12 = tpu.memref_slice %arg18[%mul3A_0] : memref<281600xf32, #tpu.memory_space<vmem_shared>> -> memref<16384xf32, #tpu.memory_space<vmem_shared>>
      tpu.wait_dma2 semaphore(%run_scoped3A : memref<!tpu.dma_semaphore, #tpu.memory_space<semaphore_mem>>) src(%arg14 : memref<16384xf32, #tpu.memory_space<vmem>>) dst(%dma_wait3A_12 : memref<16384xf32, #tpu.memory_space<vmem_shared>>)
      tpu.yield
    }) : () -> ()
    %add3A_6 = arith.constant 16384 : i32
    %add3A_7 = arith.addi %mul3A_0, %add3A_6 : i32
    "tpu.region"() ({
      %run_scoped3A = tpu.sem_alloc : memref<!tpu.dma_semaphore, #tpu.memory_space<semaphore_mem>>
      %dma_start3A = arith.constant 0 : i32
      %dma_start3A_11 = tpu.memref_slice %arg14[%dma_start3A] : memref<16384xf32, #tpu.memory_space<vmem>> -> memref<1216xf32, #tpu.memory_space<vmem>>
      %dma_start3A_12 = tpu.memref_slice %arg18[%add3A_7] : memref<281600xf32, #tpu.memory_space<vmem_shared>> -> memref<1216xf32, #tpu.memory_space<vmem_shared>>
      %dma_start3A_13 = tpu.memref_slice %arg18[%add3A_7] : memref<281600xf32, #tpu.memory_space<vmem_shared>> -> memref<1216xf32, #tpu.memory_space<vmem_shared>>
      %dma_start3A_14 = arith.constant 0 : i32
      %dma_start3A_15 = tpu.memref_slice %arg14[%dma_start3A_14] : memref<16384xf32, #tpu.memory_space<vmem>> -> memref<1216xf32, #tpu.memory_space<vmem>>
      tpu.enqueue_dma source(%dma_start3A_15 : memref<1216xf32, #tpu.memory_space<vmem>>) target(%dma_start3A_13 : memref<1216xf32, #tpu.memory_space<vmem_shared>>) target_semaphore(%run_scoped3A : memref<!tpu.dma_semaphore, #tpu.memory_space<semaphore_mem>>)
      %dma_wait3A = arith.constant 0 : i32
      %dma_wait3A_16 = tpu.memref_slice %arg14[%dma_wait3A] : memref<16384xf32, #tpu.memory_space<vmem>> -> memref<1216xf32, #tpu.memory_space<vmem>>
      %dma_wait3A_17 = tpu.memref_slice %arg18[%add3A_7] : memref<281600xf32, #tpu.memory_space<vmem_shared>> -> memref<1216xf32, #tpu.memory_space<vmem_shared>>
      %dma_wait3A_18 = tpu.memref_slice %arg18[%add3A_7] : memref<281600xf32, #tpu.memory_space<vmem_shared>> -> memref<1216xf32, #tpu.memory_space<vmem_shared>>
      %dma_wait3A_19 = arith.constant 0 : i32
      %dma_wait3A_20 = tpu.memref_slice %arg14[%dma_wait3A_19] : memref<16384xf32, #tpu.memory_space<vmem>> -> memref<1216xf32, #tpu.memory_space<vmem>>
      tpu.wait_dma2 semaphore(%run_scoped3A : memref<!tpu.dma_semaphore, #tpu.memory_space<semaphore_mem>>) src(%dma_wait3A_20 : memref<1216xf32, #tpu.memory_space<vmem>>) dst(%dma_wait3A_18 : memref<1216xf32, #tpu.memory_space<vmem_shared>>)
      tpu.yield
    }) : () -> ()
    %barrier3A = arith.constant 0 : index
    tpu.barrier barrier_id(%barrier3A)
    %mul3A_8 = arith.constant 16384 : i32
    %mul3A_9 = arith.muli %arg1, %mul3A_8 : i32
    "tpu.region"() ({
      %run_scoped3A = tpu.sem_alloc : memref<!tpu.dma_semaphore, #tpu.memory_space<semaphore_mem>>
      %dma_start3A = tpu.memref_slice %arg2[%mul3A_9] : memref<262144xi32, #tpu.memory_space<hbm>> -> memref<16384xi32, #tpu.memory_space<hbm>>
      %dma_start3A_11 = tpu.memref_slice %arg2[%mul3A_9] : memref<262144xi32, #tpu.memory_space<hbm>> -> memref<16384xi32, #tpu.memory_space<hbm>>
      tpu.enqueue_dma source(%dma_start3A_11 : memref<16384xi32, #tpu.memory_space<hbm>>) target(%arg12 : memref<16384xi32, #tpu.memory_space<vmem>>) target_semaphore(%run_scoped3A : memref<!tpu.dma_semaphore, #tpu.memory_space<semaphore_mem>>)
      %dma_wait3A = tpu.memref_slice %arg2[%mul3A_9] : memref<262144xi32, #tpu.memory_space<hbm>> -> memref<16384xi32, #tpu.memory_space<hbm>>
      %dma_wait3A_12 = tpu.memref_slice %arg2[%mul3A_9] : memref<262144xi32, #tpu.memory_space<hbm>> -> memref<16384xi32, #tpu.memory_space<hbm>>
      tpu.wait_dma2 semaphore(%run_scoped3A : memref<!tpu.dma_semaphore, #tpu.memory_space<semaphore_mem>>) src(%dma_wait3A_12 : memref<16384xi32, #tpu.memory_space<hbm>>) dst(%arg12 : memref<16384xi32, #tpu.memory_space<vmem>>)
      tpu.yield
    }) : () -> ()
    "tpu.region"() ({
      %run_scoped3A = tpu.sem_alloc : memref<!tpu.dma_semaphore, #tpu.memory_space<semaphore_mem>>
      %dma_start3A = tpu.memref_slice %arg3[%mul3A_9] : memref<262144xf32, #tpu.memory_space<hbm>> -> memref<16384xf32, #tpu.memory_space<hbm>>
      %dma_start3A_11 = tpu.memref_slice %arg3[%mul3A_9] : memref<262144xf32, #tpu.memory_space<hbm>> -> memref<16384xf32, #tpu.memory_space<hbm>>
      tpu.enqueue_dma source(%dma_start3A_11 : memref<16384xf32, #tpu.memory_space<hbm>>) target(%arg13 : memref<16384xf32, #tpu.memory_space<vmem>>) target_semaphore(%run_scoped3A : memref<!tpu.dma_semaphore, #tpu.memory_space<semaphore_mem>>)
      %dma_wait3A = tpu.memref_slice %arg3[%mul3A_9] : memref<262144xf32, #tpu.memory_space<hbm>> -> memref<16384xf32, #tpu.memory_space<hbm>>
      %dma_wait3A_12 = tpu.memref_slice %arg3[%mul3A_9] : memref<262144xf32, #tpu.memory_space<hbm>> -> memref<16384xf32, #tpu.memory_space<hbm>>
      tpu.wait_dma2 semaphore(%run_scoped3A : memref<!tpu.dma_semaphore, #tpu.memory_space<semaphore_mem>>) src(%dma_wait3A_12 : memref<16384xf32, #tpu.memory_space<hbm>>) dst(%arg13 : memref<16384xf32, #tpu.memory_space<vmem>>)
      tpu.yield
    }) : () -> ()
    "tpu.region"() ({
      %run_scoped3A = tpu.sem_alloc : memref<!tpu.dma_semaphore, #tpu.memory_space<semaphore_mem>>
      %dma_start3A = arith.constant 0 : i32
      %dma_start3A_11 = tpu.memref_slice %arg15[%dma_start3A] : memref<281600xf32, #tpu.memory_space<vmem_shared>> -> memref<281600xf32, #tpu.memory_space<vmem_shared>>
      tpu.enqueue_indirect_dma source(%arg13 : memref<16384xf32, #tpu.memory_space<vmem>>) target(%dma_start3A_11 : memref<281600xf32, #tpu.memory_space<vmem_shared>>) offsets(%arg12 : memref<16384xi32, #tpu.memory_space<vmem>>) semaphore(%run_scoped3A : memref<!tpu.dma_semaphore, #tpu.memory_space<semaphore_mem>>) {add = true}
      %dma_wait3A = arith.constant 0 : i32
      %dma_wait3A_12 = tpu.memref_slice %arg15[%dma_wait3A] : memref<281600xf32, #tpu.memory_space<vmem_shared>> -> memref<281600xf32, #tpu.memory_space<vmem_shared>>
      tpu.wait_indirect_dma semaphore(%run_scoped3A : memref<!tpu.dma_semaphore, #tpu.memory_space<semaphore_mem>>) src(%arg13 : memref<16384xf32, #tpu.memory_space<vmem>>) dst(%dma_wait3A_12 : memref<281600xf32, #tpu.memory_space<vmem_shared>>)
      tpu.yield
    }) : () -> ()
    "tpu.region"() ({
      %run_scoped3A = tpu.sem_alloc : memref<!tpu.dma_semaphore, #tpu.memory_space<semaphore_mem>>
      %dma_start3A = tpu.memref_slice %arg4[%mul3A_9] : memref<262144xf32, #tpu.memory_space<hbm>> -> memref<16384xf32, #tpu.memory_space<hbm>>
      %dma_start3A_11 = tpu.memref_slice %arg4[%mul3A_9] : memref<262144xf32, #tpu.memory_space<hbm>> -> memref<16384xf32, #tpu.memory_space<hbm>>
      tpu.enqueue_dma source(%dma_start3A_11 : memref<16384xf32, #tpu.memory_space<hbm>>) target(%arg13 : memref<16384xf32, #tpu.memory_space<vmem>>) target_semaphore(%run_scoped3A : memref<!tpu.dma_semaphore, #tpu.memory_space<semaphore_mem>>)
      %dma_wait3A = tpu.memref_slice %arg4[%mul3A_9] : memref<262144xf32, #tpu.memory_space<hbm>> -> memref<16384xf32, #tpu.memory_space<hbm>>
      %dma_wait3A_12 = tpu.memref_slice %arg4[%mul3A_9] : memref<262144xf32, #tpu.memory_space<hbm>> -> memref<16384xf32, #tpu.memory_space<hbm>>
      tpu.wait_dma2 semaphore(%run_scoped3A : memref<!tpu.dma_semaphore, #tpu.memory_space<semaphore_mem>>) src(%dma_wait3A_12 : memref<16384xf32, #tpu.memory_space<hbm>>) dst(%arg13 : memref<16384xf32, #tpu.memory_space<vmem>>)
      tpu.yield
    }) : () -> ()
    "tpu.region"() ({
      %run_scoped3A = tpu.sem_alloc : memref<!tpu.dma_semaphore, #tpu.memory_space<semaphore_mem>>
      %dma_start3A = arith.constant 0 : i32
      %dma_start3A_11 = tpu.memref_slice %arg16[%dma_start3A] : memref<281600xf32, #tpu.memory_space<vmem_shared>> -> memref<281600xf32, #tpu.memory_space<vmem_shared>>
      tpu.enqueue_indirect_dma source(%arg13 : memref<16384xf32, #tpu.memory_space<vmem>>) target(%dma_start3A_11 : memref<281600xf32, #tpu.memory_space<vmem_shared>>) offsets(%arg12 : memref<16384xi32, #tpu.memory_space<vmem>>) semaphore(%run_scoped3A : memref<!tpu.dma_semaphore, #tpu.memory_space<semaphore_mem>>) {add = true}
      %dma_wait3A = arith.constant 0 : i32
      %dma_wait3A_12 = tpu.memref_slice %arg16[%dma_wait3A] : memref<281600xf32, #tpu.memory_space<vmem_shared>> -> memref<281600xf32, #tpu.memory_space<vmem_shared>>
      tpu.wait_indirect_dma semaphore(%run_scoped3A : memref<!tpu.dma_semaphore, #tpu.memory_space<semaphore_mem>>) src(%arg13 : memref<16384xf32, #tpu.memory_space<vmem>>) dst(%dma_wait3A_12 : memref<281600xf32, #tpu.memory_space<vmem_shared>>)
      tpu.yield
    }) : () -> ()
    "tpu.region"() ({
      %run_scoped3A = tpu.sem_alloc : memref<!tpu.dma_semaphore, #tpu.memory_space<semaphore_mem>>
      %dma_start3A = tpu.memref_slice %arg5[%mul3A_9] : memref<262144xf32, #tpu.memory_space<hbm>> -> memref<16384xf32, #tpu.memory_space<hbm>>
      %dma_start3A_11 = tpu.memref_slice %arg5[%mul3A_9] : memref<262144xf32, #tpu.memory_space<hbm>> -> memref<16384xf32, #tpu.memory_space<hbm>>
      tpu.enqueue_dma source(%dma_start3A_11 : memref<16384xf32, #tpu.memory_space<hbm>>) target(%arg13 : memref<16384xf32, #tpu.memory_space<vmem>>) target_semaphore(%run_scoped3A : memref<!tpu.dma_semaphore, #tpu.memory_space<semaphore_mem>>)
      %dma_wait3A = tpu.memref_slice %arg5[%mul3A_9] : memref<262144xf32, #tpu.memory_space<hbm>> -> memref<16384xf32, #tpu.memory_space<hbm>>
      %dma_wait3A_12 = tpu.memref_slice %arg5[%mul3A_9] : memref<262144xf32, #tpu.memory_space<hbm>> -> memref<16384xf32, #tpu.memory_space<hbm>>
      tpu.wait_dma2 semaphore(%run_scoped3A : memref<!tpu.dma_semaphore, #tpu.memory_space<semaphore_mem>>) src(%dma_wait3A_12 : memref<16384xf32, #tpu.memory_space<hbm>>) dst(%arg13 : memref<16384xf32, #tpu.memory_space<vmem>>)
      tpu.yield
    }) : () -> ()
    "tpu.region"() ({
      %run_scoped3A = tpu.sem_alloc : memref<!tpu.dma_semaphore, #tpu.memory_space<semaphore_mem>>
      %dma_start3A = arith.constant 0 : i32
      %dma_start3A_11 = tpu.memref_slice %arg17[%dma_start3A] : memref<281600xf32, #tpu.memory_space<vmem_shared>> -> memref<281600xf32, #tpu.memory_space<vmem_shared>>
      tpu.enqueue_indirect_dma source(%arg13 : memref<16384xf32, #tpu.memory_space<vmem>>) target(%dma_start3A_11 : memref<281600xf32, #tpu.memory_space<vmem_shared>>) offsets(%arg12 : memref<16384xi32, #tpu.memory_space<vmem>>) semaphore(%run_scoped3A : memref<!tpu.dma_semaphore, #tpu.memory_space<semaphore_mem>>) {add = true}
      %dma_wait3A = arith.constant 0 : i32
      %dma_wait3A_12 = tpu.memref_slice %arg17[%dma_wait3A] : memref<281600xf32, #tpu.memory_space<vmem_shared>> -> memref<281600xf32, #tpu.memory_space<vmem_shared>>
      tpu.wait_indirect_dma semaphore(%run_scoped3A : memref<!tpu.dma_semaphore, #tpu.memory_space<semaphore_mem>>) src(%arg13 : memref<16384xf32, #tpu.memory_space<vmem>>) dst(%dma_wait3A_12 : memref<281600xf32, #tpu.memory_space<vmem_shared>>)
      tpu.yield
    }) : () -> ()
    "tpu.region"() ({
      %run_scoped3A = tpu.sem_alloc : memref<!tpu.dma_semaphore, #tpu.memory_space<semaphore_mem>>
      %dma_start3A = tpu.memref_slice %arg6[%mul3A_9] : memref<262144xf32, #tpu.memory_space<hbm>> -> memref<16384xf32, #tpu.memory_space<hbm>>
      %dma_start3A_11 = tpu.memref_slice %arg6[%mul3A_9] : memref<262144xf32, #tpu.memory_space<hbm>> -> memref<16384xf32, #tpu.memory_space<hbm>>
      tpu.enqueue_dma source(%dma_start3A_11 : memref<16384xf32, #tpu.memory_space<hbm>>) target(%arg13 : memref<16384xf32, #tpu.memory_space<vmem>>) target_semaphore(%run_scoped3A : memref<!tpu.dma_semaphore, #tpu.memory_space<semaphore_mem>>)
      %dma_wait3A = tpu.memref_slice %arg6[%mul3A_9] : memref<262144xf32, #tpu.memory_space<hbm>> -> memref<16384xf32, #tpu.memory_space<hbm>>
      %dma_wait3A_12 = tpu.memref_slice %arg6[%mul3A_9] : memref<262144xf32, #tpu.memory_space<hbm>> -> memref<16384xf32, #tpu.memory_space<hbm>>
      tpu.wait_dma2 semaphore(%run_scoped3A : memref<!tpu.dma_semaphore, #tpu.memory_space<semaphore_mem>>) src(%dma_wait3A_12 : memref<16384xf32, #tpu.memory_space<hbm>>) dst(%arg13 : memref<16384xf32, #tpu.memory_space<vmem>>)
      tpu.yield
    }) : () -> ()
    "tpu.region"() ({
      %run_scoped3A = tpu.sem_alloc : memref<!tpu.dma_semaphore, #tpu.memory_space<semaphore_mem>>
      %dma_start3A = arith.constant 0 : i32
      %dma_start3A_11 = tpu.memref_slice %arg18[%dma_start3A] : memref<281600xf32, #tpu.memory_space<vmem_shared>> -> memref<281600xf32, #tpu.memory_space<vmem_shared>>
      tpu.enqueue_indirect_dma source(%arg13 : memref<16384xf32, #tpu.memory_space<vmem>>) target(%dma_start3A_11 : memref<281600xf32, #tpu.memory_space<vmem_shared>>) offsets(%arg12 : memref<16384xi32, #tpu.memory_space<vmem>>) semaphore(%run_scoped3A : memref<!tpu.dma_semaphore, #tpu.memory_space<semaphore_mem>>) {add = true}
      %dma_wait3A = arith.constant 0 : i32
      %dma_wait3A_12 = tpu.memref_slice %arg18[%dma_wait3A] : memref<281600xf32, #tpu.memory_space<vmem_shared>> -> memref<281600xf32, #tpu.memory_space<vmem_shared>>
      tpu.wait_indirect_dma semaphore(%run_scoped3A : memref<!tpu.dma_semaphore, #tpu.memory_space<semaphore_mem>>) src(%arg13 : memref<16384xf32, #tpu.memory_space<vmem>>) dst(%dma_wait3A_12 : memref<281600xf32, #tpu.memory_space<vmem_shared>>)
      tpu.yield
    }) : () -> ()
    %barrier3A_10 = arith.constant 0 : index
    tpu.barrier barrier_id(%barrier3A_10)
    "tpu.region"() ({
      %run_scoped3A = tpu.sem_alloc : memref<!tpu.dma_semaphore, #tpu.memory_space<semaphore_mem>>
      %dma_start3A = arith.constant 0 : i32
      %dma_start3A_11 = tpu.memref_slice %arg15[%dma_start3A] : memref<281600xf32, #tpu.memory_space<vmem_shared>> -> memref<281600xf32, #tpu.memory_space<vmem_shared>>
      tpu.enqueue_indirect_dma source(%dma_start3A_11 : memref<281600xf32, #tpu.memory_space<vmem_shared>>) target(%arg14 : memref<16384xf32, #tpu.memory_space<vmem>>) offsets(%arg12 : memref<16384xi32, #tpu.memory_space<vmem>>) semaphore(%run_scoped3A : memref<!tpu.dma_semaphore, #tpu.memory_space<semaphore_mem>>)
      %dma_wait3A = arith.constant 0 : i32
      %dma_wait3A_12 = tpu.memref_slice %arg15[%dma_wait3A] : memref<281600xf32, #tpu.memory_space<vmem_shared>> -> memref<281600xf32, #tpu.memory_space<vmem_shared>>
      tpu.wait_indirect_dma semaphore(%run_scoped3A : memref<!tpu.dma_semaphore, #tpu.memory_space<semaphore_mem>>) src(%dma_wait3A_12 : memref<281600xf32, #tpu.memory_space<vmem_shared>>) dst(%arg14 : memref<16384xf32, #tpu.memory_space<vmem>>)
      tpu.yield
    }) : () -> ()
    "tpu.region"() ({
      %run_scoped3A = tpu.sem_alloc : memref<!tpu.dma_semaphore, #tpu.memory_space<semaphore_mem>>
      %dma_start3A = tpu.memref_slice %arg8[%mul3A_9] : memref<262144xf32, #tpu.memory_space<hbm>> -> memref<16384xf32, #tpu.memory_space<hbm>>
      %dma_start3A_11 = tpu.memref_slice %arg8[%mul3A_9] : memref<262144xf32, #tpu.memory_space<hbm>> -> memref<16384xf32, #tpu.memory_space<hbm>>
      tpu.enqueue_dma source(%arg14 : memref<16384xf32, #tpu.memory_space<vmem>>) target(%dma_start3A_11 : memref<16384xf32, #tpu.memory_space<hbm>>) target_semaphore(%run_scoped3A : memref<!tpu.dma_semaphore, #tpu.memory_space<semaphore_mem>>)
      %dma_wait3A = tpu.memref_slice %arg8[%mul3A_9] : memref<262144xf32, #tpu.memory_space<hbm>> -> memref<16384xf32, #tpu.memory_space<hbm>>
      %dma_wait3A_12 = tpu.memref_slice %arg8[%mul3A_9] : memref<262144xf32, #tpu.memory_space<hbm>> -> memref<16384xf32, #tpu.memory_space<hbm>>
      tpu.wait_dma2 semaphore(%run_scoped3A : memref<!tpu.dma_semaphore, #tpu.memory_space<semaphore_mem>>) src(%arg14 : memref<16384xf32, #tpu.memory_space<vmem>>) dst(%dma_wait3A_12 : memref<16384xf32, #tpu.memory_space<hbm>>)
      tpu.yield
    }) : () -> ()
    "tpu.region"() ({
      %run_scoped3A = tpu.sem_alloc : memref<!tpu.dma_semaphore, #tpu.memory_space<semaphore_mem>>
      %dma_start3A = arith.constant 0 : i32
      %dma_start3A_11 = tpu.memref_slice %arg16[%dma_start3A] : memref<281600xf32, #tpu.memory_space<vmem_shared>> -> memref<281600xf32, #tpu.memory_space<vmem_shared>>
      tpu.enqueue_indirect_dma source(%dma_start3A_11 : memref<281600xf32, #tpu.memory_space<vmem_shared>>) target(%arg14 : memref<16384xf32, #tpu.memory_space<vmem>>) offsets(%arg12 : memref<16384xi32, #tpu.memory_space<vmem>>) semaphore(%run_scoped3A : memref<!tpu.dma_semaphore, #tpu.memory_space<semaphore_mem>>)
      %dma_wait3A = arith.constant 0 : i32
      %dma_wait3A_12 = tpu.memref_slice %arg16[%dma_wait3A] : memref<281600xf32, #tpu.memory_space<vmem_shared>> -> memref<281600xf32, #tpu.memory_space<vmem_shared>>
      tpu.wait_indirect_dma semaphore(%run_scoped3A : memref<!tpu.dma_semaphore, #tpu.memory_space<semaphore_mem>>) src(%dma_wait3A_12 : memref<281600xf32, #tpu.memory_space<vmem_shared>>) dst(%arg14 : memref<16384xf32, #tpu.memory_space<vmem>>)
      tpu.yield
    }) : () -> ()
    "tpu.region"() ({
      %run_scoped3A = tpu.sem_alloc : memref<!tpu.dma_semaphore, #tpu.memory_space<semaphore_mem>>
      %dma_start3A = tpu.memref_slice %arg9[%mul3A_9] : memref<262144xf32, #tpu.memory_space<hbm>> -> memref<16384xf32, #tpu.memory_space<hbm>>
      %dma_start3A_11 = tpu.memref_slice %arg9[%mul3A_9] : memref<262144xf32, #tpu.memory_space<hbm>> -> memref<16384xf32, #tpu.memory_space<hbm>>
      tpu.enqueue_dma source(%arg14 : memref<16384xf32, #tpu.memory_space<vmem>>) target(%dma_start3A_11 : memref<16384xf32, #tpu.memory_space<hbm>>) target_semaphore(%run_scoped3A : memref<!tpu.dma_semaphore, #tpu.memory_space<semaphore_mem>>)
      %dma_wait3A = tpu.memref_slice %arg9[%mul3A_9] : memref<262144xf32, #tpu.memory_space<hbm>> -> memref<16384xf32, #tpu.memory_space<hbm>>
      %dma_wait3A_12 = tpu.memref_slice %arg9[%mul3A_9] : memref<262144xf32, #tpu.memory_space<hbm>> -> memref<16384xf32, #tpu.memory_space<hbm>>
      tpu.wait_dma2 semaphore(%run_scoped3A : memref<!tpu.dma_semaphore, #tpu.memory_space<semaphore_mem>>) src(%arg14 : memref<16384xf32, #tpu.memory_space<vmem>>) dst(%dma_wait3A_12 : memref<16384xf32, #tpu.memory_space<hbm>>)
      tpu.yield
    }) : () -> ()
    "tpu.region"() ({
      %run_scoped3A = tpu.sem_alloc : memref<!tpu.dma_semaphore, #tpu.memory_space<semaphore_mem>>
      %dma_start3A = arith.constant 0 : i32
      %dma_start3A_11 = tpu.memref_slice %arg17[%dma_start3A] : memref<281600xf32, #tpu.memory_space<vmem_shared>> -> memref<281600xf32, #tpu.memory_space<vmem_shared>>
      tpu.enqueue_indirect_dma source(%dma_start3A_11 : memref<281600xf32, #tpu.memory_space<vmem_shared>>) target(%arg14 : memref<16384xf32, #tpu.memory_space<vmem>>) offsets(%arg12 : memref<16384xi32, #tpu.memory_space<vmem>>) semaphore(%run_scoped3A : memref<!tpu.dma_semaphore, #tpu.memory_space<semaphore_mem>>)
      %dma_wait3A = arith.constant 0 : i32
      %dma_wait3A_12 = tpu.memref_slice %arg17[%dma_wait3A] : memref<281600xf32, #tpu.memory_space<vmem_shared>> -> memref<281600xf32, #tpu.memory_space<vmem_shared>>
      tpu.wait_indirect_dma semaphore(%run_scoped3A : memref<!tpu.dma_semaphore, #tpu.memory_space<semaphore_mem>>) src(%dma_wait3A_12 : memref<281600xf32, #tpu.memory_space<vmem_shared>>) dst(%arg14 : memref<16384xf32, #tpu.memory_space<vmem>>)
      tpu.yield
    }) : () -> ()
    "tpu.region"() ({
      %run_scoped3A = tpu.sem_alloc : memref<!tpu.dma_semaphore, #tpu.memory_space<semaphore_mem>>
      %dma_start3A = tpu.memref_slice %arg10[%mul3A_9] : memref<262144xf32, #tpu.memory_space<hbm>> -> memref<16384xf32, #tpu.memory_space<hbm>>
      %dma_start3A_11 = tpu.memref_slice %arg10[%mul3A_9] : memref<262144xf32, #tpu.memory_space<hbm>> -> memref<16384xf32, #tpu.memory_space<hbm>>
      tpu.enqueue_dma source(%arg14 : memref<16384xf32, #tpu.memory_space<vmem>>) target(%dma_start3A_11 : memref<16384xf32, #tpu.memory_space<hbm>>) target_semaphore(%run_scoped3A : memref<!tpu.dma_semaphore, #tpu.memory_space<semaphore_mem>>)
      %dma_wait3A = tpu.memref_slice %arg10[%mul3A_9] : memref<262144xf32, #tpu.memory_space<hbm>> -> memref<16384xf32, #tpu.memory_space<hbm>>
      %dma_wait3A_12 = tpu.memref_slice %arg10[%mul3A_9] : memref<262144xf32, #tpu.memory_space<hbm>> -> memref<16384xf32, #tpu.memory_space<hbm>>
      tpu.wait_dma2 semaphore(%run_scoped3A : memref<!tpu.dma_semaphore, #tpu.memory_space<semaphore_mem>>) src(%arg14 : memref<16384xf32, #tpu.memory_space<vmem>>) dst(%dma_wait3A_12 : memref<16384xf32, #tpu.memory_space<hbm>>)
      tpu.yield
    }) : () -> ()
    "tpu.region"() ({
      %run_scoped3A = tpu.sem_alloc : memref<!tpu.dma_semaphore, #tpu.memory_space<semaphore_mem>>
      %dma_start3A = arith.constant 0 : i32
      %dma_start3A_11 = tpu.memref_slice %arg18[%dma_start3A] : memref<281600xf32, #tpu.memory_space<vmem_shared>> -> memref<281600xf32, #tpu.memory_space<vmem_shared>>
      tpu.enqueue_indirect_dma source(%dma_start3A_11 : memref<281600xf32, #tpu.memory_space<vmem_shared>>) target(%arg14 : memref<16384xf32, #tpu.memory_space<vmem>>) offsets(%arg12 : memref<16384xi32, #tpu.memory_space<vmem>>) semaphore(%run_scoped3A : memref<!tpu.dma_semaphore, #tpu.memory_space<semaphore_mem>>)
      %dma_wait3A = arith.constant 0 : i32
      %dma_wait3A_12 = tpu.memref_slice %arg18[%dma_wait3A] : memref<281600xf32, #tpu.memory_space<vmem_shared>> -> memref<281600xf32, #tpu.memory_space<vmem_shared>>
      tpu.wait_indirect_dma semaphore(%run_scoped3A : memref<!tpu.dma_semaphore, #tpu.memory_space<semaphore_mem>>) src(%dma_wait3A_12 : memref<281600xf32, #tpu.memory_space<vmem_shared>>) dst(%arg14 : memref<16384xf32, #tpu.memory_space<vmem>>)
      tpu.yield
    }) : () -> ()
    "tpu.region"() ({
      %run_scoped3A = tpu.sem_alloc : memref<!tpu.dma_semaphore, #tpu.memory_space<semaphore_mem>>
      %dma_start3A = tpu.memref_slice %arg11[%mul3A_9] : memref<262144xf32, #tpu.memory_space<hbm>> -> memref<16384xf32, #tpu.memory_space<hbm>>
      %dma_start3A_11 = tpu.memref_slice %arg11[%mul3A_9] : memref<262144xf32, #tpu.memory_space<hbm>> -> memref<16384xf32, #tpu.memory_space<hbm>>
      tpu.enqueue_dma source(%arg14 : memref<16384xf32, #tpu.memory_space<vmem>>) target(%dma_start3A_11 : memref<16384xf32, #tpu.memory_space<hbm>>) target_semaphore(%run_scoped3A : memref<!tpu.dma_semaphore, #tpu.memory_space<semaphore_mem>>)
      %dma_wait3A = tpu.memref_slice %arg11[%mul3A_9] : memref<262144xf32, #tpu.memory_space<hbm>> -> memref<16384xf32, #tpu.memory_space<hbm>>
      %dma_wait3A_12 = tpu.memref_slice %arg11[%mul3A_9] : memref<262144xf32, #tpu.memory_space<hbm>> -> memref<16384xf32, #tpu.memory_space<hbm>>
      tpu.wait_dma2 semaphore(%run_scoped3A : memref<!tpu.dma_semaphore, #tpu.memory_space<semaphore_mem>>) src(%arg14 : memref<16384xf32, #tpu.memory_space<vmem>>) dst(%dma_wait3A_12 : memref<16384xf32, #tpu.memory_space<hbm>>)
      tpu.yield
    }) : () -> ()
    return
  }
}

module attributes {stable_mosaic.version = 14 : i64} {
  func.func @_voxelize_body(%arg0: i32, %arg1: memref<2048x5xf32, #tpu.memory_space<vmem>>, %arg2: memref<2048x1xi32, #tpu.memory_space<vmem>>, %arg3: memref<2048x4xf32, #tpu.memory_space<vmem>>) attributes {dimension_semantics = [#tpu.dimension_semantics<arbitrary>], iteration_bounds = array<i64: 128>, scalar_prefetch = 0 : i64, scratch_operands = 0 : i64, tpu.core_type = #tpu.core_type<tc>, window_params = [{transform_indices = @transform_0, window_bounds = array<i64: 2048, 5>}, {transform_indices = @transform_1, window_bounds = array<i64: 2048, 1>}, {transform_indices = @transform_2, window_bounds = array<i64: 2048, 4>}]} {
    %get3A = arith.constant 0 : index
    %get3A_0 = arith.constant 0 : index
    %get3A_1 = vector.load %arg1[%get3A, %get3A_0] : memref<2048x5xf32, #tpu.memory_space<vmem>>, vector<2048x5xf32>
    %slice3A = vector.extract_strided_slice %get3A_1 {offsets = [0, 0], sizes = [2048, 1], strides = [1, 1]} : vector<2048x5xf32> to vector<2048x1xf32>
    %convert_element_type3A = arith.fptosi %slice3A : vector<2048x1xf32> to vector<2048x1xi32>
    %slice3A_2 = vector.extract_strided_slice %get3A_1 {offsets = [0, 1], sizes = [2048, 1], strides = [1, 1]} : vector<2048x5xf32> to vector<2048x1xf32>
    %slice3A_3 = vector.extract_strided_slice %get3A_1 {offsets = [0, 2], sizes = [2048, 1], strides = [1, 1]} : vector<2048x5xf32> to vector<2048x1xf32>
    %slice3A_4 = vector.extract_strided_slice %get3A_1 {offsets = [0, 3], sizes = [2048, 1], strides = [1, 1]} : vector<2048x5xf32> to vector<2048x1xf32>
    %sub3A = arith.constant 0.000000e+00 : f32
    %sub3A_5 = vector.broadcast %sub3A : f32 to vector<2048x1xf32>
    %sub3A_6 = arith.subf %slice3A_2, %sub3A_5 : vector<2048x1xf32>
    %div3A = arith.constant 2.000000e-01 : f32
    %div3A_7 = vector.broadcast %div3A : f32 to vector<2048x1xf32>
    %div3A_8 = arith.divf %sub3A_6, %div3A_7 : vector<2048x1xf32>
    %floor3A = math.floor %div3A_8 : vector<2048x1xf32>
    %jit3A = arith.constant 0.000000e+00 : f32
    %jit3A_9 = arith.constant 351 : i32
    %max3A = vector.broadcast %jit3A : f32 to vector<2048x1xf32>
    %max3A_10 = arith.maximumf %max3A, %floor3A : vector<2048x1xf32>
    %convert_element_type3A_11 = arith.sitofp %jit3A_9 : i32 to f32
    %min3A = vector.broadcast %convert_element_type3A_11 : f32 to vector<2048x1xf32>
    %min3A_12 = arith.minimumf %min3A, %max3A_10 : vector<2048x1xf32>
    %sub3A_13 = arith.constant -4.000000e+01 : f32
    %sub3A_14 = vector.broadcast %sub3A_13 : f32 to vector<2048x1xf32>
    %sub3A_15 = arith.subf %slice3A_3, %sub3A_14 : vector<2048x1xf32>
    %div3A_16 = arith.constant 2.000000e-01 : f32
    %div3A_17 = vector.broadcast %div3A_16 : f32 to vector<2048x1xf32>
    %div3A_18 = arith.divf %sub3A_15, %div3A_17 : vector<2048x1xf32>
    %floor3A_19 = math.floor %div3A_18 : vector<2048x1xf32>
    %jit3A_20 = arith.constant 0.000000e+00 : f32
    %jit3A_21 = arith.constant 399 : i32
    %max3A_22 = vector.broadcast %jit3A_20 : f32 to vector<2048x1xf32>
    %max3A_23 = arith.maximumf %max3A_22, %floor3A_19 : vector<2048x1xf32>
    %convert_element_type3A_24 = arith.sitofp %jit3A_21 : i32 to f32
    %min3A_25 = vector.broadcast %convert_element_type3A_24 : f32 to vector<2048x1xf32>
    %min3A_26 = arith.minimumf %min3A_25, %max3A_23 : vector<2048x1xf32>
    %sub3A_27 = arith.constant -3.000000e+00 : f32
    %sub3A_28 = vector.broadcast %sub3A_27 : f32 to vector<2048x1xf32>
    %sub3A_29 = arith.subf %slice3A_4, %sub3A_28 : vector<2048x1xf32>
    %div3A_30 = arith.constant 4.000000e+00 : f32
    %div3A_31 = vector.broadcast %div3A_30 : f32 to vector<2048x1xf32>
    %div3A_32 = arith.divf %sub3A_29, %div3A_31 : vector<2048x1xf32>
    %floor3A_33 = math.floor %div3A_32 : vector<2048x1xf32>
    %jit3A_34 = arith.constant 0.000000e+00 : f32
    %jit3A_35 = arith.constant 0 : i32
    %max3A_36 = vector.broadcast %jit3A_34 : f32 to vector<2048x1xf32>
    %max3A_37 = arith.maximumf %max3A_36, %floor3A_33 : vector<2048x1xf32>
    %convert_element_type3A_38 = arith.sitofp %jit3A_35 : i32 to f32
    %min3A_39 = vector.broadcast %convert_element_type3A_38 : f32 to vector<2048x1xf32>
    %min3A_40 = arith.minimumf %min3A_39, %max3A_37 : vector<2048x1xf32>
    %mul3A = arith.constant 1 : i32
    %mul3A_41 = vector.broadcast %mul3A : i32 to vector<2048x1xi32>
    %mul3A_42 = arith.muli %convert_element_type3A, %mul3A_41 : vector<2048x1xi32>
    %convert_element_type3A_43 = arith.fptosi %min3A_40 : vector<2048x1xf32> to vector<2048x1xi32>
    %add3A = arith.addi %mul3A_42, %convert_element_type3A_43 : vector<2048x1xi32>
    %mul3A_44 = arith.constant 400 : i32
    %mul3A_45 = vector.broadcast %mul3A_44 : i32 to vector<2048x1xi32>
    %mul3A_46 = arith.muli %add3A, %mul3A_45 : vector<2048x1xi32>
    %convert_element_type3A_47 = arith.fptosi %min3A_26 : vector<2048x1xf32> to vector<2048x1xi32>
    %add3A_48 = arith.addi %mul3A_46, %convert_element_type3A_47 : vector<2048x1xi32>
    %mul3A_49 = arith.constant 352 : i32
    %mul3A_50 = vector.broadcast %mul3A_49 : i32 to vector<2048x1xi32>
    %mul3A_51 = arith.muli %add3A_48, %mul3A_50 : vector<2048x1xi32>
    %convert_element_type3A_52 = arith.fptosi %min3A_12 : vector<2048x1xf32> to vector<2048x1xi32>
    %add3A_53 = arith.addi %mul3A_51, %convert_element_type3A_52 : vector<2048x1xi32>
    %swap3A = arith.constant 0 : index
    %swap3A_54 = arith.constant 0 : index
    %swap3A_55 = vector.load %arg2[%swap3A, %swap3A_54] : memref<2048x1xi32, #tpu.memory_space<vmem>>, vector<2048x1xi32>
    tpu.vector_store %arg2[%swap3A, %swap3A_54], %add3A_53 {strides = array<i32>} : memref<2048x1xi32, #tpu.memory_space<vmem>>, vector<2048x1xi32>,
    %broadcast_in_dim3A = arith.constant 1.000000e+00 : f32
    %broadcast_in_dim3A_56 = vector.broadcast %broadcast_in_dim3A : f32 to vector<2048x1xf32>
    %concatenate3A = tpu.concatenate %broadcast_in_dim3A_56, %slice3A_2, %slice3A_3, %slice3A_4 in 1 : vector<2048x1xf32>, vector<2048x1xf32>, vector<2048x1xf32>, vector<2048x1xf32> -> vector<2048x4xf32>
    %swap3A_57 = arith.constant 0 : index
    %swap3A_58 = arith.constant 0 : index
    %swap3A_59 = vector.load %arg3[%swap3A_57, %swap3A_58] : memref<2048x4xf32, #tpu.memory_space<vmem>>, vector<2048x4xf32>
    tpu.vector_store %arg3[%swap3A_57, %swap3A_58], %concatenate3A {strides = array<i32>} : memref<2048x4xf32, #tpu.memory_space<vmem>>, vector<2048x4xf32>,
    return
  }
  func.func @transform_0(%arg0: i32) -> (i32, i32) {
    %c0_i32 = arith.constant 0 : i32
    %c0_i32_0 = arith.constant 0 : i32
    return %arg0, %c0_i32 : i32, i32
  }
  func.func @transform_1(%arg0: i32) -> (i32, i32) {
    %c0_i32 = arith.constant 0 : i32
    %c0_i32_0 = arith.constant 0 : i32
    return %arg0, %c0_i32 : i32, i32
  }
  func.func @transform_2(%arg0: i32) -> (i32, i32) {
    %c0_i32 = arith.constant 0 : i32
    %c0_i32_0 = arith.constant 0 : i32
    return %arg0, %c0_i32 : i32, i32
  }
}

module attributes {stable_mosaic.version = 14 : i64} {
  func.func @_vfe1_body(%arg0: i32, %arg1: memref<2048x5xf32, #tpu.memory_space<vmem>>, %arg2: memref<2048x4xf32, #tpu.memory_space<vmem>>, %arg3: memref<10x64xf32, #tpu.memory_space<vmem>>, %arg4: memref<2048x64xf32, #tpu.memory_space<vmem>>, %arg5: memref<2x64xf32, #tpu.memory_space<vmem>>, %arg6: memref<2x64xf32, #tpu.memory_space<vmem>>) attributes {dimension_semantics = [#tpu.dimension_semantics<arbitrary>], iteration_bounds = array<i64: 128>, scalar_prefetch = 0 : i64, scratch_operands = 1 : i64, tpu.core_type = #tpu.core_type<tc>, window_params = [{transform_indices = @transform_0, window_bounds = array<i64: 2048, 5>}, {transform_indices = @transform_1, window_bounds = array<i64: 2048, 4>}, {pipeline_mode = #tpu.pipeline_mode<synchronous>, transform_indices = @transform_2, window_bounds = array<i64: 10, 64>}, {transform_indices = @transform_3, window_bounds = array<i64: 2048, 64>}, {pipeline_mode = #tpu.pipeline_mode<synchronous>, transform_indices = @transform_4, window_bounds = array<i64: 2, 64>}]} {
    %eq3A = arith.constant 0 : i32
    %eq3A_0 = arith.cmpi eq, %arg0, %eq3A : i32
    %convert_element_type3A = arith.extui %eq3A_0 : i1 to i32
    %cond3A = arith.constant 0 : i32
    %cond3A_1 = arith.cmpi ne, %convert_element_type3A, %cond3A : i32
    scf.if %cond3A_1 {
      %broadcast_in_dim3A_100 = arith.constant 0.000000e+00 : f32
      %broadcast_in_dim3A_101 = vector.broadcast %broadcast_in_dim3A_100 : f32 to vector<2x64xf32>
      %swap3A_102 = arith.constant 0 : index
      %swap3A_103 = arith.constant 0 : index
      %swap3A_104 = vector.load %arg6[%swap3A_102, %swap3A_103] : memref<2x64xf32, #tpu.memory_space<vmem>>, vector<2x64xf32>
      tpu.vector_store %arg6[%swap3A_102, %swap3A_103], %broadcast_in_dim3A_101 {strides = array<i32>} : memref<2x64xf32, #tpu.memory_space<vmem>>, vector<2x64xf32>,
    } else {
    }
    %get3A = arith.constant 0 : index
    %get3A_2 = arith.constant 0 : index
    %get3A_3 = vector.load %arg1[%get3A, %get3A_2] : memref<2048x5xf32, #tpu.memory_space<vmem>>, vector<2048x5xf32>
    %slice3A = vector.extract_strided_slice %get3A_3 {offsets = [0, 1], sizes = [2048, 1], strides = [1, 1]} : vector<2048x5xf32> to vector<2048x1xf32>
    %slice3A_4 = vector.extract_strided_slice %get3A_3 {offsets = [0, 2], sizes = [2048, 1], strides = [1, 1]} : vector<2048x5xf32> to vector<2048x1xf32>
    %slice3A_5 = vector.extract_strided_slice %get3A_3 {offsets = [0, 3], sizes = [2048, 1], strides = [1, 1]} : vector<2048x5xf32> to vector<2048x1xf32>
    %sub3A = arith.constant 0.000000e+00 : f32
    %sub3A_6 = vector.broadcast %sub3A : f32 to vector<2048x1xf32>
    %sub3A_7 = arith.subf %slice3A, %sub3A_6 : vector<2048x1xf32>
    %div3A = arith.constant 2.000000e-01 : f32
    %div3A_8 = vector.broadcast %div3A : f32 to vector<2048x1xf32>
    %div3A_9 = arith.divf %sub3A_7, %div3A_8 : vector<2048x1xf32>
    %floor3A = math.floor %div3A_9 : vector<2048x1xf32>
    %jit3A = arith.constant 0.000000e+00 : f32
    %jit3A_10 = arith.constant 351 : i32
    %max3A = vector.broadcast %jit3A : f32 to vector<2048x1xf32>
    %max3A_11 = arith.maximumf %max3A, %floor3A : vector<2048x1xf32>
    %convert_element_type3A_12 = arith.sitofp %jit3A_10 : i32 to f32
    %min3A = vector.broadcast %convert_element_type3A_12 : f32 to vector<2048x1xf32>
    %min3A_13 = arith.minimumf %min3A, %max3A_11 : vector<2048x1xf32>
    %sub3A_14 = arith.constant -4.000000e+01 : f32
    %sub3A_15 = vector.broadcast %sub3A_14 : f32 to vector<2048x1xf32>
    %sub3A_16 = arith.subf %slice3A_4, %sub3A_15 : vector<2048x1xf32>
    %div3A_17 = arith.constant 2.000000e-01 : f32
    %div3A_18 = vector.broadcast %div3A_17 : f32 to vector<2048x1xf32>
    %div3A_19 = arith.divf %sub3A_16, %div3A_18 : vector<2048x1xf32>
    %floor3A_20 = math.floor %div3A_19 : vector<2048x1xf32>
    %jit3A_21 = arith.constant 0.000000e+00 : f32
    %jit3A_22 = arith.constant 399 : i32
    %max3A_23 = vector.broadcast %jit3A_21 : f32 to vector<2048x1xf32>
    %max3A_24 = arith.maximumf %max3A_23, %floor3A_20 : vector<2048x1xf32>
    %convert_element_type3A_25 = arith.sitofp %jit3A_22 : i32 to f32
    %min3A_26 = vector.broadcast %convert_element_type3A_25 : f32 to vector<2048x1xf32>
    %min3A_27 = arith.minimumf %min3A_26, %max3A_24 : vector<2048x1xf32>
    %sub3A_28 = arith.constant -3.000000e+00 : f32
    %sub3A_29 = vector.broadcast %sub3A_28 : f32 to vector<2048x1xf32>
    %sub3A_30 = arith.subf %slice3A_5, %sub3A_29 : vector<2048x1xf32>
    %div3A_31 = arith.constant 4.000000e+00 : f32
    %div3A_32 = vector.broadcast %div3A_31 : f32 to vector<2048x1xf32>
    %div3A_33 = arith.divf %sub3A_30, %div3A_32 : vector<2048x1xf32>
    %floor3A_34 = math.floor %div3A_33 : vector<2048x1xf32>
    %jit3A_35 = arith.constant 0.000000e+00 : f32
    %jit3A_36 = arith.constant 0 : i32
    %max3A_37 = vector.broadcast %jit3A_35 : f32 to vector<2048x1xf32>
    %max3A_38 = arith.maximumf %max3A_37, %floor3A_34 : vector<2048x1xf32>
    %convert_element_type3A_39 = arith.sitofp %jit3A_36 : i32 to f32
    %min3A_40 = vector.broadcast %convert_element_type3A_39 : f32 to vector<2048x1xf32>
    %min3A_41 = arith.minimumf %min3A_40, %max3A_38 : vector<2048x1xf32>
    %get3A_42 = arith.constant 0 : index
    %get3A_43 = arith.constant 0 : index
    %get3A_44 = vector.load %arg2[%get3A_42, %get3A_43] : memref<2048x4xf32, #tpu.memory_space<vmem>>, vector<2048x4xf32>
    %slice3A_45 = vector.extract_strided_slice %get3A_44 {offsets = [0, 0], sizes = [2048, 1], strides = [1, 1]} : vector<2048x4xf32> to vector<2048x1xf32>
    %max3A_46 = arith.constant 1.000000e+00 : f32
    %max3A_47 = vector.broadcast %max3A_46 : f32 to vector<2048x1xf32>
    %max3A_48 = arith.maximumf %slice3A_45, %max3A_47 : vector<2048x1xf32>
    %slice3A_49 = vector.extract_strided_slice %get3A_44 {offsets = [0, 1], sizes = [2048, 3], strides = [1, 1]} : vector<2048x4xf32> to vector<2048x3xf32>
    %div3A_50 = vector.broadcast %max3A_48 : vector<2048x1xf32> to vector<2048x3xf32>
    %div3A_51 = arith.divf %slice3A_49, %div3A_50 : vector<2048x3xf32>
    %slice3A_52 = vector.extract_strided_slice %get3A_3 {offsets = [0, 1], sizes = [2048, 3], strides = [1, 1]} : vector<2048x5xf32> to vector<2048x3xf32>
    %sub3A_53 = arith.subf %slice3A_52, %div3A_51 : vector<2048x3xf32>
    %mul3A = arith.constant 2.000000e-01 : f32
    %mul3A_54 = vector.broadcast %mul3A : f32 to vector<2048x1xf32>
    %mul3A_55 = arith.mulf %min3A_13, %mul3A_54 : vector<2048x1xf32>
    %add3A = arith.constant 1.000000e-01 : f32
    %add3A_56 = vector.broadcast %add3A : f32 to vector<2048x1xf32>
    %add3A_57 = arith.addf %mul3A_55, %add3A_56 : vector<2048x1xf32>
    %sub3A_58 = arith.subf %slice3A, %add3A_57 : vector<2048x1xf32>
    %mul3A_59 = arith.constant 2.000000e-01 : f32
    %mul3A_60 = vector.broadcast %mul3A_59 : f32 to vector<2048x1xf32>
    %mul3A_61 = arith.mulf %min3A_27, %mul3A_60 : vector<2048x1xf32>
    %add3A_62 = arith.constant -3.990000e+01 : f32
    %add3A_63 = vector.broadcast %add3A_62 : f32 to vector<2048x1xf32>
    %add3A_64 = arith.addf %mul3A_61, %add3A_63 : vector<2048x1xf32>
    %sub3A_65 = arith.subf %slice3A_4, %add3A_64 : vector<2048x1xf32>
    %mul3A_66 = arith.constant 4.000000e+00 : f32
    %mul3A_67 = vector.broadcast %mul3A_66 : f32 to vector<2048x1xf32>
    %mul3A_68 = arith.mulf %min3A_41, %mul3A_67 : vector<2048x1xf32>
    %add3A_69 = arith.constant -1.000000e+00 : f32
    %add3A_70 = vector.broadcast %add3A_69 : f32 to vector<2048x1xf32>
    %add3A_71 = arith.addf %mul3A_68, %add3A_70 : vector<2048x1xf32>
    %sub3A_72 = arith.subf %slice3A_5, %add3A_71 : vector<2048x1xf32>
    %concatenate3A = tpu.concatenate %sub3A_58, %sub3A_65, %sub3A_72 in 1 : vector<2048x1xf32>, vector<2048x1xf32>, vector<2048x1xf32> -> vector<2048x3xf32>
    %slice3A_73 = vector.extract_strided_slice %get3A_3 {offsets = [0, 1], sizes = [2048, 4], strides = [1, 1]} : vector<2048x5xf32> to vector<2048x4xf32>
    %concatenate3A_74 = tpu.concatenate %slice3A_73, %sub3A_53, %concatenate3A in 1 : vector<2048x4xf32>, vector<2048x3xf32>, vector<2048x3xf32> -> vector<2048x10xf32>
    %get3A_75 = arith.constant 0 : index
    %get3A_76 = arith.constant 0 : index
    %get3A_77 = vector.load %arg3[%get3A_75, %get3A_76] : memref<10x64xf32, #tpu.memory_space<vmem>>, vector<10x64xf32>
    %dot_general3A = arith.constant dense<0.000000e+00> : vector<2048x64xf32>
    %dot_general3A_78 = tpu.matmul %concatenate3A_74, %get3A_77, %dot_general3A {dimension_numbers = #tpu.dot_dimension_numbers<[1], [0], [0], [1], [0, 0, 1, 1], [], []>, transpose_lhs_hint = false} : vector<2048x10xf32>, vector<10x64xf32>, vector<2048x64xf32> -> vector<2048x64xf32>
    %swap3A = arith.constant 0 : index
    %swap3A_79 = arith.constant 0 : index
    %swap3A_80 = vector.load %arg4[%swap3A, %swap3A_79] : memref<2048x64xf32, #tpu.memory_space<vmem>>, vector<2048x64xf32>
    tpu.vector_store %arg4[%swap3A, %swap3A_79], %dot_general3A_78 {strides = array<i32>} : memref<2048x64xf32, #tpu.memory_space<vmem>>, vector<2048x64xf32>,
    %reduce_sum3A = arith.constant dense<0.000000e+00> : vector<64xf32>
    %reduce_sum3A_81 = vector.multi_reduction <add>, %dot_general3A_78, %reduce_sum3A [0] : vector<2048x64xf32> to vector<64xf32>
    %broadcast_in_dim3A = vector.shape_cast %reduce_sum3A_81 : vector<64xf32> to vector<1x64xf32>
    %mul3A_82 = arith.mulf %dot_general3A_78, %dot_general3A_78 : vector<2048x64xf32>
    %reduce_sum3A_83 = arith.constant dense<0.000000e+00> : vector<64xf32>
    %reduce_sum3A_84 = vector.multi_reduction <add>, %mul3A_82, %reduce_sum3A_83 [0] : vector<2048x64xf32> to vector<64xf32>
    %broadcast_in_dim3A_85 = vector.shape_cast %reduce_sum3A_84 : vector<64xf32> to vector<1x64xf32>
    %get3A_86 = arith.constant 0 : index
    %get3A_87 = arith.constant 0 : index
    %get3A_88 = vector.load %arg6[%get3A_86, %get3A_87] : memref<2x64xf32, #tpu.memory_space<vmem>>, vector<2x64xf32>
    %concatenate3A_89 = tpu.concatenate %broadcast_in_dim3A, %broadcast_in_dim3A_85 in 0 : vector<1x64xf32>, vector<1x64xf32> -> vector<2x64xf32>
    %add3A_90 = arith.addf %get3A_88, %concatenate3A_89 : vector<2x64xf32>
    %swap3A_91 = arith.constant 0 : index
    %swap3A_92 = arith.constant 0 : index
    %swap3A_93 = vector.load %arg6[%swap3A_91, %swap3A_92] : memref<2x64xf32, #tpu.memory_space<vmem>>, vector<2x64xf32>
    tpu.vector_store %arg6[%swap3A_91, %swap3A_92], %add3A_90 {strides = array<i32>} : memref<2x64xf32, #tpu.memory_space<vmem>>, vector<2x64xf32>,
    %get3A_94 = arith.constant 0 : index
    %get3A_95 = arith.constant 0 : index
    %get3A_96 = vector.load %arg6[%get3A_94, %get3A_95] : memref<2x64xf32, #tpu.memory_space<vmem>>, vector<2x64xf32>
    %swap3A_97 = arith.constant 0 : index
    %swap3A_98 = arith.constant 0 : index
    %swap3A_99 = vector.load %arg5[%swap3A_97, %swap3A_98] : memref<2x64xf32, #tpu.memory_space<vmem>>, vector<2x64xf32>
    tpu.vector_store %arg5[%swap3A_97, %swap3A_98], %get3A_96 {strides = array<i32>} : memref<2x64xf32, #tpu.memory_space<vmem>>, vector<2x64xf32>,
    return
  }
  func.func @transform_0(%arg0: i32) -> (i32, i32) {
    %c0_i32 = arith.constant 0 : i32
    %c0_i32_0 = arith.constant 0 : i32
    return %arg0, %c0_i32 : i32, i32
  }
  func.func @transform_1(%arg0: i32) -> (i32, i32) {
    %c0_i32 = arith.constant 0 : i32
    %c0_i32_0 = arith.constant 0 : i32
    return %arg0, %c0_i32 : i32, i32
  }
  func.func @transform_2(%arg0: i32) -> (i32, i32) {
    %c0_i32 = arith.constant 0 : i32
    %c0_i32_0 = arith.constant 0 : i32
    %c0_i32_1 = arith.constant 0 : i32
    return %c0_i32, %c0_i32_0 : i32, i32
  }
  func.func @transform_3(%arg0: i32) -> (i32, i32) {
    %c0_i32 = arith.constant 0 : i32
    %c0_i32_0 = arith.constant 0 : i32
    return %arg0, %c0_i32 : i32, i32
  }
  func.func @transform_4(%arg0: i32) -> (i32, i32) {
    %c0_i32 = arith.constant 0 : i32
    %c0_i32_0 = arith.constant 0 : i32
    %c0_i32_1 = arith.constant 0 : i32
    return %c0_i32, %c0_i32_0 : i32, i32
  }
}

module attributes {stable_mosaic.version = 14 : i64} {
  func.func @_affine_relu_body(%arg0: i32, %arg1: memref<2048x64xf32, #tpu.memory_space<vmem>>, %arg2: memref<2x64xf32, #tpu.memory_space<vmem>>, %arg3: memref<64xf32, #tpu.memory_space<vmem>>, %arg4: memref<64xf32, #tpu.memory_space<vmem>>, %arg5: memref<2048x64xf32, #tpu.memory_space<vmem>>) attributes {dimension_semantics = [#tpu.dimension_semantics<arbitrary>], iteration_bounds = array<i64: 128>, scalar_prefetch = 0 : i64, scratch_operands = 0 : i64, tpu.core_type = #tpu.core_type<tc>, window_params = [{transform_indices = @transform_0, window_bounds = array<i64: 2048, 64>}, {pipeline_mode = #tpu.pipeline_mode<synchronous>, transform_indices = @transform_1, window_bounds = array<i64: 2, 64>}, {pipeline_mode = #tpu.pipeline_mode<synchronous>, transform_indices = @transform_2, window_bounds = array<i64: 64>}, {pipeline_mode = #tpu.pipeline_mode<synchronous>, transform_indices = @transform_3, window_bounds = array<i64: 64>}, {transform_indices = @transform_4, window_bounds = array<i64: 2048, 64>}]} {
    %get3A = arith.constant 0 : index
    %get3A_0 = arith.constant 0 : index
    %get3A_1 = vector.load %arg2[%get3A, %get3A_0] : memref<2x64xf32, #tpu.memory_space<vmem>>, vector<2x64xf32>
    %slice3A = vector.extract_strided_slice %get3A_1 {offsets = [0, 0], sizes = [1, 64], strides = [1, 1]} : vector<2x64xf32> to vector<1x64xf32>
    %div3A = arith.constant 2.621440e+05 : f32
    %div3A_2 = vector.broadcast %div3A : f32 to vector<1x64xf32>
    %div3A_3 = arith.divf %slice3A, %div3A_2 : vector<1x64xf32>
    %slice3A_4 = vector.extract_strided_slice %get3A_1 {offsets = [1, 0], sizes = [1, 64], strides = [1, 1]} : vector<2x64xf32> to vector<1x64xf32>
    %div3A_5 = arith.constant 2.621440e+05 : f32
    %div3A_6 = vector.broadcast %div3A_5 : f32 to vector<1x64xf32>
    %div3A_7 = arith.divf %slice3A_4, %div3A_6 : vector<1x64xf32>
    %mul3A = arith.mulf %div3A_3, %div3A_3 : vector<1x64xf32>
    %sub3A = arith.subf %div3A_7, %mul3A : vector<1x64xf32>
    %get3A_8 = arith.constant 0 : index
    %get3A_9 = vector.load %arg3[%get3A_8] : memref<64xf32, #tpu.memory_space<vmem>>, vector<64xf32>
    %broadcast_in_dim3A = vector.shape_cast %get3A_9 : vector<64xf32> to vector<1x64xf32>
    %add3A = arith.constant 1.000000e-03 : f32
    %add3A_10 = vector.broadcast %add3A : f32 to vector<1x64xf32>
    %add3A_11 = arith.addf %sub3A, %add3A_10 : vector<1x64xf32>
    %rsqrt3A = math.rsqrt %add3A_11 : vector<1x64xf32>
    %mul3A_12 = arith.mulf %broadcast_in_dim3A, %rsqrt3A : vector<1x64xf32>
    %get3A_13 = arith.constant 0 : index
    %get3A_14 = vector.load %arg4[%get3A_13] : memref<64xf32, #tpu.memory_space<vmem>>, vector<64xf32>
    %broadcast_in_dim3A_15 = vector.shape_cast %get3A_14 : vector<64xf32> to vector<1x64xf32>
    %mul3A_16 = arith.mulf %div3A_3, %mul3A_12 : vector<1x64xf32>
    %sub3A_17 = arith.subf %broadcast_in_dim3A_15, %mul3A_16 : vector<1x64xf32>
    %get3A_18 = arith.constant 0 : index
    %get3A_19 = arith.constant 0 : index
    %get3A_20 = vector.load %arg1[%get3A_18, %get3A_19] : memref<2048x64xf32, #tpu.memory_space<vmem>>, vector<2048x64xf32>
    %mul3A_21 = vector.broadcast %mul3A_12 : vector<1x64xf32> to vector<2048x64xf32>
    %mul3A_22 = arith.mulf %get3A_20, %mul3A_21 : vector<2048x64xf32>
    %add3A_23 = vector.broadcast %sub3A_17 : vector<1x64xf32> to vector<2048x64xf32>
    %add3A_24 = arith.addf %mul3A_22, %add3A_23 : vector<2048x64xf32>
    %max3A = arith.constant 0.000000e+00 : f32
    %max3A_25 = vector.broadcast %max3A : f32 to vector<2048x64xf32>
    %max3A_26 = arith.maximumf %add3A_24, %max3A_25 : vector<2048x64xf32>
    %swap3A = arith.constant 0 : index
    %swap3A_27 = arith.constant 0 : index
    %swap3A_28 = vector.load %arg5[%swap3A, %swap3A_27] : memref<2048x64xf32, #tpu.memory_space<vmem>>, vector<2048x64xf32>
    tpu.vector_store %arg5[%swap3A, %swap3A_27], %max3A_26 {strides = array<i32>} : memref<2048x64xf32, #tpu.memory_space<vmem>>, vector<2048x64xf32>,
    return
  }
  func.func @transform_0(%arg0: i32) -> (i32, i32) {
    %c0_i32 = arith.constant 0 : i32
    %c0_i32_0 = arith.constant 0 : i32
    return %arg0, %c0_i32 : i32, i32
  }
  func.func @transform_1(%arg0: i32) -> (i32, i32) {
    %c0_i32 = arith.constant 0 : i32
    %c0_i32_0 = arith.constant 0 : i32
    %c0_i32_1 = arith.constant 0 : i32
    return %c0_i32, %c0_i32_0 : i32, i32
  }
  func.func @transform_2(%arg0: i32) -> i32 {
    %c0_i32 = arith.constant 0 : i32
    %c0_i32_0 = arith.constant 0 : i32
    return %c0_i32 : i32
  }
  func.func @transform_3(%arg0: i32) -> i32 {
    %c0_i32 = arith.constant 0 : i32
    %c0_i32_0 = arith.constant 0 : i32
    return %c0_i32 : i32
  }
  func.func @transform_4(%arg0: i32) -> (i32, i32) {
    %c0_i32 = arith.constant 0 : i32
    %c0_i32_0 = arith.constant 0 : i32
    return %arg0, %c0_i32 : i32, i32
  }
}

module attributes {stable_mosaic.version = 14 : i64} {
  func.func @_vfe2_body(%arg0: i32, %arg1: memref<2048x64xf32, #tpu.memory_space<vmem>>, %arg2: memref<2048x64xf32, #tpu.memory_space<vmem>>, %arg3: memref<128x128xf32, #tpu.memory_space<vmem>>, %arg4: memref<2048x128xf32, #tpu.memory_space<vmem>>, %arg5: memref<2x128xf32, #tpu.memory_space<vmem>>, %arg6: memref<2x128xf32, #tpu.memory_space<vmem>>) attributes {dimension_semantics = [#tpu.dimension_semantics<arbitrary>], iteration_bounds = array<i64: 128>, scalar_prefetch = 0 : i64, scratch_operands = 1 : i64, tpu.core_type = #tpu.core_type<tc>, window_params = [{transform_indices = @transform_0, window_bounds = array<i64: 2048, 64>}, {transform_indices = @transform_1, window_bounds = array<i64: 2048, 64>}, {pipeline_mode = #tpu.pipeline_mode<synchronous>, transform_indices = @transform_2, window_bounds = array<i64: 128, 128>}, {transform_indices = @transform_3, window_bounds = array<i64: 2048, 128>}, {pipeline_mode = #tpu.pipeline_mode<synchronous>, transform_indices = @transform_4, window_bounds = array<i64: 2, 128>}]} {
    %eq3A = arith.constant 0 : i32
    %eq3A_0 = arith.cmpi eq, %arg0, %eq3A : i32
    %convert_element_type3A = arith.extui %eq3A_0 : i1 to i32
    %cond3A = arith.constant 0 : i32
    %cond3A_1 = arith.cmpi ne, %convert_element_type3A, %cond3A : i32
    scf.if %cond3A_1 {
      %broadcast_in_dim3A_30 = arith.constant 0.000000e+00 : f32
      %broadcast_in_dim3A_31 = vector.broadcast %broadcast_in_dim3A_30 : f32 to vector<2x128xf32>
      %swap3A_32 = arith.constant 0 : index
      %swap3A_33 = arith.constant 0 : index
      %swap3A_34 = vector.load %arg6[%swap3A_32, %swap3A_33] : memref<2x128xf32, #tpu.memory_space<vmem>>, vector<2x128xf32>
      tpu.vector_store %arg6[%swap3A_32, %swap3A_33], %broadcast_in_dim3A_31 {strides = array<i32>} : memref<2x128xf32, #tpu.memory_space<vmem>>, vector<2x128xf32>,
    } else {
    }
    %get3A = arith.constant 0 : index
    %get3A_2 = arith.constant 0 : index
    %get3A_3 = vector.load %arg1[%get3A, %get3A_2] : memref<2048x64xf32, #tpu.memory_space<vmem>>, vector<2048x64xf32>
    %get3A_4 = arith.constant 0 : index
    %get3A_5 = arith.constant 0 : index
    %get3A_6 = vector.load %arg2[%get3A_4, %get3A_5] : memref<2048x64xf32, #tpu.memory_space<vmem>>, vector<2048x64xf32>
    %concatenate3A = tpu.concatenate %get3A_3, %get3A_6 in 1 : vector<2048x64xf32>, vector<2048x64xf32> -> vector<2048x128xf32>
    %get3A_7 = arith.constant 0 : index
    %get3A_8 = arith.constant 0 : index
    %get3A_9 = vector.load %arg3[%get3A_7, %get3A_8] : memref<128x128xf32, #tpu.memory_space<vmem>>, vector<128x128xf32>
    %dot_general3A = arith.constant dense<0.000000e+00> : vector<2048x128xf32>
    %dot_general3A_10 = tpu.matmul %concatenate3A, %get3A_9, %dot_general3A {dimension_numbers = #tpu.dot_dimension_numbers<[1], [0], [0], [1], [0, 0, 1, 1], [], []>, transpose_lhs_hint = false} : vector<2048x128xf32>, vector<128x128xf32>, vector<2048x128xf32> -> vector<2048x128xf32>
    %swap3A = arith.constant 0 : index
    %swap3A_11 = arith.constant 0 : index
    %swap3A_12 = vector.load %arg4[%swap3A, %swap3A_11] : memref<2048x128xf32, #tpu.memory_space<vmem>>, vector<2048x128xf32>
    tpu.vector_store %arg4[%swap3A, %swap3A_11], %dot_general3A_10 {strides = array<i32>} : memref<2048x128xf32, #tpu.memory_space<vmem>>, vector<2048x128xf32>,
    %reduce_sum3A = arith.constant dense<0.000000e+00> : vector<128xf32>
    %reduce_sum3A_13 = vector.multi_reduction <add>, %dot_general3A_10, %reduce_sum3A [0] : vector<2048x128xf32> to vector<128xf32>
    %broadcast_in_dim3A = vector.shape_cast %reduce_sum3A_13 : vector<128xf32> to vector<1x128xf32>
    %mul3A = arith.mulf %dot_general3A_10, %dot_general3A_10 : vector<2048x128xf32>
    %reduce_sum3A_14 = arith.constant dense<0.000000e+00> : vector<128xf32>
    %reduce_sum3A_15 = vector.multi_reduction <add>, %mul3A, %reduce_sum3A_14 [0] : vector<2048x128xf32> to vector<128xf32>
    %broadcast_in_dim3A_16 = vector.shape_cast %reduce_sum3A_15 : vector<128xf32> to vector<1x128xf32>
    %get3A_17 = arith.constant 0 : index
    %get3A_18 = arith.constant 0 : index
    %get3A_19 = vector.load %arg6[%get3A_17, %get3A_18] : memref<2x128xf32, #tpu.memory_space<vmem>>, vector<2x128xf32>
    %concatenate3A_20 = tpu.concatenate %broadcast_in_dim3A, %broadcast_in_dim3A_16 in 0 : vector<1x128xf32>, vector<1x128xf32> -> vector<2x128xf32>
    %add3A = arith.addf %get3A_19, %concatenate3A_20 : vector<2x128xf32>
    %swap3A_21 = arith.constant 0 : index
    %swap3A_22 = arith.constant 0 : index
    %swap3A_23 = vector.load %arg6[%swap3A_21, %swap3A_22] : memref<2x128xf32, #tpu.memory_space<vmem>>, vector<2x128xf32>
    tpu.vector_store %arg6[%swap3A_21, %swap3A_22], %add3A {strides = array<i32>} : memref<2x128xf32, #tpu.memory_space<vmem>>, vector<2x128xf32>,
    %get3A_24 = arith.constant 0 : index
    %get3A_25 = arith.constant 0 : index
    %get3A_26 = vector.load %arg6[%get3A_24, %get3A_25] : memref<2x128xf32, #tpu.memory_space<vmem>>, vector<2x128xf32>
    %swap3A_27 = arith.constant 0 : index
    %swap3A_28 = arith.constant 0 : index
    %swap3A_29 = vector.load %arg5[%swap3A_27, %swap3A_28] : memref<2x128xf32, #tpu.memory_space<vmem>>, vector<2x128xf32>
    tpu.vector_store %arg5[%swap3A_27, %swap3A_28], %get3A_26 {strides = array<i32>} : memref<2x128xf32, #tpu.memory_space<vmem>>, vector<2x128xf32>,
    return
  }
  func.func @transform_0(%arg0: i32) -> (i32, i32) {
    %c0_i32 = arith.constant 0 : i32
    %c0_i32_0 = arith.constant 0 : i32
    return %arg0, %c0_i32 : i32, i32
  }
  func.func @transform_1(%arg0: i32) -> (i32, i32) {
    %c0_i32 = arith.constant 0 : i32
    %c0_i32_0 = arith.constant 0 : i32
    return %arg0, %c0_i32 : i32, i32
  }
  func.func @transform_2(%arg0: i32) -> (i32, i32) {
    %c0_i32 = arith.constant 0 : i32
    %c0_i32_0 = arith.constant 0 : i32
    %c0_i32_1 = arith.constant 0 : i32
    return %c0_i32, %c0_i32_0 : i32, i32
  }
  func.func @transform_3(%arg0: i32) -> (i32, i32) {
    %c0_i32 = arith.constant 0 : i32
    %c0_i32_0 = arith.constant 0 : i32
    return %arg0, %c0_i32 : i32, i32
  }
  func.func @transform_4(%arg0: i32) -> (i32, i32) {
    %c0_i32 = arith.constant 0 : i32
    %c0_i32_0 = arith.constant 0 : i32
    %c0_i32_1 = arith.constant 0 : i32
    return %c0_i32, %c0_i32_0 : i32, i32
  }
}

module attributes {stable_mosaic.version = 14 : i64} {
  func.func @_affine_relu_body(%arg0: i32, %arg1: memref<2048x128xf32, #tpu.memory_space<vmem>>, %arg2: memref<2x128xf32, #tpu.memory_space<vmem>>, %arg3: memref<128xf32, #tpu.memory_space<vmem>>, %arg4: memref<128xf32, #tpu.memory_space<vmem>>, %arg5: memref<2048x128xf32, #tpu.memory_space<vmem>>) attributes {dimension_semantics = [#tpu.dimension_semantics<arbitrary>], iteration_bounds = array<i64: 128>, scalar_prefetch = 0 : i64, scratch_operands = 0 : i64, tpu.core_type = #tpu.core_type<tc>, window_params = [{transform_indices = @transform_0, window_bounds = array<i64: 2048, 128>}, {pipeline_mode = #tpu.pipeline_mode<synchronous>, transform_indices = @transform_1, window_bounds = array<i64: 2, 128>}, {pipeline_mode = #tpu.pipeline_mode<synchronous>, transform_indices = @transform_2, window_bounds = array<i64: 128>}, {pipeline_mode = #tpu.pipeline_mode<synchronous>, transform_indices = @transform_3, window_bounds = array<i64: 128>}, {transform_indices = @transform_4, window_bounds = array<i64: 2048, 128>}]} {
    %get3A = arith.constant 0 : index
    %get3A_0 = arith.constant 0 : index
    %get3A_1 = vector.load %arg2[%get3A, %get3A_0] : memref<2x128xf32, #tpu.memory_space<vmem>>, vector<2x128xf32>
    %slice3A = vector.extract_strided_slice %get3A_1 {offsets = [0, 0], sizes = [1, 128], strides = [1, 1]} : vector<2x128xf32> to vector<1x128xf32>
    %div3A = arith.constant 2.621440e+05 : f32
    %div3A_2 = vector.broadcast %div3A : f32 to vector<1x128xf32>
    %div3A_3 = arith.divf %slice3A, %div3A_2 : vector<1x128xf32>
    %slice3A_4 = vector.extract_strided_slice %get3A_1 {offsets = [1, 0], sizes = [1, 128], strides = [1, 1]} : vector<2x128xf32> to vector<1x128xf32>
    %div3A_5 = arith.constant 2.621440e+05 : f32
    %div3A_6 = vector.broadcast %div3A_5 : f32 to vector<1x128xf32>
    %div3A_7 = arith.divf %slice3A_4, %div3A_6 : vector<1x128xf32>
    %mul3A = arith.mulf %div3A_3, %div3A_3 : vector<1x128xf32>
    %sub3A = arith.subf %div3A_7, %mul3A : vector<1x128xf32>
    %get3A_8 = arith.constant 0 : index
    %get3A_9 = vector.load %arg3[%get3A_8] : memref<128xf32, #tpu.memory_space<vmem>>, vector<128xf32>
    %broadcast_in_dim3A = vector.shape_cast %get3A_9 : vector<128xf32> to vector<1x128xf32>
    %add3A = arith.constant 1.000000e-03 : f32
    %add3A_10 = vector.broadcast %add3A : f32 to vector<1x128xf32>
    %add3A_11 = arith.addf %sub3A, %add3A_10 : vector<1x128xf32>
    %rsqrt3A = math.rsqrt %add3A_11 : vector<1x128xf32>
    %mul3A_12 = arith.mulf %broadcast_in_dim3A, %rsqrt3A : vector<1x128xf32>
    %get3A_13 = arith.constant 0 : index
    %get3A_14 = vector.load %arg4[%get3A_13] : memref<128xf32, #tpu.memory_space<vmem>>, vector<128xf32>
    %broadcast_in_dim3A_15 = vector.shape_cast %get3A_14 : vector<128xf32> to vector<1x128xf32>
    %mul3A_16 = arith.mulf %div3A_3, %mul3A_12 : vector<1x128xf32>
    %sub3A_17 = arith.subf %broadcast_in_dim3A_15, %mul3A_16 : vector<1x128xf32>
    %get3A_18 = arith.constant 0 : index
    %get3A_19 = arith.constant 0 : index
    %get3A_20 = vector.load %arg1[%get3A_18, %get3A_19] : memref<2048x128xf32, #tpu.memory_space<vmem>>, vector<2048x128xf32>
    %mul3A_21 = vector.broadcast %mul3A_12 : vector<1x128xf32> to vector<2048x128xf32>
    %mul3A_22 = arith.mulf %get3A_20, %mul3A_21 : vector<2048x128xf32>
    %add3A_23 = vector.broadcast %sub3A_17 : vector<1x128xf32> to vector<2048x128xf32>
    %add3A_24 = arith.addf %mul3A_22, %add3A_23 : vector<2048x128xf32>
    %max3A = arith.constant 0.000000e+00 : f32
    %max3A_25 = vector.broadcast %max3A : f32 to vector<2048x128xf32>
    %max3A_26 = arith.maximumf %add3A_24, %max3A_25 : vector<2048x128xf32>
    %swap3A = arith.constant 0 : index
    %swap3A_27 = arith.constant 0 : index
    %swap3A_28 = vector.load %arg5[%swap3A, %swap3A_27] : memref<2048x128xf32, #tpu.memory_space<vmem>>, vector<2048x128xf32>
    tpu.vector_store %arg5[%swap3A, %swap3A_27], %max3A_26 {strides = array<i32>} : memref<2048x128xf32, #tpu.memory_space<vmem>>, vector<2048x128xf32>,
    return
  }
  func.func @transform_0(%arg0: i32) -> (i32, i32) {
    %c0_i32 = arith.constant 0 : i32
    %c0_i32_0 = arith.constant 0 : i32
    return %arg0, %c0_i32 : i32, i32
  }
  func.func @transform_1(%arg0: i32) -> (i32, i32) {
    %c0_i32 = arith.constant 0 : i32
    %c0_i32_0 = arith.constant 0 : i32
    %c0_i32_1 = arith.constant 0 : i32
    return %c0_i32, %c0_i32_0 : i32, i32
  }
  func.func @transform_2(%arg0: i32) -> i32 {
    %c0_i32 = arith.constant 0 : i32
    %c0_i32_0 = arith.constant 0 : i32
    return %c0_i32 : i32
  }
  func.func @transform_3(%arg0: i32) -> i32 {
    %c0_i32 = arith.constant 0 : i32
    %c0_i32_0 = arith.constant 0 : i32
    return %c0_i32 : i32
  }
  func.func @transform_4(%arg0: i32) -> (i32, i32) {
    %c0_i32 = arith.constant 0 : i32
    %c0_i32_0 = arith.constant 0 : i32
    return %arg0, %c0_i32 : i32, i32
  }
}

</mosaic_0001>

<sc_bundles>
// kernel: gather_offload_async_start
scs
__scs_entry_jumppad:
0x0: {  	(pc) =	sbr.rel $0x88, $3  }
0x1: {  	(tag) =	ssettag $0x0;
	lr =	simm.s32 $0x1  }
0x2: {  	[smem:$0x3F9A] =	sst lr;
	_ =	strace $0xD0000000  }
0x3: {  	_ = 	snop  }
0x4: {  	_ = 	snop  }
0x5: {  	_ = 	snop  }
0x6: {  	_ = 	snop  }
0x7: {  	_ = 	snop  }
__scs_overlays_trampoline_lowered:
0x8: {  	[smem:$0x3FA9] =	sst s0  }
0x9: {  	[smem:$0x3FAA] =	sst s1  }
0xa: {  	[smem:$0x3FAB] =	sst s2  }
0xb: {  	[smem:$0x3FAC] =	sst s3  }
0xc: {  	[smem:$0x3FAD] =	sst s4  }
0xd: {  	[smem:$0x3FAE] =	sst s5  }
0xe: {  	[smem:$0x3FAF] =	sst s6  }
0xf: {  	[smem:$0x3FB0] =	sst s7  }
0x10: {  	[smem:$0x3FB1] =	sst s8  }
0x11: {  	[smem:$0x3FB2] =	sst s9;
	s0 =	simm.s32 @!p0 $0x0  }
0x12: {  	s1 =	sld [smem:$0x3F98];
	s0 =	simm.s32 @p0 $0x1  }
0x13: {  	[smem:$0x3FB3] =	sst s0;
	s0 =	simm.s32 @!p1 $0x0  }
0x14: {  	s2 =	sld [smem:$0x3F97];
	s0 =	simm.s32 @p1 $0x1  }
0x15: {  	[smem:$0x3FB4] =	sst s0;
	s0 =	simm.s32 @!p2 $0x0  }
0x16: {  	s3 =	sld [smem:$0x3FDB];
	s0 =	simm.s32 @p2 $0x1  }
0x17: {  	s4 =	simm.s32 $0x1BF5;
	[smem:$0x3FB6] =	sst s0  }
0x18: {  	s0 =	sld [smem:$0x3F99];
	_ =	swait.ge [sflag:s4], $0x0  }
0x19: {  	s7 =	sld [smem:$0x3F9A]  }
0x1a: {  	s8 =	sadd.s32 $0xFFFFE003, lr  }
0x1b: {  	s9 =	sadd.s32 $0xFFFFFEF7, lr;
	s5 =	simm.s32 $0xFFFFFFFF;
	p2 =	slt.u32 s8, $0xFFFFF086  }
0x1c: {  	p1 =	slt.u32 s9, $0xF7A;
	s5 =	simm.s32 @!p2 $0x0  }
0x1d: {  	s5 =	simm.s32 @p1 $0x1;
	p0 =	seq.s32 s7, s2  }
0x1e: {  	s7 =	smul.u32 @!p0 $0xF7A, s2;
	p2 =	seq.s32 @!p0 s5, $0x0  }
0x1f: {  	s9 =	smul.u32 $0xF7A, s1;
	s8 =	simm.s32 @!p0 $0x1BF5;
	p2 =	por !p2, p0  }
0x20: {  	[sflag:s8] =	ssyncset.s32 @!p0 $0xFFFFF086;
	s6 =	sadd.s32 @!p0 s3, s7;
	s7 =	simm.s32 @!p0 $0x108  }
0x21: {  	s3 =	sadd.s32 s3, s9;
	s6 =	sadd.s32 @!p0 $0x88, s6;
	s7 =	simm.s32 @p2 $0x1082  }
0x22: {  	[simem:s7], [sflag:s8] =	dma.local @!p0 [hbm:s6], $0xF7A  }
0x23: {  	s9 =	sor.u32 $0xD0000000, s2;
	s6 =	simm.s32 $0x108;
	_ =	swait.ge @!p0 [sflag:s8], $0x0  }
0x24: {  	s3 =	sadd.s32 $0x88, s3;
	s6 =	simm.s32 @!p1 $0x1082;
	[sflag:s4] =	ssyncset.s32 $0xFFFFF086  }
0x25: {  	[simem:s6], [sflag:s4] =	dma.local [hbm:s3], $0xF7A  }
0x26: {  	[smem:$0x3F9A] =	sst s1;
	(tag) =	ssettag s2;
	_ =	strace s9  }
0x27: {  	s1 =	sld [smem:$0x3FAA]  }
0x28: {  	s2 =	sld [smem:$0x3FAB]  }
0x29: {  	s4 =	sld [smem:$0x3FAD]  }
0x2a: {  	p0 =	seq.s32 s5, $0x0;
	s5 =	sld [smem:$0x3FAE]  }
0x2b: {  	s6 =	sld [smem:$0x3FAF]  }
0x2c: {  	s7 =	sld [smem:$0x3FB0]  }
0x2d: {  	s3 =	simm.s32 $0x108;
	s8 =	sld [smem:$0x3FB1]  }
0x2e: {  	s3 =	simm.s32 @!p0 $0x1082;
	s9 =	sld [smem:$0x3FB2]  }
0x2f: {  	lr =	sadd.s32 s0, s3;
	s0 =	sld [smem:$0x3FA9]  }
0x30: {  	s3 =	sld [smem:$0x3FAC]  }
0x31: {  	[smem:$0x3FB5] =	sst s10  }
0x32: {  	s10 =	sld [smem:$0x3FB3];
	_ =	sdelay $0x3  }
0x33: {  	p0 =	seq.s32 s10, $0x1;
	s10 =	sld [smem:$0x3FB5];
	_ =	sdelay $0x3  }
0x34: {  	[smem:$0x3FB5] =	sst s10  }
0x35: {  	s10 =	sld [smem:$0x3FB4];
	_ =	sdelay $0x3  }
0x36: {  	p1 =	seq.s32 s10, $0x1;
	s10 =	sld [smem:$0x3FB5];
	_ =	sdelay $0x3  }
0x37: {  	[smem:$0x3FB5] =	sst s10  }
0x38: {  	s10 =	sld [smem:$0x3FB6]  }
0x39: {  	_ = 	snop;
	(pc) =	sbr.ind lr, $3  }
0x3a: {  	_ = 	snop  }
0x3b: {  	_ = 	snop  }
0x3c: {  	p2 =	seq.s32 s10, $0x1;
	s10 =	sld [smem:$0x3FB5]  }
0x3d: {  	_ =	shalt  }
0x3e: {  	_ =	shalt  }
0x3f: {  	_ =	shalt  }
0x40: {  	_ =	shalt  }
0x41: {  	_ =	shalt  }
0x42: {  	_ =	shalt  }
0x43: {  	_ =	shalt  }
0x44: {  	_ =	shalt  }
0x45: {  	_ =	shalt  }
0x46: {  	_ =	shalt  }
0x47: {  	_ =	shalt  }
0x48: {  	_ =	shalt  }
0x49: {  	_ =	shalt  }
0x4a: {  	_ =	shalt  }
0x4b: {  	_ =	shalt  }
0x4c: {  	_ =	shalt  }
0x4d: {  	_ =	shalt  }
0x4e: {  	_ =	shalt  }
0x4f: {  	_ =	shalt  }
0x50: {  	_ =	shalt  }
0x51: {  	_ =	shalt  }
0x52: {  	_ =	shalt  }
0x53: {  	_ =	shalt  }
0x54: {  	_ =	shalt  }
0x55: {  	_ =	shalt  }
0x56: {  	_ =	shalt  }
0x57: {  	_ =	shalt  }
0x58: {  	_ =	shalt  }
0x59: {  	_ =	shalt  }
0x5a: {  	_ =	shalt  }
0x5b: {  	_ =	shalt  }
0x5c: {  	_ =	shalt  }
0x5d: {  	_ =	shalt  }
0x5e: {  	_ =	shalt  }
0x5f: {  	_ =	shalt  }
0x60: {  	_ =	shalt  }
0x61: {  	_ =	shalt  }
0x62: {  	_ =	shalt  }
0x63: {  	_ =	shalt  }
0x64: {  	_ =	shalt  }
0x65: {  	_ =	shalt  }
0x66: {  	_ =	shalt  }
0x67: {  	_ =	shalt  }
0x68: {  	_ =	shalt  }
0x69: {  	_ =	shalt  }
0x6a: {  	_ =	shalt  }
0x6b: {  	_ =	shalt  }
0x6c: {  	_ =	shalt  }
0x6d: {  	_ =	shalt  }
0x6e: {  	_ =	shalt  }
0x6f: {  	_ =	shalt  }
0x70: {  	_ =	shalt  }
0x71: {  	_ =	shalt  }
0x72: {  	_ =	shalt  }
0x73: {  	_ =	shalt  }
0x74: {  	_ =	shalt  }
0x75: {  	_ =	shalt  }
0x76: {  	_ =	shalt  }
0x77: {  	_ =	shalt  }
0x78: {  	_ =	shalt  }
0x79: {  	_ =	shalt  }
0x7a: {  	_ =	shalt  }
0x7b: {  	_ =	shalt  }
0x7c: {  	_ =	shalt  }
0x7d: {  	_ =	shalt  }
0x7e: {  	_ =	shalt  }
0x7f: {  	_ =	shalt  }
0x80: {  	_ =	shalt  }
0x81: {  	_ =	shalt  }
0x82: {  	_ =	shalt  }
0x83: {  	_ =	shalt  }
0x84: {  	_ =	shalt  }
0x85: {  	_ =	shalt  }
0x86: {  	_ =	shalt  }
0x87: {  	_ =	shalt  }
.Lfunc_end0:
.L_simem_size_0:
called_computation.2_lowered:
.L_overlay_start_0:
0x88: {  	s2 =	sld [smem:$0x3FD9]  }
0x89: {  	s3 =	sld [smem:$0x3FFE];
	_ =	sdelay $0x1  }
0x8a: {  	s1 =	srdreg.scid  }
0x8b: {  	s0 =	sand.u32 $0x1, s1  }
0x8c: {  	s17 =	sshll.u32 s0, $0xA;
	s2 =	sadd.s32 s3, s2  }
0x8d: {  	s2 =	sadd.s32 s2, s17  }
0x8e: {  	[smem:$0x3FC1] =	sst s2  }
0x8f: {  	_ = 	snop  }
0x90: {  	s2 =	sld [smem:$0x3FD0];
	(tm) =	ssettm $0x1  }
0x91: {  	s18 =	sld [smem:$0x3FFB];
	_ =	sdelay $0x3  }
0x92: {  	_ =	strace s18  }
0x93: {  	s3 =	sld [smem:$0x3FFC];
	_ =	sdelay $0x3  }
0x94: {  	_ =	strace s3  }
0x95: {  	s3 =	sld [smem:$0x3FFD];
	_ =	sdelay $0x3  }
0x96: {  	_ =	strace s3  }
0x97: {  	_ =	strace $0x8FFFFFFF  }
0x98: {  	s19 =	sld [smem:$0x3FDB];
	_ =	sdelay $0x1  }
0x99: {  	s4 =	simm.s32 $_scs_section_size  }
0x9a: {  	s5 =	simm.s32 $_size__tile_overlayer_lowered;
	s6 =	simm.s32 $_tile_overlayer_lowered  }
0x9b: {  	s22 =	simm.s32 $0x1BFF;
	s21 =	sshll.u32 s6, $0x1;
	s3 =	sadd.s32 s4, s19  }
0x9c: {  	s7 =	simm.s32 $0x0;
	s20 =	sshll.u32 s5, $0x1;
	s5 =	sadd.s32 s21, s3  }
0x9d: {  	[timem:s7], [sflag:s22] =	dma.local [hbm:s5], s20  }
0x9e: {  	_ =	swait.ge [sflag:s22], s20  }
0x9f: {  	s4 =	ssub.s32 $0x0, s20;
	[sflag:s22] =	ssyncset.done $0x0  }
0xa0: {  	[sflag:s22] =	ssyncadd.s32 s4;
	_ =	sdelay $0x1  }
0xa1: {  	s23 =	simm.s32 $0x1B8B  }
0xa2: {  	_ =	swait.ge [sflag:s23], $0x1  }
0xa3: {  	[sflag:s23] =	ssyncset.done $0x0  }
0xa4: {  	s25 =	simm.s32 $0x1B8E;
	s24 =	sld [smem:$0x3FFE];
	[sflag:s23] =	ssyncadd.s32 $0xFFFFFFFF  }
0xa5: {  	s26 =	simm.s32 $execute0_lowered;
	[smem:$0x3FD2] =	sst s25  }
0xa6: {  	s5 =	sshll.u32 s26, $0x1;
	_ =	strace $0x8000004C;
	[dreg:$0x1] =	wrdreg $0xFFFFFFFF  }
0xa7: {  	s28 =	simm.s32 $_size_execute0_lowered;
	s3 =	sadd.s32 s3, s5;
	[dreg:$0x0] =	wrdreg $0x0  }
0xa8: {  	s5 =	sshll.u32 s28, $0x1;
	[dreg:$0x2] =	wrdreg s3  }
0xa9: {  	[dreg:$0x3] =	wrdreg s5  }
0xaa: {  	[dreg:$0x4] =	wrdreg $0xC0  }
0xab: {  	_ =	task [dreg:s7], $0x5FFFF  }
0xac: {  	[dreg:$0x1] =	wrdreg $0xFFFFFFFF  }
0xad: {  	[dreg:$0x0] =	wrdreg $0x60  }
0xae: {  	[dreg:$0x2] =	wrdreg s2  }
0xaf: {  	[dreg:$0x3] =	wrdreg s24  }
0xb0: {  	[dreg:$0x4] =	wrdreg $0x9  }
0xb1: {  	_ =	task.clear_ibuf [dreg:s7], $0x5FFFF;
	_ =	strace $0x9000004C  }
0xb2: {  	s29 =	simm.s32 $0x9;
	_ =	strace $0x8000004E  }
0xb3: {  	_ =	swait.ge [sflag:s29], $0x1  }
0xb4: {  	[sflag:s29] =	ssyncadd.s32 $0xFFFFFFFF  }
0xb5: {  	_ =	strace $0x9000004E  }
0xb6: {  	_ =	sfence  }
0xb7: {  	s30 =	sld [smem:$0x0];
	_ =	sdelay $0x2  }
0xb8: {  	s31 =	sshll.u32 s1, $0xD;
	s1 =	sshrl.u32 s1, $0x2  }
0xb9: {  	s3 =	sand.u32 $0x4000, s31;
	s1 =	sadd.s32 s1, s30  }
0xba: {  	s0 =	sor.u32 s3, s0;
	s1 =	sshll.u32 s1, $0x11  }
0xbb: {  	s0 =	sor.u32 s1, s0  }
0xbc: {  	s0 =	sadd.s32 $0x8F2B, s0  }
0xbd: {  	[sflag:s0] =	ssyncadd.remote.s32 $0x1  }
0xbe: {  	_ =	sfence.sel $0xFFFF  }
0xbf: {  	[dreg:$0x0] =	wrdreg $0xFFFFFFFF;
	(pc) =	sbr.abs _section_cstart, $3  }
0xc0: {  	[dreg:$0x1] =	wrdreg $0xFFFFFFFF  }
0xc1: {  	_ =	task.clear_ibuf [dreg:s7], $0x2FFFF;
	_ =	strace $0x9FFFFFFF  }
0xc2: {  	(tm) =	ssettm $0x7FFFFFFF  }
0xc3: {  	_ =	shalt  }
tec
execute0_lowered:
.L_overlay_start_1:
0x0: {  	(tag) =	ssettag $0x1  }
0x1: {  	s2 =	rddreg [dreg:$0x0]  }
0x2: {  	s7 =	rddreg [dreg:$0x1]  }
0x3: {  	s0 =	rddreg [dreg:$0x2]  }
0x4: {  	s1 =	srdreg.scid;
	_ =	strace $0x8000004D;
	s4 =	simm.s32 $0x1  }
0x5: {  	s9 =	simm.s32 $0x3;
	s11 =	simm.s32 $0x0;
	s5 =	sshll.u32 s1, $0x4  }
.Ltmp0:
0x6: {  	s1 =	stileid.u32;
	s5 =	sand.u32 $0x10, s5;
	(pc) =	sbr.rel .LBB2_1-.Ltmp0, $4  }
0x7: {  	p0 =	por $0x0, $0x0;
	s3 =	sadd.s32 $0x800, s7;
	s6 =	sor.u32 s1, s5  }
0x8: {  	[sflag:s4] =	ssyncpa.u1 $0x0;
	s5 =	simm.s32 $0x2;
	s6 =	sshll.u32 s6, $0xD  }
0x9: {  	s7 =	sadd.s32 $0x469200, s7;
	[sflag:s5] =	ssyncpa.u1 $0x0;
	s8 =	sadd.s32 $0x2000, s6  }
0xa: {  	vm0 =	vmmov $0xff;
	vm1 =	vcmask $0x3F20;
	[sflag:s9] =	ssyncpa.u1 $0x0;
	s10 =	smov.u32 s6;
	s9 =	simm.s32 $0x0  }
.LBB2_7:
0xb: {  	p1 =	slt.u32 s9, $0x2;
	s11 =	sadd.s32 $0x100, s10  }
0xc: {  	s13 =	smov.u32 s6;
	s9 =	sadd.s32 $0x1, s9;
	p2 =	slt.s32 s11, s8  }
0xd: {  	s13 =	smov.u32 @p2 s11;
	p2 =	sne.s32 s9, $0x22  }
.Ltmp1:
0xe: {  	_ = 	snop;
	(pc) =	sbr.rel @!p2 .LBB2_8-.Ltmp1, $4  }
0xf: {  	s12 =	simm.s32 @!p1 $0x3  }
0x10: {  	_ =	swait.ge @!p1 [sflag:s12], $0x8000  }
0x11: {  	p0 =	por !p0, !p0;
	[sflag:s12] =	ssyncset.done @!p1 $0x0  }
0x12: {  	s11 =	smov.u32 s10;
	s10 =	smov.u32 s13;
	[sflag:s12] =	ssyncadd.s32 @!p1 $0xFFFF8000  }
.LBB2_1:
0x13: {  	p1 =	sgt.u32 s9, $0x1F  }
0x14: {  	s12 =	sxor.u32 @!p1 $0xFFFFFFFF, s9  }
0x15: {  	s13 =	sshrl.u32 @!p1 s10, $0x3;
	s12 =	sshll.u32 @!p1 s12, $0x8  }
0x16: {  	s14 =	sand.u32 @!p1 $0x7, s10;
	s13 =	sadd.s32 @!p1 s3, s13;
	s12 =	sand.u32 @!p1 $0x100, s12  }
0x17: {  	[tilespmem:s12], [sflag:$0x2] =	stream.linear.gather @!p1 [hbm4b:s13+s14], $0x100, $0x38;
	[tilespmem:$0x10200] =	vst v63  }
0x18: {  	p1 =	seq.s32 s9, $0x0  }
0x19: {  	p2 =	seq.s32 @!p1 s9, $0x21  }
0x1a: {  	p1 =	por p1, p2  }
.Ltmp2:
0x1b: {  	_ = 	snop;
	(pc) =	sbr.rel @p1 .LBB2_7-.Ltmp2, $1  }
0x1c: {  	_ =	sdelay $0x3  }
0x1d: {  	s12 =	simm.s32 $0x1  }
0x1e: {  	_ =	swait.ge [sflag:s5], $0x100;
	s12 =	simm.s32 @!p0 $0x0  }
0x1f: {  	[sflag:s5] =	ssyncset.done $0x0;
	s14 =	sshll.u32 s12, $0x8  }
0x20: {  	[sflag:s5] =	ssyncadd.s32 $0xFFFFFF00;
	s13 =	sadd.s32 $0x0, s14  }
0x21: {  	v0 =	vld.msk [tilespmem:s13+$0x0 ss:$0x1], $0xffff;
	_ =	sdelay $0x4  }
0x22: {  	vm2 =	vgt.s32 v0, $0x0  }
0x23: {  	v0 =	vnsel vm2, $0x0, v0  }
0x24: {  	v0 =	vmin.u32 v0, $0x44BFF  }
0x25: {  	v0 =	vshll.u32 v0, $0x4;
	_ =	sdelay $0x2  }
0x26: {  	s12 =	sshll.u32 s12, $0xF  }
0x27: {  	s12 =	sor.u32 $0x200, s12  }
0x28: {  	[tilespmem:s12], [sflag:$0x1] =	stream.indirect_vreg.gather [hbm:s2], $0x80, v0, vm0, $0x38;
	[tilespmem:$0x10200] =	vst v63  }
0x29: {  	s15 =	sadd.s32 $0x10, s14;
	s13 =	sadd.s32 $0x400, s12  }
0x2a: {  	[tilespmem:s13], [sflag:$0x1] =	stream.indirect_vreg.gather [hbm:s2], $0x80, v0, vm1, $0x38;
	[tilespmem:$0x10200] =	vst v63  }
0x2b: {  	s16 =	simm.s32 $0x80;
	v0 =	vld.msk [tilespmem:s15+$0x0 ss:$0x1], $0xffff;
	s15 =	smov.u32 s12  }
.LBB2_3:
0x2c: {  	p1 =	sne.s32 s16, $0x3C0;
	_ =	sdelay $0x4  }
0x2d: {  	vm2 =	vgt.s32 v0, $0x0  }
0x2e: {  	v0 =	vnsel vm2, $0x0, v0  }
0x2f: {  	v0 =	vmin.u32 v0, $0x44BFF  }
0x30: {  	v0 =	vshll.u32 v0, $0x4;
	_ =	sdelay $0x3  }
.Ltmp3:
0x31: {  	s17 =	sshra.s32 s16, $0x2;
	s15 =	sadd.s32 $0x800, s15;
	(pc) =	sbr.rel @p1 .LBB2_3-.Ltmp3, $4  }
0x32: {  	[tilespmem:s15], [sflag:$0x1] =	stream.indirect_vreg.gather [hbm:s2], $0x80, v0, vm0, $0x38;
	[tilespmem:$0x10200] =	vst v63  }
0x33: {  	s17 =	sadd.s32 s17, s14;
	s18 =	sadd.s32 $0x400, s15  }
0x34: {  	[tilespmem:s18], [sflag:$0x1] =	stream.indirect_vreg.gather [hbm:s2], $0x80, v0, vm1, $0x38;
	[tilespmem:$0x10200] =	vst v63  }
0x35: {  	s16 =	sadd.s32 $0x40, s16;
	v0 =	vld.msk [tilespmem:s17+$0x0 ss:$0x1], $0xffff  }
0x36: {  	_ =	sdelay $0x3  }
0x37: {  	vm2 =	vgt.s32 v0, $0x0  }
0x38: {  	v0 =	vnsel vm2, $0x0, v0  }
0x39: {  	v0 =	vmin.u32 v0, $0x44BFF  }
0x3a: {  	v0 =	vshll.u32 v0, $0x4;
	_ =	sdelay $0x3  }
0x3b: {  	s14 =	sadd.s32 $0x800, s15  }
0x3c: {  	[tilespmem:s14], [sflag:$0x1] =	stream.indirect_vreg.gather [hbm:s2], $0x80, v0, vm0, $0x38;
	[tilespmem:$0x10200] =	vst v63  }
0x3d: {  	s14 =	sadd.s32 $0x400, s14  }
0x3e: {  	[tilespmem:s14], [sflag:$0x1] =	stream.indirect_vreg.gather [hbm:s2], $0x80, v0, vm1, $0x38;
	[tilespmem:$0x10200] =	vst v63  }
0x3f: {  	s11 =	sshll.u32 s11, $0x4;
	_ =	swait.ge [sflag:s4], $0x8000  }
0x40: {  	s11 =	sadd.s32 s11, s7;
	[sflag:s4] =	ssyncset.done $0x0  }
0x41: {  	s15 =	sadd.s32 $0x0, s11;
	s14 =	simm.s32 $0x80;
	[sflag:s4] =	ssyncadd.s32 $0xFFFF8000  }
.LBB2_5:
0x42: {  	[hbm:s15] =	stream.linear.scatter [tilespmem:s12], [sflag:$0x3], $0x400, $0x38;
	[tilespmem:$0x10200] =	vst v63  }
0x43: {  	s15 =	smov.u32 s14;
	s12 =	smov.u32 s13;
	p1 =	sne.s32 s14, $0xF80  }
.Ltmp4:
0x44: {  	s14 =	sadd.s32 $0x80, s14;
	(pc) =	sbr.rel @p1 .LBB2_5-.Ltmp4, $2  }
0x45: {  	_ =	sdelay $0x2  }
0x46: {  	s13 =	sadd.s32 $0x400, s13;
	s15 =	sadd.s32 s15, s11  }
.Ltmp5:
0x47: {  	(pc) =	sbr.rel .LBB2_7-.Ltmp5, $2  }
0x48: {  	_ =	sdelay $0x2  }
0x49: {  	[hbm:s15] =	stream.linear.scatter [tilespmem:s12], [sflag:$0x3], $0x400, $0x38;
	[tilespmem:$0x10200] =	vst v63  }
.LBB2_8:
0x4a: {  	_ =	sfence.sel $0x180000  }
0x4b: {  	s2 =	simm.s32 $0x2;
	[bflag:$0x0] =	sbarrier.arrive $0xFFFF  }
0x4c: {  	s30 =	simm.s32 $0x3;
	[sflag:s2] =	ssyncpa.u1 $0x1  }
0x4d: {  	s31 =	simm.s32 $0x1;
	[sflag:s30] =	ssyncpa.u1 $0x1  }
0x4e: {  	[sflag:s31] =	ssyncpa.u1 $0x1  }
0x4f: {  	p0 =	sne.s32 s1, $0x0;
	_ =	strace $0x9000004D  }
0x50: {  	s0 =	sadd.s32 @!p0 $0x100000, s0;
	[bflag:$0x2] =	sbarrier.arrive $0xFFFF  }
0x51: {  	[sflag:s0] =	ssyncadd.tile.s32 @!p0 $0x1;
	_ =	shalt  }
.Lfunc_end2:
_tile_overlayer_lowered:
.L_overlay_start_2:
0x52: {  	(tag) =	ssettag $0x2  }
0x53: {  	s0 =	rddreg [dreg:$0x0];
	s2 =	stileid.u32  }
0x54: {  	s1 =	rddreg [dreg:$0x1];
	p0 =	sne.s32 s2, $0x0  }
0x55: {  	s3 =	rddreg [dreg:$0x2];
	[bflag:$0x3] =	sbarrier.arrive $0xFFFF;
	s2 =	simm.s32 @!p0 $0x1C01  }
0x56: {  	[timem:s3], [sflag:s2] =	dma.local @!p0 [hbm:s0], s1  }
0x57: {  	s0 =	simm.s32 @!p0 $0x1  }
0x58: {  	_ =	swait.ge @!p0 [sflag:s0], s1  }
0x59: {  	s1 =	ssub.s32 @!p0 $0x0, s1;
	[sflag:s0] =	ssyncset.done @!p0 $0x0  }
0x5a: {  	[sflag:s0] =	ssyncadd.s32 @!p0 s1  }
0x5b: {  	[bflag:$0x3] =	sbarrier.arrive $0xFFFF  }
0x5c: {  	_ =	shalt  }

// kernel: kernel.8.cloned.1.call-start
scs
__scs_entry_jumppad:
0x0: {  	(pc) =	sbr.rel $0x88, $3  }
0x1: {  	(tag) =	ssettag $0x0;
	lr =	simm.s32 $0x1  }
0x2: {  	[smem:$0x3F9A] =	sst lr;
	_ =	strace $0xD0000000  }
0x3: {  	_ = 	snop  }
0x4: {  	_ = 	snop  }
0x5: {  	_ = 	snop  }
0x6: {  	_ = 	snop  }
0x7: {  	_ = 	snop  }
__scs_overlays_trampoline_lowered:
0x8: {  	[smem:$0x3FA9] =	sst s0  }
0x9: {  	[smem:$0x3FAA] =	sst s1  }
0xa: {  	[smem:$0x3FAB] =	sst s2  }
0xb: {  	[smem:$0x3FAC] =	sst s3  }
0xc: {  	[smem:$0x3FAD] =	sst s4  }
0xd: {  	[smem:$0x3FAE] =	sst s5  }
0xe: {  	[smem:$0x3FAF] =	sst s6  }
0xf: {  	[smem:$0x3FB0] =	sst s7  }
0x10: {  	[smem:$0x3FB1] =	sst s8  }
0x11: {  	[smem:$0x3FB2] =	sst s9;
	s0 =	simm.s32 @!p0 $0x0  }
0x12: {  	s1 =	sld [smem:$0x3F98];
	s0 =	simm.s32 @p0 $0x1  }
0x13: {  	[smem:$0x3FB3] =	sst s0;
	s0 =	simm.s32 @!p1 $0x0  }
0x14: {  	s2 =	sld [smem:$0x3F97];
	s0 =	simm.s32 @p1 $0x1  }
0x15: {  	[smem:$0x3FB4] =	sst s0;
	s0 =	simm.s32 @!p2 $0x0  }
0x16: {  	s3 =	sld [smem:$0x3FDB];
	s0 =	simm.s32 @p2 $0x1  }
0x17: {  	s4 =	simm.s32 $0x1BF5;
	[smem:$0x3FB6] =	sst s0  }
0x18: {  	s0 =	sld [smem:$0x3F99];
	_ =	swait.ge [sflag:s4], $0x0  }
0x19: {  	s7 =	sld [smem:$0x3F9A]  }
0x1a: {  	s8 =	sadd.s32 $0xFFFFE003, lr  }
0x1b: {  	s9 =	sadd.s32 $0xFFFFFEF7, lr;
	s5 =	simm.s32 $0xFFFFFFFF;
	p2 =	slt.u32 s8, $0xFFFFF086  }
0x1c: {  	p1 =	slt.u32 s9, $0xF7A;
	s5 =	simm.s32 @!p2 $0x0  }
0x1d: {  	s5 =	simm.s32 @p1 $0x1;
	p0 =	seq.s32 s7, s2  }
0x1e: {  	s7 =	smul.u32 @!p0 $0xF7A, s2;
	p2 =	seq.s32 @!p0 s5, $0x0  }
0x1f: {  	s9 =	smul.u32 $0xF7A, s1;
	s8 =	simm.s32 @!p0 $0x1BF5;
	p2 =	por !p2, p0  }
0x20: {  	[sflag:s8] =	ssyncset.s32 @!p0 $0xFFFFF086;
	s6 =	sadd.s32 @!p0 s3, s7;
	s7 =	simm.s32 @!p0 $0x108  }
0x21: {  	s3 =	sadd.s32 s3, s9;
	s6 =	sadd.s32 @!p0 $0x88, s6;
	s7 =	simm.s32 @p2 $0x1082  }
0x22: {  	[simem:s7], [sflag:s8] =	dma.local @!p0 [hbm:s6], $0xF7A  }
0x23: {  	s9 =	sor.u32 $0xD0000000, s2;
	s6 =	simm.s32 $0x108;
	_ =	swait.ge @!p0 [sflag:s8], $0x0  }
0x24: {  	s3 =	sadd.s32 $0x88, s3;
	s6 =	simm.s32 @!p1 $0x1082;
	[sflag:s4] =	ssyncset.s32 $0xFFFFF086  }
0x25: {  	[simem:s6], [sflag:s4] =	dma.local [hbm:s3], $0xF7A  }
0x26: {  	[smem:$0x3F9A] =	sst s1;
	(tag) =	ssettag s2;
	_ =	strace s9  }
0x27: {  	s1 =	sld [smem:$0x3FAA]  }
0x28: {  	s2 =	sld [smem:$0x3FAB]  }
0x29: {  	s4 =	sld [smem:$0x3FAD]  }
0x2a: {  	p0 =	seq.s32 s5, $0x0;
	s5 =	sld [smem:$0x3FAE]  }
0x2b: {  	s6 =	sld [smem:$0x3FAF]  }
0x2c: {  	s7 =	sld [smem:$0x3FB0]  }
0x2d: {  	s3 =	simm.s32 $0x108;
	s8 =	sld [smem:$0x3FB1]  }
0x2e: {  	s3 =	simm.s32 @!p0 $0x1082;
	s9 =	sld [smem:$0x3FB2]  }
0x2f: {  	lr =	sadd.s32 s0, s3;
	s0 =	sld [smem:$0x3FA9]  }
0x30: {  	s3 =	sld [smem:$0x3FAC]  }
0x31: {  	[smem:$0x3FB5] =	sst s10  }
0x32: {  	s10 =	sld [smem:$0x3FB3];
	_ =	sdelay $0x3  }
0x33: {  	p0 =	seq.s32 s10, $0x1;
	s10 =	sld [smem:$0x3FB5];
	_ =	sdelay $0x3  }
0x34: {  	[smem:$0x3FB5] =	sst s10  }
0x35: {  	s10 =	sld [smem:$0x3FB4];
	_ =	sdelay $0x3  }
0x36: {  	p1 =	seq.s32 s10, $0x1;
	s10 =	sld [smem:$0x3FB5];
	_ =	sdelay $0x3  }
0x37: {  	[smem:$0x3FB5] =	sst s10  }
0x38: {  	s10 =	sld [smem:$0x3FB6]  }
0x39: {  	_ = 	snop;
	(pc) =	sbr.ind lr, $3  }
0x3a: {  	_ = 	snop  }
0x3b: {  	_ = 	snop  }
0x3c: {  	p2 =	seq.s32 s10, $0x1;
	s10 =	sld [smem:$0x3FB5]  }
0x3d: {  	_ =	shalt  }
0x3e: {  	_ =	shalt  }
0x3f: {  	_ =	shalt  }
0x40: {  	_ =	shalt  }
0x41: {  	_ =	shalt  }
0x42: {  	_ =	shalt  }
0x43: {  	_ =	shalt  }
0x44: {  	_ =	shalt  }
0x45: {  	_ =	shalt  }
0x46: {  	_ =	shalt  }
0x47: {  	_ =	shalt  }
0x48: {  	_ =	shalt  }
0x49: {  	_ =	shalt  }
0x4a: {  	_ =	shalt  }
0x4b: {  	_ =	shalt  }
0x4c: {  	_ =	shalt  }
0x4d: {  	_ =	shalt  }
0x4e: {  	_ =	shalt  }
0x4f: {  	_ =	shalt  }
0x50: {  	_ =	shalt  }
0x51: {  	_ =	shalt  }
0x52: {  	_ =	shalt  }
0x53: {  	_ =	shalt  }
0x54: {  	_ =	shalt  }
0x55: {  	_ =	shalt  }
0x56: {  	_ =	shalt  }
0x57: {  	_ =	shalt  }
0x58: {  	_ =	shalt  }
0x59: {  	_ =	shalt  }
0x5a: {  	_ =	shalt  }
0x5b: {  	_ =	shalt  }
0x5c: {  	_ =	shalt  }
0x5d: {  	_ =	shalt  }
0x5e: {  	_ =	shalt  }
0x5f: {  	_ =	shalt  }
0x60: {  	_ =	shalt  }
0x61: {  	_ =	shalt  }
0x62: {  	_ =	shalt  }
0x63: {  	_ =	shalt  }
0x64: {  	_ =	shalt  }
0x65: {  	_ =	shalt  }
0x66: {  	_ =	shalt  }
0x67: {  	_ =	shalt  }
0x68: {  	_ =	shalt  }
0x69: {  	_ =	shalt  }
0x6a: {  	_ =	shalt  }
0x6b: {  	_ =	shalt  }
0x6c: {  	_ =	shalt  }
0x6d: {  	_ =	shalt  }
0x6e: {  	_ =	shalt  }
0x6f: {  	_ =	shalt  }
0x70: {  	_ =	shalt  }
0x71: {  	_ =	shalt  }
0x72: {  	_ =	shalt  }
0x73: {  	_ =	shalt  }
0x74: {  	_ =	shalt  }
0x75: {  	_ =	shalt  }
0x76: {  	_ =	shalt  }
0x77: {  	_ =	shalt  }
0x78: {  	_ =	shalt  }
0x79: {  	_ =	shalt  }
0x7a: {  	_ =	shalt  }
0x7b: {  	_ =	shalt  }
0x7c: {  	_ =	shalt  }
0x7d: {  	_ =	shalt  }
0x7e: {  	_ =	shalt  }
0x7f: {  	_ =	shalt  }
0x80: {  	_ =	shalt  }
0x81: {  	_ =	shalt  }
0x82: {  	_ =	shalt  }
0x83: {  	_ =	shalt  }
0x84: {  	_ =	shalt  }
0x85: {  	_ =	shalt  }
0x86: {  	_ =	shalt  }
0x87: {  	_ =	shalt  }
.Lfunc_end0:
.L_simem_size_0:
called_computation.3_lowered:
.L_overlay_start_0:
0x88: {  	s0 =	sld [smem:$0x3FD9]  }
0x89: {  	s1 =	sld [smem:$0x3FFE];
	_ =	sdelay $0x3  }
0x8a: {  	s0 =	sadd.s32 s1, s0  }
0x8b: {  	[smem:$0x3FC1] =	sst s0  }
0x8c: {  	_ = 	snop  }
0x8d: {  	(tm) =	ssettm $0x1  }
0x8e: {  	s15 =	sld [smem:$0x3FFB];
	_ =	sdelay $0x3  }
0x8f: {  	_ =	strace s15  }
0x90: {  	s0 =	sld [smem:$0x3FFC];
	_ =	sdelay $0x3  }
0x91: {  	_ =	strace s0  }
0x92: {  	s0 =	sld [smem:$0x3FFD];
	_ =	sdelay $0x3  }
0x93: {  	_ =	strace s0  }
0x94: {  	_ =	strace $0x8FFFFFFF  }
0x95: {  	s16 =	sld [smem:$0x3FDB];
	_ =	sdelay $0x1  }
0x96: {  	s17 =	simm.s32 $_scs_section_size  }
0x97: {  	s2 =	simm.s32 $_size__tile_overlayer_lowered;
	s3 =	simm.s32 $_tile_overlayer_lowered  }
0x98: {  	s20 =	simm.s32 $0x1BFF;
	s19 =	sshll.u32 s3, $0x1;
	s0 =	sadd.s32 s17, s16  }
0x99: {  	s4 =	simm.s32 $0x0;
	s18 =	sshll.u32 s2, $0x1;
	s2 =	sadd.s32 s19, s0  }
0x9a: {  	[timem:s4], [sflag:s20] =	dma.local [hbm:s2], s18  }
0x9b: {  	_ =	swait.ge [sflag:s20], s18  }
0x9c: {  	s1 =	ssub.s32 $0x0, s18;
	[sflag:s20] =	ssyncset.done $0x0  }
0x9d: {  	[sflag:s20] =	ssyncadd.s32 s1;
	_ =	sdelay $0x1  }
0x9e: {  	s21 =	simm.s32 $0x1B8B  }
0x9f: {  	_ =	swait.ge [sflag:s21], $0x1  }
0xa0: {  	[sflag:s21] =	ssyncset.done $0x0  }
0xa1: {  	s23 =	simm.s32 $0x1B8E;
	s22 =	sld [smem:$0x3FFE];
	[sflag:s21] =	ssyncadd.s32 $0xFFFFFFFF  }
0xa2: {  	s24 =	simm.s32 $execute0_lowered;
	[smem:$0x3FD2] =	sst s23  }
0xa3: {  	s2 =	sshll.u32 s24, $0x1;
	_ =	strace $0x80000046;
	[dreg:$0x1] =	wrdreg $0xFFFFFFFF  }
0xa4: {  	s25 =	simm.s32 $_size_execute0_lowered;
	s0 =	sadd.s32 s0, s2;
	[dreg:$0x0] =	wrdreg $0x0  }
0xa5: {  	s2 =	sshll.u32 s25, $0x1;
	[dreg:$0x2] =	wrdreg s0  }
0xa6: {  	[dreg:$0x3] =	wrdreg s2  }
0xa7: {  	[dreg:$0x4] =	wrdreg $0xC0  }
0xa8: {  	_ =	task [dreg:s4], $0x5FFFF  }
0xa9: {  	[dreg:$0x1] =	wrdreg $0xFFFFFFFF  }
0xaa: {  	[dreg:$0x0] =	wrdreg $0x60  }
0xab: {  	[dreg:$0x2] =	wrdreg s22  }
0xac: {  	[dreg:$0x3] =	wrdreg $0xC0000  }
0xad: {  	[dreg:$0x4] =	wrdreg $0x104C00  }
0xae: {  	[dreg:$0x5] =	wrdreg $0x149800  }
0xaf: {  	[dreg:$0x6] =	wrdreg $0x18E400  }
0xb0: {  	[dreg:$0x7] =	wrdreg $0x9  }
0xb1: {  	_ =	task.clear_ibuf [dreg:s4], $0x8FFFF;
	_ =	strace $0x90000046  }
0xb2: {  	s26 =	simm.s32 $0x9;
	_ =	strace $0x80000048  }
0xb3: {  	_ =	swait.ge [sflag:s26], $0x1  }
0xb4: {  	[sflag:s26] =	ssyncadd.s32 $0xFFFFFFFF  }
0xb5: {  	_ =	strace $0x90000048  }
0xb6: {  	_ =	sfence  }
0xb7: {  	s28 =	sld [smem:$0x0];
	_ =	sdelay $0x1  }
0xb8: {  	s29 =	srdreg.scid  }
0xb9: {  	s30 =	sshll.u32 s29, $0xD;
	s31 =	sshrl.u32 s29, $0x2  }
0xba: {  	s1 =	sand.u32 $0x1, s29;
	s2 =	sand.u32 $0x4000, s30;
	s0 =	sadd.s32 s31, s28  }
0xbb: {  	s1 =	sor.u32 s2, s1;
	s0 =	sshll.u32 s0, $0x11  }
0xbc: {  	s0 =	sor.u32 s0, s1  }
0xbd: {  	s0 =	sadd.s32 $0x8F2B, s0  }
0xbe: {  	[sflag:s0] =	ssyncadd.remote.s32 $0x1  }
0xbf: {  	_ =	sfence.sel $0xFFFF  }
0xc0: {  	[dreg:$0x0] =	wrdreg $0xFFFFFFFF;
	(pc) =	sbr.abs _section_cstart, $3  }
0xc1: {  	[dreg:$0x1] =	wrdreg $0xFFFFFFFF  }
0xc2: {  	_ =	task.clear_ibuf [dreg:s4], $0x2FFFF;
	_ =	strace $0x9FFFFFFF  }
0xc3: {  	(tm) =	ssettm $0x7FFFFFFF  }
tec
execute0_lowered:
.L_overlay_start_1:
0x0: {  	(tag) =	ssettag $0x1  }
0x1: {  	s9 =	rddreg [dreg:$0x0]  }
0x2: {  	s8 =	rddreg [dreg:$0x1]  }
0x3: {  	s7 =	rddreg [dreg:$0x2]  }
0x4: {  	s6 =	rddreg [dreg:$0x3]  }
0x5: {  	s3 =	rddreg [dreg:$0x4]  }
0x6: {  	s0 =	rddreg [dreg:$0x5];
	s2 =	simm.s32 $0x0  }
0x7: {  	s4 =	simm.s32 $0x8000;
	s14 =	stileid.u32;
	[smem:$0x7FF] =	sst s2  }
0x8: {  	s5 =	simm.s32 $0x1;
	s1 =	sadd.s32 $0x28800, s9;
	_ =	strace $0x80000047  }
0x9: {  	[tilespmem:s4], [sflag:$0x1] =	stream.linear.gather [hbm4b:s1+s2], $0x4000, $0x38;
	[tilespmem:$0x1D300] =	vst v63  }
0xa: {  	s10 =	smul.u32 $0x44C0, s14;
	_ =	swait.ge [sflag:s5], $0x4000  }
0xb: {  	[sflag:s5] =	ssyncset.done $0x0  }
0xc: {  	s11 =	sadd.s32 s10, s8;
	[sflag:s5] =	ssyncadd.s32 $0xFFFFC000  }
0xd: {  	[spmem:s11] =	stream.linear.scatter [tilespmem:s4], [sflag:$0x1], $0x4000, $0x38;
	[tilespmem:$0x1D300] =	vst v63  }
0xe: {  	_ =	swait.ge [sflag:s5], $0x4000  }
0xf: {  	s15 =	sadd.s32 $0x4000, s10;
	[sflag:s5] =	ssyncset.done $0x0  }
0x10: {  	s12 =	sadd.s32 s15, s8;
	[sflag:s5] =	ssyncadd.s32 $0xFFFFC000  }
0x11: {  	[spmem:s12] =	stream.linear.scatter [tilespmem:s4], [sflag:$0x1], $0x4C0, $0x38;
	[tilespmem:$0x1D300] =	vst v63  }
0x12: {  	_ =	swait.ge [sflag:s5], $0x4C0  }
0x13: {  	[sflag:s5] =	ssyncset.done $0x0  }
0x14: {  	s16 =	sadd.s32 s10, s7;
	[sflag:s5] =	ssyncadd.s32 $0xFFFFFB40  }
0x15: {  	[spmem:s16] =	stream.linear.scatter [tilespmem:s4], [sflag:$0x1], $0x4000, $0x38;
	[tilespmem:$0x1D300] =	vst v63  }
0x16: {  	_ =	swait.ge [sflag:s5], $0x4000  }
0x17: {  	[sflag:s5] =	ssyncset.done $0x0  }
0x18: {  	s17 =	sadd.s32 s15, s7;
	[sflag:s5] =	ssyncadd.s32 $0xFFFFC000  }
0x19: {  	[spmem:s17] =	stream.linear.scatter [tilespmem:s4], [sflag:$0x1], $0x4C0, $0x38;
	[tilespmem:$0x1D300] =	vst v63  }
0x1a: {  	_ =	swait.ge [sflag:s5], $0x4C0  }
0x1b: {  	[sflag:s5] =	ssyncset.done $0x0  }
0x1c: {  	s18 =	sadd.s32 s10, s6;
	[sflag:s5] =	ssyncadd.s32 $0xFFFFFB40  }
0x1d: {  	[spmem:s18] =	stream.linear.scatter [tilespmem:s4], [sflag:$0x1], $0x4000, $0x38;
	[tilespmem:$0x1D300] =	vst v63  }
0x1e: {  	_ =	swait.ge [sflag:s5], $0x4000  }
0x1f: {  	[sflag:s5] =	ssyncset.done $0x0  }
0x20: {  	s19 =	sadd.s32 s15, s6;
	[sflag:s5] =	ssyncadd.s32 $0xFFFFC000  }
0x21: {  	[spmem:s19] =	stream.linear.scatter [tilespmem:s4], [sflag:$0x1], $0x4C0, $0x38;
	[tilespmem:$0x1D300] =	vst v63  }
0x22: {  	_ =	swait.ge [sflag:s5], $0x4C0  }
0x23: {  	[sflag:s5] =	ssyncset.done $0x0  }
0x24: {  	s10 =	sadd.s32 s10, s3;
	[sflag:s5] =	ssyncadd.s32 $0xFFFFFB40  }
0x25: {  	[spmem:s10] =	stream.linear.scatter [tilespmem:s4], [sflag:$0x1], $0x4000, $0x38;
	[tilespmem:$0x1D300] =	vst v63  }
0x26: {  	_ =	swait.ge [sflag:s5], $0x4000  }
0x27: {  	[sflag:s5] =	ssyncset.done $0x0  }
0x28: {  	s20 =	sadd.s32 s15, s3;
	[sflag:s5] =	ssyncadd.s32 $0xFFFFC000  }
0x29: {  	[spmem:s20] =	stream.linear.scatter [tilespmem:s4], [sflag:$0x1], $0x4C0, $0x38;
	[tilespmem:$0x1D300] =	vst v63  }
0x2a: {  	_ =	swait.ge [sflag:s5], $0x4C0  }
0x2b: {  	s21 =	sshll.u32 s14, $0xB;
	[sflag:s5] =	ssyncset.done $0x0  }
0x2c: {  	s9 =	sadd.s32 s21, s9;
	[sflag:s5] =	ssyncadd.s32 $0xFFFFFB40  }
0x2d: {  	s10 =	sadd.s32 $0x18800, s9;
	[bflag:$0x0] =	sbarrier.arrive $0xFFFF  }
0x2e: {  	[tilespmem:s2], [sflag:$0x1] =	stream.linear.gather [hbm4b:s10+s2], $0x4000, $0x38;
	[tilespmem:$0x1D300] =	vst v63  }
0x2f: {  	_ =	swait.ge [sflag:s5], $0x4000  }
0x30: {  	[sflag:s5] =	ssyncset.done $0x0  }
0x31: {  	s23 =	simm.s32 $0x4000;
	s22 =	sadd.s32 $0x31200, s9;
	[sflag:s5] =	ssyncadd.s32 $0xFFFFC000  }
0x32: {  	[tilespmem:s23], [sflag:$0x1] =	stream.linear.gather [hbm4b:s22+s2], $0x4000, $0x38;
	[tilespmem:$0x1D300] =	vst v63  }
0x33: {  	_ =	swait.ge [sflag:s5], $0x4000  }
0x34: {  	[sflag:s5] =	ssyncset.done $0x0  }
0x35: {  	[sflag:s5] =	ssyncadd.s32 $0xFFFFC000  }
0x36: {  	[spmem:s8] =	stream.indirect.scatter.add.f32 [tilespmem:s23], [sflag:$0x1], $0x1, s2, s23, $0xb8;
	[tilespmem:$0x1D300] =	vst v63  }
0x37: {  	_ =	swait.ge [sflag:s5], $0x4000  }
0x38: {  	[sflag:s5] =	ssyncset.done $0x0  }
0x39: {  	s24 =	sadd.s32 $0x10800, s9;
	[sflag:s5] =	ssyncadd.s32 $0xFFFFC000  }
0x3a: {  	[tilespmem:s23], [sflag:$0x1] =	stream.linear.gather [hbm4b:s24+s2], $0x4000, $0x38;
	[tilespmem:$0x1D300] =	vst v63  }
0x3b: {  	_ =	swait.ge [sflag:s5], $0x4000  }
0x3c: {  	[sflag:s5] =	ssyncset.done $0x0  }
0x3d: {  	[sflag:s5] =	ssyncadd.s32 $0xFFFFC000  }
0x3e: {  	[spmem:s7] =	stream.indirect.scatter.add.f32 [tilespmem:s23], [sflag:$0x1], $0x1, s2, s23, $0xb8;
	[tilespmem:$0x1D300] =	vst v63  }
0x3f: {  	_ =	swait.ge [sflag:s5], $0x4000  }
0x40: {  	[sflag:s5] =	ssyncset.done $0x0  }
0x41: {  	s25 =	sadd.s32 $0x8800, s9;
	[sflag:s5] =	ssyncadd.s32 $0xFFFFC000  }
0x42: {  	[tilespmem:s23], [sflag:$0x1] =	stream.linear.gather [hbm4b:s25+s2], $0x4000, $0x38;
	[tilespmem:$0x1D300] =	vst v63  }
0x43: {  	_ =	swait.ge [sflag:s5], $0x4000  }
0x44: {  	[sflag:s5] =	ssyncset.done $0x0  }
0x45: {  	[sflag:s5] =	ssyncadd.s32 $0xFFFFC000  }
0x46: {  	[spmem:s6] =	stream.indirect.scatter.add.f32 [tilespmem:s23], [sflag:$0x1], $0x1, s2, s23, $0xb8;
	[tilespmem:$0x1D300] =	vst v63  }
0x47: {  	_ =	swait.ge [sflag:s5], $0x4000  }
0x48: {  	[sflag:s5] =	ssyncset.done $0x0  }
0x49: {  	s26 =	sadd.s32 $0x800, s9;
	[sflag:s5] =	ssyncadd.s32 $0xFFFFC000  }
0x4a: {  	[tilespmem:s23], [sflag:$0x1] =	stream.linear.gather [hbm4b:s26+s2], $0x4000, $0x38;
	[tilespmem:$0x1D300] =	vst v63  }
0x4b: {  	_ =	swait.ge [sflag:s5], $0x4000  }
0x4c: {  	[sflag:s5] =	ssyncset.done $0x0  }
0x4d: {  	[sflag:s5] =	ssyncadd.s32 $0xFFFFC000  }
0x4e: {  	[spmem:s3] =	stream.indirect.scatter.add.f32 [tilespmem:s23], [sflag:$0x1], $0x1, s2, s23, $0xb8;
	[tilespmem:$0x1D300] =	vst v63  }
0x4f: {  	_ =	swait.ge [sflag:s5], $0x4000  }
0x50: {  	[sflag:s5] =	ssyncset.done $0x0  }
0x51: {  	[sflag:s5] =	ssyncadd.s32 $0xFFFFC000  }
0x52: {  	[bflag:$0x0] =	sbarrier.arrive $0xFFFF  }
0x53: {  	[tilespmem:s4], [sflag:$0x1] =	stream.indirect.gather [spmem:s8], $0x1, s2, s23, $0xb8;
	[tilespmem:$0x1D300] =	vst v63  }
0x54: {  	_ =	swait.ge [sflag:s5], $0x4000  }
0x55: {  	[sflag:s5] =	ssyncset.done $0x0  }
0x56: {  	s28 =	sadd.s32 $0x39200, s9;
	[sflag:s5] =	ssyncadd.s32 $0xFFFFC000  }
0x57: {  	[hbm4b:s28+s2] =	stream.linear.scatter [tilespmem:s4], [sflag:$0x1], $0x4000, $0x38;
	[tilespmem:$0x1D300] =	vst v63  }
0x58: {  	_ =	swait.ge [sflag:s5], $0x4000  }
0x59: {  	[sflag:s5] =	ssyncset.done $0x0  }
0x5a: {  	[sflag:s5] =	ssyncadd.s32 $0xFFFFC000  }
0x5b: {  	[tilespmem:s4], [sflag:$0x1] =	stream.indirect.gather [spmem:s7], $0x1, s2, s23, $0xb8;
	[tilespmem:$0x1D300] =	vst v63  }
0x5c: {  	_ =	swait.ge [sflag:s5], $0x4000  }
0x5d: {  	[sflag:s5] =	ssyncset.done $0x0  }
0x5e: {  	s29 =	sadd.s32 $0x41200, s9;
	[sflag:s5] =	ssyncadd.s32 $0xFFFFC000  }
0x5f: {  	[hbm4b:s29+s2] =	stream.linear.scatter [tilespmem:s4], [sflag:$0x1], $0x4000, $0x38;
	[tilespmem:$0x1D300] =	vst v63  }
0x60: {  	_ =	swait.ge [sflag:s5], $0x4000  }
0x61: {  	[sflag:s5] =	ssyncset.done $0x0  }
0x62: {  	[sflag:s5] =	ssyncadd.s32 $0xFFFFC000  }
0x63: {  	[tilespmem:s4], [sflag:$0x1] =	stream.indirect.gather [spmem:s6], $0x1, s2, s23, $0xb8;
	[tilespmem:$0x1D300] =	vst v63  }
0x64: {  	_ =	swait.ge [sflag:s5], $0x4000  }
0x65: {  	[sflag:s5] =	ssyncset.done $0x0  }
0x66: {  	s30 =	sadd.s32 $0x49200, s9;
	[sflag:s5] =	ssyncadd.s32 $0xFFFFC000  }
0x67: {  	[hbm4b:s30+s2] =	stream.linear.scatter [tilespmem:s4], [sflag:$0x1], $0x4000, $0x38;
	[tilespmem:$0x1D300] =	vst v63  }
0x68: {  	_ =	swait.ge [sflag:s5], $0x4000  }
0x69: {  	[sflag:s5] =	ssyncset.done $0x0  }
0x6a: {  	[sflag:s5] =	ssyncadd.s32 $0xFFFFC000  }
0x6b: {  	[tilespmem:s4], [sflag:$0x1] =	stream.indirect.gather [spmem:s3], $0x1, s2, s23, $0xb8;
	[tilespmem:$0x1D300] =	vst v63  }
0x6c: {  	_ =	swait.ge [sflag:s5], $0x4000  }
0x6d: {  	[sflag:s5] =	ssyncset.done $0x0  }
0x6e: {  	s31 =	sadd.s32 $0x51200, s9;
	[sflag:s5] =	ssyncadd.s32 $0xFFFFC000  }
0x6f: {  	[hbm4b:s31+s2] =	stream.linear.scatter [tilespmem:s4], [sflag:$0x1], $0x4000, $0x38;
	[tilespmem:$0x1D300] =	vst v63  }
0x70: {  	_ =	swait.ge [sflag:s5], $0x4000  }
0x71: {  	[sflag:s5] =	ssyncset.done $0x0  }
0x72: {  	[sflag:s5] =	ssyncadd.s32 $0xFFFFC000  }
0x73: {  	_ =	sfence.sel $0x180000  }
0x74: {  	[bflag:$0x0] =	sbarrier.arrive $0xFFFF  }
0x75: {  	p0 =	sne.s32 s14, $0x0;
	_ =	strace $0x90000047  }
0x76: {  	s0 =	sadd.s32 @!p0 $0x100000, s0;
	[bflag:$0x2] =	sbarrier.arrive $0xFFFF  }
0x77: {  	[sflag:s0] =	ssyncadd.tile.s32 @!p0 $0x1;
	_ =	shalt  }
.Lfunc_end2:
_tile_overlayer_lowered:
.L_overlay_start_2:
0x78: {  	(tag) =	ssettag $0x2  }
0x79: {  	s0 =	rddreg [dreg:$0x0];
	s2 =	stileid.u32  }
0x7a: {  	s1 =	rddreg [dreg:$0x1];
	p0 =	sne.s32 s2, $0x0  }
0x7b: {  	s3 =	rddreg [dreg:$0x2];
	[bflag:$0x3] =	sbarrier.arrive $0xFFFF;
	s2 =	simm.s32 @!p0 $0x1C01  }
0x7c: {  	[timem:s3], [sflag:s2] =	dma.local @!p0 [hbm:s0], s1  }
0x7d: {  	s0 =	simm.s32 @!p0 $0x1  }
0x7e: {  	_ =	swait.ge @!p0 [sflag:s0], s1  }
0x7f: {  	s1 =	ssub.s32 @!p0 $0x0, s1;
	[sflag:s0] =	ssyncset.done @!p0 $0x0  }
0x80: {  	[sflag:s0] =	ssyncadd.s32 @!p0 s1  }
0x81: {  	[bflag:$0x3] =	sbarrier.arrive $0xFFFF  }
0x82: {  	_ =	shalt  }

// kernel: scatter_offload_async_start.1
scs
__scs_entry_jumppad:
0x0: {  	(pc) =	sbr.rel $0x88, $3  }
0x1: {  	(tag) =	ssettag $0x0;
	lr =	simm.s32 $0x1  }
0x2: {  	[smem:$0x3F9A] =	sst lr;
	_ =	strace $0xD0000000  }
0x3: {  	_ = 	snop  }
0x4: {  	_ = 	snop  }
0x5: {  	_ = 	snop  }
0x6: {  	_ = 	snop  }
0x7: {  	_ = 	snop  }
__scs_overlays_trampoline_lowered:
0x8: {  	[smem:$0x3FA9] =	sst s0  }
0x9: {  	[smem:$0x3FAA] =	sst s1  }
0xa: {  	[smem:$0x3FAB] =	sst s2  }
0xb: {  	[smem:$0x3FAC] =	sst s3  }
0xc: {  	[smem:$0x3FAD] =	sst s4  }
0xd: {  	[smem:$0x3FAE] =	sst s5  }
0xe: {  	[smem:$0x3FAF] =	sst s6  }
0xf: {  	[smem:$0x3FB0] =	sst s7  }
0x10: {  	[smem:$0x3FB1] =	sst s8  }
0x11: {  	[smem:$0x3FB2] =	sst s9;
	s0 =	simm.s32 @!p0 $0x0  }
0x12: {  	s1 =	sld [smem:$0x3F98];
	s0 =	simm.s32 @p0 $0x1  }
0x13: {  	[smem:$0x3FB3] =	sst s0;
	s0 =	simm.s32 @!p1 $0x0  }
0x14: {  	s2 =	sld [smem:$0x3F97];
	s0 =	simm.s32 @p1 $0x1  }
0x15: {  	[smem:$0x3FB4] =	sst s0;
	s0 =	simm.s32 @!p2 $0x0  }
0x16: {  	s3 =	sld [smem:$0x3FDB];
	s0 =	simm.s32 @p2 $0x1  }
0x17: {  	s4 =	simm.s32 $0x1BF5;
	[smem:$0x3FB6] =	sst s0  }
0x18: {  	s0 =	sld [smem:$0x3F99];
	_ =	swait.ge [sflag:s4], $0x0  }
0x19: {  	s7 =	sld [smem:$0x3F9A]  }
0x1a: {  	s8 =	sadd.s32 $0xFFFFE003, lr  }
0x1b: {  	s9 =	sadd.s32 $0xFFFFFEF7, lr;
	s5 =	simm.s32 $0xFFFFFFFF;
	p2 =	slt.u32 s8, $0xFFFFF086  }
0x1c: {  	p1 =	slt.u32 s9, $0xF7A;
	s5 =	simm.s32 @!p2 $0x0  }
0x1d: {  	s5 =	simm.s32 @p1 $0x1;
	p0 =	seq.s32 s7, s2  }
0x1e: {  	s7 =	smul.u32 @!p0 $0xF7A, s2;
	p2 =	seq.s32 @!p0 s5, $0x0  }
0x1f: {  	s9 =	smul.u32 $0xF7A, s1;
	s8 =	simm.s32 @!p0 $0x1BF5;
	p2 =	por !p2, p0  }
0x20: {  	[sflag:s8] =	ssyncset.s32 @!p0 $0xFFFFF086;
	s6 =	sadd.s32 @!p0 s3, s7;
	s7 =	simm.s32 @!p0 $0x108  }
0x21: {  	s3 =	sadd.s32 s3, s9;
	s6 =	sadd.s32 @!p0 $0x88, s6;
	s7 =	simm.s32 @p2 $0x1082  }
0x22: {  	[simem:s7], [sflag:s8] =	dma.local @!p0 [hbm:s6], $0xF7A  }
0x23: {  	s9 =	sor.u32 $0xD0000000, s2;
	s6 =	simm.s32 $0x108;
	_ =	swait.ge @!p0 [sflag:s8], $0x0  }
0x24: {  	s3 =	sadd.s32 $0x88, s3;
	s6 =	simm.s32 @!p1 $0x1082;
	[sflag:s4] =	ssyncset.s32 $0xFFFFF086  }
0x25: {  	[simem:s6], [sflag:s4] =	dma.local [hbm:s3], $0xF7A  }
0x26: {  	[smem:$0x3F9A] =	sst s1;
	(tag) =	ssettag s2;
	_ =	strace s9  }
0x27: {  	s1 =	sld [smem:$0x3FAA]  }
0x28: {  	s2 =	sld [smem:$0x3FAB]  }
0x29: {  	s4 =	sld [smem:$0x3FAD]  }
0x2a: {  	p0 =	seq.s32 s5, $0x0;
	s5 =	sld [smem:$0x3FAE]  }
0x2b: {  	s6 =	sld [smem:$0x3FAF]  }
0x2c: {  	s7 =	sld [smem:$0x3FB0]  }
0x2d: {  	s3 =	simm.s32 $0x108;
	s8 =	sld [smem:$0x3FB1]  }
0x2e: {  	s3 =	simm.s32 @!p0 $0x1082;
	s9 =	sld [smem:$0x3FB2]  }
0x2f: {  	lr =	sadd.s32 s0, s3;
	s0 =	sld [smem:$0x3FA9]  }
0x30: {  	s3 =	sld [smem:$0x3FAC]  }
0x31: {  	[smem:$0x3FB5] =	sst s10  }
0x32: {  	s10 =	sld [smem:$0x3FB3];
	_ =	sdelay $0x3  }
0x33: {  	p0 =	seq.s32 s10, $0x1;
	s10 =	sld [smem:$0x3FB5];
	_ =	sdelay $0x3  }
0x34: {  	[smem:$0x3FB5] =	sst s10  }
0x35: {  	s10 =	sld [smem:$0x3FB4];
	_ =	sdelay $0x3  }
0x36: {  	p1 =	seq.s32 s10, $0x1;
	s10 =	sld [smem:$0x3FB5];
	_ =	sdelay $0x3  }
0x37: {  	[smem:$0x3FB5] =	sst s10  }
0x38: {  	s10 =	sld [smem:$0x3FB6]  }
0x39: {  	_ = 	snop;
	(pc) =	sbr.ind lr, $3  }
0x3a: {  	_ = 	snop  }
0x3b: {  	_ = 	snop  }
0x3c: {  	p2 =	seq.s32 s10, $0x1;
	s10 =	sld [smem:$0x3FB5]  }
0x3d: {  	_ =	shalt  }
0x3e: {  	_ =	shalt  }
0x3f: {  	_ =	shalt  }
0x40: {  	_ =	shalt  }
0x41: {  	_ =	shalt  }
0x42: {  	_ =	shalt  }
0x43: {  	_ =	shalt  }
0x44: {  	_ =	shalt  }
0x45: {  	_ =	shalt  }
0x46: {  	_ =	shalt  }
0x47: {  	_ =	shalt  }
0x48: {  	_ =	shalt  }
0x49: {  	_ =	shalt  }
0x4a: {  	_ =	shalt  }
0x4b: {  	_ =	shalt  }
0x4c: {  	_ =	shalt  }
0x4d: {  	_ =	shalt  }
0x4e: {  	_ =	shalt  }
0x4f: {  	_ =	shalt  }
0x50: {  	_ =	shalt  }
0x51: {  	_ =	shalt  }
0x52: {  	_ =	shalt  }
0x53: {  	_ =	shalt  }
0x54: {  	_ =	shalt  }
0x55: {  	_ =	shalt  }
0x56: {  	_ =	shalt  }
0x57: {  	_ =	shalt  }
0x58: {  	_ =	shalt  }
0x59: {  	_ =	shalt  }
0x5a: {  	_ =	shalt  }
0x5b: {  	_ =	shalt  }
0x5c: {  	_ =	shalt  }
0x5d: {  	_ =	shalt  }
0x5e: {  	_ =	shalt  }
0x5f: {  	_ =	shalt  }
0x60: {  	_ =	shalt  }
0x61: {  	_ =	shalt  }
0x62: {  	_ =	shalt  }
0x63: {  	_ =	shalt  }
0x64: {  	_ =	shalt  }
0x65: {  	_ =	shalt  }
0x66: {  	_ =	shalt  }
0x67: {  	_ =	shalt  }
0x68: {  	_ =	shalt  }
0x69: {  	_ =	shalt  }
0x6a: {  	_ =	shalt  }
0x6b: {  	_ =	shalt  }
0x6c: {  	_ =	shalt  }
0x6d: {  	_ =	shalt  }
0x6e: {  	_ =	shalt  }
0x6f: {  	_ =	shalt  }
0x70: {  	_ =	shalt  }
0x71: {  	_ =	shalt  }
0x72: {  	_ =	shalt  }
0x73: {  	_ =	shalt  }
0x74: {  	_ =	shalt  }
0x75: {  	_ =	shalt  }
0x76: {  	_ =	shalt  }
0x77: {  	_ =	shalt  }
0x78: {  	_ =	shalt  }
0x79: {  	_ =	shalt  }
0x7a: {  	_ =	shalt  }
0x7b: {  	_ =	shalt  }
0x7c: {  	_ =	shalt  }
0x7d: {  	_ =	shalt  }
0x7e: {  	_ =	shalt  }
0x7f: {  	_ =	shalt  }
0x80: {  	_ =	shalt  }
0x81: {  	_ =	shalt  }
0x82: {  	_ =	shalt  }
0x83: {  	_ =	shalt  }
0x84: {  	_ =	shalt  }
0x85: {  	_ =	shalt  }
0x86: {  	_ =	shalt  }
0x87: {  	_ =	shalt  }
.Lfunc_end0:
.L_simem_size_0:
called_computation.1_lowered:
.L_overlay_start_0:
0x88: {  	s2 =	sld [smem:$0x3FD9]  }
0x89: {  	s3 =	sld [smem:$0x3FFE];
	_ =	sdelay $0x1  }
0x8a: {  	s1 =	srdreg.scid  }
0x8b: {  	s0 =	sand.u32 $0x1, s1  }
0x8c: {  	s16 =	sshll.u32 s0, $0xA;
	s2 =	sadd.s32 s3, s2  }
0x8d: {  	s2 =	sadd.s32 s2, s16  }
0x8e: {  	[smem:$0x3FC1] =	sst s2  }
0x8f: {  	_ = 	snop  }
0x90: {  	s2 =	sld [smem:$0x3FD0];
	(tm) =	ssettm $0x1  }
0x91: {  	s17 =	sld [smem:$0x3FFB];
	_ =	sdelay $0x3  }
0x92: {  	_ =	strace s17  }
0x93: {  	s3 =	sld [smem:$0x3FFC];
	_ =	sdelay $0x3  }
0x94: {  	_ =	strace s3  }
0x95: {  	s3 =	sld [smem:$0x3FFD];
	_ =	sdelay $0x3  }
0x96: {  	_ =	strace s3  }
0x97: {  	_ =	strace $0x8FFFFFFF  }
0x98: {  	s18 =	sld [smem:$0x3FDB];
	_ =	sdelay $0x1  }
0x99: {  	s4 =	simm.s32 $_scs_section_size  }
0x9a: {  	s5 =	simm.s32 $_size__tile_overlayer_lowered;
	s6 =	simm.s32 $_tile_overlayer_lowered  }
0x9b: {  	s21 =	simm.s32 $0x1BFF;
	s20 =	sshll.u32 s6, $0x1;
	s3 =	sadd.s32 s4, s18  }
0x9c: {  	s7 =	simm.s32 $0x0;
	s19 =	sshll.u32 s5, $0x1;
	s5 =	sadd.s32 s20, s3  }
0x9d: {  	[timem:s7], [sflag:s21] =	dma.local [hbm:s5], s19  }
0x9e: {  	_ =	swait.ge [sflag:s21], s19  }
0x9f: {  	s4 =	ssub.s32 $0x0, s19;
	[sflag:s21] =	ssyncset.done $0x0  }
0xa0: {  	[sflag:s21] =	ssyncadd.s32 s4;
	_ =	sdelay $0x1  }
0xa1: {  	s22 =	simm.s32 $0x1B8B  }
0xa2: {  	_ =	swait.ge [sflag:s22], $0x1  }
0xa3: {  	[sflag:s22] =	ssyncset.done $0x0  }
0xa4: {  	s23 =	sld [smem:$0x3FFE];
	[sflag:s22] =	ssyncadd.s32 $0xFFFFFFFF  }
0xa5: {  	s25 =	simm.s32 $0x1B8E;
	s24 =	sld [smem:$0x0]  }
0xa6: {  	s26 =	simm.s32 $execute0_lowered;
	[smem:$0x3FD2] =	sst s25  }
0xa7: {  	s6 =	sshll.u32 s26, $0x1;
	_ =	strace $0x8000004F;
	[dreg:$0x1] =	wrdreg $0xFFFFFFFF  }
0xa8: {  	s28 =	simm.s32 $_size_execute0_lowered;
	s3 =	sadd.s32 s3, s6;
	[dreg:$0x0] =	wrdreg $0x0  }
0xa9: {  	s6 =	sshll.u32 s28, $0x1;
	[dreg:$0x2] =	wrdreg s3  }
0xaa: {  	[dreg:$0x3] =	wrdreg s6  }
0xab: {  	[dreg:$0x4] =	wrdreg $0xC0  }
0xac: {  	_ =	task [dreg:s7], $0x5FFFF  }
0xad: {  	[dreg:$0x1] =	wrdreg $0xFFFFFFFF  }
0xae: {  	[dreg:$0x0] =	wrdreg $0x60  }
0xaf: {  	[dreg:$0x2] =	wrdreg s2  }
0xb0: {  	[dreg:$0x3] =	wrdreg s23  }
0xb1: {  	[dreg:$0x4] =	wrdreg s1  }
0xb2: {  	[dreg:$0x5] =	wrdreg s24  }
0xb3: {  	[dreg:$0x6] =	wrdreg $0x9  }
0xb4: {  	_ =	task.clear_ibuf [dreg:s7], $0x7FFFF;
	_ =	strace $0x9000004F  }
0xb5: {  	s29 =	simm.s32 $0x9;
	_ =	strace $0x80000051  }
0xb6: {  	_ =	swait.ge [sflag:s29], $0x1  }
0xb7: {  	[sflag:s29] =	ssyncadd.s32 $0xFFFFFFFF  }
0xb8: {  	_ =	strace $0x90000051  }
0xb9: {  	_ =	sfence  }
0xba: {  	s30 =	sld [smem:$0x0];
	_ =	sdelay $0x2  }
0xbb: {  	s31 =	sshll.u32 s1, $0xD;
	s1 =	sshrl.u32 s1, $0x2  }
0xbc: {  	s3 =	sand.u32 $0x4000, s31;
	s1 =	sadd.s32 s1, s30  }
0xbd: {  	s0 =	sor.u32 s3, s0;
	s1 =	sshll.u32 s1, $0x11  }
0xbe: {  	s0 =	sor.u32 s1, s0  }
0xbf: {  	s0 =	sadd.s32 $0x8F2B, s0  }
0xc0: {  	[sflag:s0] =	ssyncadd.remote.s32 $0x1  }
0xc1: {  	_ =	sfence.sel $0xFFFF  }
0xc2: {  	[dreg:$0x0] =	wrdreg $0xFFFFFFFF;
	(pc) =	sbr.abs _section_cstart, $3  }
0xc3: {  	[dreg:$0x1] =	wrdreg $0xFFFFFFFF  }
0xc4: {  	_ =	task.clear_ibuf [dreg:s7], $0x2FFFF;
	_ =	strace $0x9FFFFFFF  }
0xc5: {  	(tm) =	ssettm $0x7FFFFFFF  }
tec
execute0_lowered:
.L_overlay_start_1:
0x0: {  	(tag) =	ssettag $0x1  }
0x1: {  	s1 =	rddreg [dreg:$0x0]  }
0x2: {  	s2 =	rddreg [dreg:$0x1]  }
0x3: {  	s3 =	rddreg [dreg:$0x2];
	_ =	strace $0x80000050;
	s0 =	simm.s32 $0x1  }
0x4: {  	v0 =	vimm.s32 $0x0;
	[sflag:s0] =	ssyncpa.u1 $0x0;
	s0 =	simm.s32 $0x108  }
0x5: {  	[tilespmem:s0+$0x70] =	vst v0  }
0x6: {  	[tilespmem:s0+$0x60] =	vst v0  }
0x7: {  	[tilespmem:s0+$0x50] =	vst v0  }
0x8: {  	[tilespmem:s0+$0x40] =	vst v0  }
0x9: {  	s15 =	sadd.s32 $0x59200, s2;
	[tilespmem:s0+$0x30] =	vst v0  }
0xa: {  	s6 =	sadd.s32 $0x69200, s2;
	s3 =	sand.u32 $0x1, s3;
	s14 =	sadd.s32 $0x61200, s2;
	[tilespmem:s0+$0x20] =	vst v0  }
0xb: {  	[dreg:$0x5] =	wrdreg s3;
	s16 =	sshll.u32 s3, $0xE;
	s3 =	simm.s32 $0x40;
	[tilespmem:s0+$0x10] =	vst v0  }
.LBB2_1:
0xc: {  	s3 =	sadd.s32 $0x40, s3;
	[tilespmem:s0+$0x0] =	vst v0;
	s0 =	sadd.s32 $0x80, s0  }
0xd: {  	p0 =	slt.u32 s3, $0x3C40;
	[tilespmem:s0+$0x70] =	vst v0  }
0xe: {  	[tilespmem:s0+$0x60] =	vst v0  }
.Ltmp0:
0xf: {  	[tilespmem:s0+$0x50] =	vst v0;
	(pc) =	sbr.rel @p0 .LBB2_1-.Ltmp0, $4  }
0x10: {  	[tilespmem:s0+$0x40] =	vst v0  }
0x11: {  	[tilespmem:s0+$0x30] =	vst v0  }
0x12: {  	[tilespmem:s0+$0x20] =	vst v0  }
0x13: {  	[tilespmem:s0+$0x10] =	vst v0  }
0x14: {  	s5 =	stileid.u32  }
0x15: {  	s2 =	smul.u32 $0x22, s5  }
0x16: {  	s3 =	smin.u32 s5, $0x3  }
0x17: {  	s2 =	sadd.s32 s3, s2  }
0x18: {  	p0 =	slt.u32 s5, $0x3;
	s7 =	smul.u32 $0xF0, s2;
	s2 =	simm.s32 $0x20D0  }
0x19: {  	s2 =	simm.s32 @!p0 $0x1FE0  }
0x1a: {  	s2 =	sadd.s32 s2, s7  }
0x1b: {  	s8 =	smin.u32 s2, $0x20000  }
0x1c: {  	s2 =	ssub.s32 s8, s7  }
0x1d: {  	p0 =	sgt.s32 s2, $0x0  }
0x1e: {  	s2 =	simm.s32 @!p0 $0x0  }
0x1f: {  	s30 =	simm.s32 $0x2;
	s10 =	simm.s32 $0x9;
	s29 =	smulhi.u32 $0x88888889, s2  }
0x20: {  	s4 =	simm.s32 $0xA;
	s11 =	simm.s32 $0xB;
	s12 =	simm.s32 $0x1  }
0x21: {  	s14 =	sadd.s32 s16, s14;
	s15 =	sadd.s32 s16, s15;
	s31 =	sshrl.u32 s29, $0x7  }
0x22: {  	s22 =	simm.s32 $0x0;
	s18 =	simm.s32 $0xC;
	s3 =	smul.u32 $0xF0, s31  }
.Ltmp1:
0x23: {  	[tilespmem:s0+$0x0] =	vst v0;
	v0 =	vimm.s32 $0xFFFFFFFF;
	s20 =	simm.s32 $0x0;
	[sflag:s30] =	ssyncpa.u1 $0x0;
	(pc) =	sbr.rel .LBB2_3-.Ltmp1, $4  }
0x24: {  	[tilespmem:$0xF208] =	vst v0;
	[sflag:s10] =	ssyncpa.u1 $0x0;
	p0 =	sne.s32 s2, s3;
	s2 =	simm.s32 $0x1  }
0x25: {  	s21 =	simm.s32 $0x0;
	[sflag:s4] =	ssyncpa.u1 $0x0;
	s2 =	simm.s32 @!p0 $0x0  }
0x26: {  	s16 =	sshll.u32 s5, $0x8;
	[sflag:s11] =	ssyncpa.u1 $0x0;
	s13 =	sadd.s32 s2, s31  }
0x27: {  	v0 =	vlaneseq.u32;
	s19 =	smov.u32 s7;
	p0 =	por $0x0, $0x0;
	s17 =	sadd.s32 $0x1, s13  }
.LBB2_18:
0x28: {  	s0 =	sshrl.u32 s31, $0x2  }
.LBB2_20:
0x29: {  	_ =	swait.ge [sflag:s18], s0  }
0x2a: {  	s31 =	ssub.s32 $0x0, s0;
	v1 =	vmov s24;
	vm0 =	veq.s32 v0, $0x0;
	[sflag:s18] =	ssyncset.done $0x0  }
0x2b: {  	vm15 =	veq.s32 v0, $0x2;
	v1 =	vsel vm0, s30, v1;
	[sflag:s18] =	ssyncadd.s32 s31  }
0x2c: {  	v1 =	vsel vm15, s22, v1;
	[sflag:s18] =	ssyncpa.u1 $0x1  }
0x2d: {  	[tilespmem:$0xF208] =	vst v1  }
.LBB2_21:
0x2e: {  	s0 =	sadd.s32 $0xF0, s19  }
0x2f: {  	s2 =	smov.u32 s7;
	p1 =	slt.s32 s0, s8  }
0x30: {  	s2 =	smov.u32 @p1 s0;
	p1 =	sne.s32 s21, s17  }
.Ltmp2:
0x31: {  	_ = 	snop;
	(pc) =	sbr.rel @!p1 .LBB2_22-.Ltmp2, $3  }
0x32: {  	_ =	sdelay $0x1  }
0x33: {  	s22 =	smov.u32 s20;
	s31 =	sadd.s32 $0x1, s21;
	s20 =	smov.u32 s19  }
0x34: {  	p0 =	por !p0, !p0;
	s21 =	smov.u32 s31;
	s19 =	smov.u32 s2  }
.LBB2_3:
0x35: {  	p1 =	sge.u32 s21, s13  }
0x36: {  	s0 =	smulhi.u32 @!p1 $0xAAAAAAAB, s21  }
0x37: {  	s2 =	smov.u32 s19;
	p2 =	sgt.s32 @!p1 s19, $0x1FF10  }
0x38: {  	s3 =	sshra.s32 @!p1 s19, $0x1F;
	p2 =	por !p2, p1;
	s0 =	sshrl.u32 @!p1 s0, $0x1  }
0x39: {  	s3 =	sand.u32 @!p1 s3, s19;
	s2 =	simm.s32 @p2 $0x1FF10;
	s0 =	smul.u32 @!p1 $0x3, s0  }
0x3a: {  	s2 =	ssub.s32 @!p1 s2, s3  }
0x3b: {  	s2 =	sadd.s32 @!p1 $0xFFFE00F0, s2;
	s0 =	ssub.s32 @!p1 s21, s0  }
0x3c: {  	s3 =	sshll.u32 @!p1 s2, $0x2;
	p2 =	sgt.s32 @!p1 s2, $0xEF;
	s0 =	smul.u32 @!p1 $0x3C0, s0  }
0x3d: {  	s4 =	sand.u32 @!p1 $0x7, s19;
	s2 =	ssub.s32 @!p1 $0x3C0, s3;
	p2 =	por !p2, p1  }
0x3e: {  	s3 =	sshrl.u32 @!p1 s19, $0x3;
	s2 =	sshrl.u32 @!p1 s2, $0x2;
	s0 =	sshrl.u32 @!p1 s0, $0x2  }
0x3f: {  	s3 =	sadd.s32 @!p1 s3, s14;
	s2 =	simm.s32 @!p2 $0x0;
	s0 =	sadd.s32 @!p1 $0x10248, s0  }
0x40: {  	[tilespmem:s0], [sflag:$0xA] =	stream.linear.gather @!p1 [hbm4b:s3+s4], s2, $0x38;
	[tilespmem:$0x1F6F8] =	vst v63  }
0x41: {  	s0 =	sadd.s32 $0xFFFFFFFF, s21  }
0x42: {  	p1 =	sge.u32 s0, s13  }
0x43: {  	p2 =	sgt.s32 @!p1 s20, $0x1FF10  }
0x44: {  	s2 =	smov.u32 s20;
	s3 =	sshra.s32 @!p1 s20, $0x1F;
	p2 =	por !p2, p1  }
0x45: {  	s3 =	sand.u32 @!p1 s3, s20;
	s2 =	simm.s32 @p2 $0x1FF10  }
0x46: {  	s2 =	ssub.s32 @!p1 s2, s3  }
0x47: {  	s2 =	sadd.s32 @!p1 $0xFFFE00F0, s2  }
0x48: {  	s4 =	sand.u32 @!p1 $0x1, s0;
	s3 =	sshll.u32 @!p1 s2, $0x2  }
0x49: {  	p2 =	sgt.s32 @!p1 s2, $0xEF;
	s2 =	ssub.s32 @!p1 $0x3C0, s3;
	s3 =	smulhi.u32 @!p1 $0xAAAAAAAB, s0  }
0x4a: {  	s23 =	smul.u32 @!p1 $0x3C0, s4;
	p2 =	por !p2, p1;
	s2 =	sshrl.u32 @!p1 s2, $0x2  }
0x4b: {  	s5 =	simm.s32 @!p1 $0xA;
	s2 =	simm.s32 @!p2 $0x0;
	s3 =	sshrl.u32 @!p1 s3, $0x1  }
0x4c: {  	s23 =	sshrl.u32 @!p1 s23, $0x2;
	_ =	swait.ge @!p1 [sflag:s5], s2;
	s3 =	smul.u32 @!p1 $0x3, s3  }
0x4d: {  	s23 =	sadd.s32 @!p1 $0x10518, s23;
	s24 =	ssub.s32 @!p1 $0x0, s2;
	[sflag:s5] =	ssyncset.done @!p1 $0x0  }
0x4e: {  	[sflag:s5] =	ssyncadd.s32 @!p1 s24;
	s5 =	sshrl.u32 @!p1 s20, $0x3;
	s0 =	ssub.s32 @!p1 s0, s3  }
0x4f: {  	s24 =	sand.u32 @!p1 $0x7, s20;
	s5 =	sadd.s32 @!p1 s5, s15;
	s0 =	smul.u32 @!p1 $0x3C0, s0  }
0x50: {  	[tilespmem:s23], [sflag:$0xB] =	stream.linear.gather @!p1 [hbm4b:s5+s24], s2, $0x38;
	[tilespmem:$0x1F6F8] =	vst v63  }
0x51: {  	s3 =	ssub.s32 @!p1 $0x20000, s20;
	s2 =	smul.u32 @!p1 $0x1E000, s4  }
0x52: {  	p2 =	slt.s32 @!p1 s3, $0xF0  }
0x53: {  	p2 =	por !p2, p1;
	s0 =	sshrl.u32 @!p1 s0, $0x2;
	s2 =	sshrl.u32 @!p1 s2, $0x2  }
0x54: {  	s3 =	simm.s32 @p2 $0xF0;
	s0 =	sadd.s32 @!p1 $0x10248, s0;
	s2 =	sor.u32 @!p1 $0x106F8, s2  }
0x55: {  	[tilespmem:s2], [sflag:$0x9] =	stream.indirect.gather @!p1 [hbm4b:s6+s3], $0x80, s0, s3, $0xb8;
	[tilespmem:$0x1F6F8] =	vst v63  }
0x56: {  	p1 =	slt.u32 s21, $0x2  }
.Ltmp3:
0x57: {  	_ = 	snop;
	(pc) =	sbr.rel @p1 .LBB2_21-.Ltmp3, $1  }
0x58: {  	_ =	sdelay $0x3  }
0x59: {  	p1 =	sgt.s32 s22, $0x1FF10  }
0x5a: {  	s0 =	smov.u32 s22;
	s2 =	sshra.s32 s22, $0x1F;
	s3 =	ssub.s32 $0x20000, s22  }
0x5b: {  	s0 =	simm.s32 @!p1 $0x1FF10;
	s2 =	sand.u32 s2, s22;
	p1 =	slt.s32 s3, $0xF0  }
0x5c: {  	s0 =	ssub.s32 s0, s2;
	s3 =	simm.s32 @!p1 $0xF0  }
0x5d: {  	s0 =	sadd.s32 $0xFFFE00F0, s0;
	s25 =	sshll.u32 s3, $0x7  }
0x5e: {  	s26 =	sshll.u32 s0, $0x2;
	s2 =	sand.u32 $0x3FFFFF80, s25  }
0x5f: {  	p1 =	sgt.s32 s0, $0xEF;
	s29 =	ssub.s32 $0x3C0, s26;
	_ =	swait.ge [sflag:s10], s2  }
0x60: {  	s2 =	ssub.s32 $0x0, s2;
	[sflag:s10] =	ssyncset.done $0x0;
	s0 =	sshrl.u32 s29, $0x2  }
0x61: {  	[sflag:s10] =	ssyncadd.s32 s2;
	s0 =	simm.s32 @p1 $0x0  }
0x62: {  	_ =	swait.ge [sflag:s11], s0  }
0x63: {  	s0 =	ssub.s32 $0x0, s0;
	[sflag:s11] =	ssyncset.done $0x0  }
0x64: {  	[sflag:s11] =	ssyncadd.s32 s0  }
0x65: {  	v1 =	vld [tilespmem:$0xF208];
	_ =	sdelay $0x4  }
0x66: {  	(v2sf) =	vpush v1, $0x0  }
0x67: {  	(v2sf) =	vpush v1, $0x1  }
0x68: {  	(v2sf) =	vpush v1, $0x2;
	_ =	sdelay $0x3  }
0x69: {  	s0 =	sadd.s32 $0xF0, s22  }
0x6a: {  	s2 =	ssub.s32 $0x40000, s22;
	p1 =	slt.s32 s8, s0  }
0x6b: {  	s0 =	smov.u32 @p1 s8;
	p1 =	sgt.s32 s2, $0x0  }
0x6c: {  	s26 =	ssub.s32 s0, s22;
	s2 =	simm.s32 @!p1 $0x0  }
0x6d: {  	p1 =	slt.s32 s2, s26  }
0x6e: {  	s26 =	smov.u32 @p1 s2  }
0x6f: {  	s25 =	simm.s32 $0x1;
	p1 =	slt.s32 s26, $0x1  }
.Ltmp4:
0x70: {  	s25 =	simm.s32 @!p0 $0x0;
	(pc) =	sbr.rel @p1 .LBB2_8-.Ltmp4, $4  }
0x71: {  	s31 =	smul.u32 $0x3C0, s25  }
0x72: {  	s28 =	spop (v2sf)  }
0x73: {  	s0 =	sshrl.u32 s31, $0x2;
	s30 =	spop (v2sf)  }
0x74: {  	s23 =	sadd.s32 $0x10518, s0;
	s22 =	spop (v2sf)  }
0x75: {  	s0 =	smin.u32 s26, $0x10  }
0x76: {  	v1 =	vmov s0  }
0x77: {  	p2 =	sgt.s32 s26, $0x10;
	vm1 =	vgt.u32 v1, v0  }
.Ltmp5:
0x78: {  	_ = 	snop;
	(pc) =	sbr.rel @!p2 .LBB2_7-.Ltmp5, $2  }
0x79: {  	_ =	sdelay $0x2  }
0x7a: {  	s4 =	simm.s32 $0x10;
	s24 =	sadd.s32 $0xFFFFFFF0, s26;
	s0 =	smov.u32 s23;
	vm0 =	vmmov vm1  }
.LBB2_6:
0x7b: {  	s2 =	smin.u32 s24, $0x10;
	s4 =	sadd.s32 $0x10, s4;
	v1 =	vld.msk [tilespmem:s0+$0x0 ss:$0x1], vm1  }
0x7c: {  	v2 =	vmov s2;
	p2 =	slt.s32 s4, s26  }
0x7d: {  	vm1 =	vgt.u32 v2, v0  }
.Ltmp6:
0x7e: {  	(pc) =	sbr.rel @p2 .LBB2_6-.Ltmp6, $3  }
0x7f: {  	_ =	sdelay $0x1  }
0x80: {  	v1 =	vshll.u32 v1, $0x4  }
0x81: {  	s24 =	sadd.s32 $0xFFFFFFF0, s24;
	[tilespmem:s0+$0x0] =	vst.msk vm0, v1;
	s0 =	sadd.s32 $0x10, s0;
	vm0 =	vmmov vm1  }
.LBB2_7:
0x82: {  	_ =	sdelay $0x4  }
0x83: {  	v1 =	vld.msk [tilespmem:s0+$0x0 ss:$0x1], vm1;
	_ =	sdelay $0x4  }
0x84: {  	v1 =	vshll.u32 v1, $0x4  }
0x85: {  	[tilespmem:s0+$0x0] =	vst.msk vm0, v1  }
.LBB2_8:
0x86: {  	s0 =	sand.u32 $0x1, s21  }
0x87: {  	s2 =	smul.u32 $0x7800, s0  }
0x88: {  	p2 =	sne.s32 s30, $0xFFFFFFFF  }
0x89: {  	v1 =	vld @!p2 [tilespmem:s2+$0x106F8];
	_ =	sdelay $0x2  }
0x8a: {  	s0 =	smul.u32 $0xF0, s0;
	_ =	sdelay $0x1  }
0x8b: {  	v2 =	vld.msk @!p2 [tilespmem:s0+$0x10518], $0x1;
	[tilespmem:$0x108] =	vst @!p2 v1  }
0x8c: {  	v1 =	vld @!p2 [tilespmem:s2+$0x10708];
	_ =	sdelay $0x4  }
0x8d: {  	[tilespmem:$0x118] =	vst @!p2 v1  }
0x8e: {  	v1 =	vld @!p2 [tilespmem:s2+$0x10718];
	_ =	sdelay $0x4  }
0x8f: {  	[tilespmem:$0x128] =	vst @!p2 v1  }
0x90: {  	v1 =	vld @!p2 [tilespmem:s2+$0x10728];
	_ =	sdelay $0x4  }
0x91: {  	[tilespmem:$0x138] =	vst @!p2 v1  }
0x92: {  	v1 =	vld @!p2 [tilespmem:s2+$0x10738];
	_ =	sdelay $0x4  }
0x93: {  	[tilespmem:$0x148] =	vst @!p2 v1  }
0x94: {  	(v2sf) =	vpush @!p2 v2, $0x0;
	v1 =	vld @!p2 [tilespmem:s2+$0x10748];
	_ =	sdelay $0x4  }
0x95: {  	[tilespmem:$0x158] =	vst @!p2 v1  }
0x96: {  	v1 =	vld @!p2 [tilespmem:s2+$0x10758];
	_ =	sdelay $0x4  }
0x97: {  	[tilespmem:$0x168] =	vst @!p2 v1  }
0x98: {  	v1 =	vld @!p2 [tilespmem:s2+$0x10768]  }
.Ltmp7:
0x99: {  	_ = 	snop;
	(pc) =	sbr.rel @p1 .LBB2_19-.Ltmp7, $4  }
0x9a: {  	_ = 	snop  }
0x9b: {  	s29 =	spop @!p2 (v2sf)  }
0x9c: {  	s22 =	simm.s32 @!p2 $0x0;
	s24 =	smov.u32 s29  }
0x9d: {  	s29 =	smov.u32 @p2 s28;
	s24 =	smov.u32 @p2 s30;
	[tilespmem:$0x178] =	vst @!p2 v1;
	[sflag:s18] =	ssyncpa.u1 $0x0  }
0x9e: {  	v1 =	vld.msk [tilespmem:s23+$0x0], $0x1;
	_ =	sdelay $0x4  }
0x9f: {  	(v2sf) =	vpush v1, $0x0;
	_ =	sdelay $0xe  }
0xa0: {  	s2 =	smul.u32 $0x1E000, s25;
	s0 =	spop (v2sf)  }
0xa1: {  	s26 =	ssub.s32 $0x0, s26;
	p1 =	seq.s32 s29, s0  }
0xa2: {  	s30 =	sadd.s32 $0x1, s26;
	s2 =	sshrl.u32 s2, $0x2;
	p2 =	sgt.s32 @!p1 s29, $0x0  }
0xa3: {  	s25 =	sor.u32 $0x10738, s2;
	s2 =	smov.u32 s29;
	p2 =	por !p2, p1  }
0xa4: {  	s2 =	simm.s32 @p2 $0x0;
	p2 =	seq.s32 s30, $0x0  }
.Ltmp8:
0xa5: {  	_ = 	snop;
	(pc) =	sbr.rel @p2 .LBB2_11-.Ltmp8, $4  }
0xa6: {  	_ = 	snop  }
0xa7: {  	s28 =	simm.s32 $0x0;
	s31 =	sadd.s32 $0x1, s23;
	s2 =	smin.u32 @!p1 s2, $0x44BFF0  }
0xa8: {  	s4 =	simm.s32 @!p1 $0x1;
	s5 =	simm.s32 @!p1 $0x7988;
	s3 =	sand.u32 @!p1 $0x7FFFF8, s2  }
0xa9: {  	s4 =	smov.u32 @p1 s28;
	s2 =	sand.u32 @!p1 $0x7, s2;
	s3 =	sadd.s32 @!p1 s1, s3  }
.LBB2_10:
0xaa: {  	s9 =	smov.u32 s4  }
0xab: {  	[tilespmem:s5], [sflag:$0x2] =	stream.linear.gather @!p1 [hbm4b:s3+s2], $0x80, $0x38;
	[tilespmem:$0x1F6F8] =	vst v63  }
0xac: {  	s30 =	sadd.s32 $0x1, s30;
	s2 =	smov.u32 s0;
	v1 =	vld.msk [tilespmem:s31+$0x0], $0x1  }
0xad: {  	p2 =	seq.s32 s30, $0x0;
	_ =	sdelay $0x3  }
0xae: {  	(v2sf) =	vpush v1, $0x0;
	_ =	sdelay $0xe  }
0xaf: {  	s0 =	spop (v2sf)  }
0xb0: {  	p1 =	seq.s32 s2, s0  }
0xb1: {  	p3 =	sgt.s32 @!p1 s2, $0x0;
	s3 =	sshll.u32 @!p1 s4, $0x9;
	s4 =	sadd.s32 @!p1 $0x1, s4  }
.Ltmp9:
0xb2: {  	p3 =	por !p3, p1;
	s3 =	sshra.s32 @!p1 s3, $0x2;
	(pc) =	sbr.rel @!p2 .LBB2_10-.Ltmp9, $4  }
0xb3: {  	s4 =	smov.u32 @p1 s9;
	s2 =	simm.s32 @p3 $0x0;
	s5 =	sadd.s32 @!p1 $0x7988, s3  }
0xb4: {  	s2 =	smin.u32 @!p1 s2, $0x44BFF0  }
0xb5: {  	s3 =	sand.u32 @!p1 $0x7FFFF8, s2;
	s2 =	sand.u32 @!p1 $0x7, s2  }
0xb6: {  	s31 =	sadd.s32 $0x1, s31;
	s3 =	sadd.s32 @!p1 s1, s3  }
.LBB2_11:
0xb7: {  	[tilespmem:s5], [sflag:$0x2] =	stream.linear.gather @!p1 [hbm4b:s3+s2], $0x80, $0x38;
	[tilespmem:$0x1F6F8] =	vst v63  }
.Ltmp10:
0xb8: {  	s0 =	sshll.u32 s4, $0x7;
	(pc) =	sbr.rel .LBB2_12-.Ltmp10, $4  }
0xb9: {  	s30 =	simm.s32 $0x2;
	s0 =	sand.u32 $0x3FFFFF80, s0  }
0xba: {  	_ =	swait.ge [sflag:s30], s0  }
0xbb: {  	s0 =	ssub.s32 $0x0, s0;
	[sflag:s30] =	ssyncset.done $0x0  }
0xbc: {  	s31 =	simm.s32 $0x0;
	[sflag:s30] =	ssyncadd.s32 s0  }
.LBB2_13:
0xbd: {  	s0 =	sshra.s32 s0, $0x2;
	v1 =	vld [tilespmem:s25+$0xFFFFFFC0]  }
0xbe: {  	v2 =	vld [tilespmem:s0+$0x108];
	_ =	sdelay $0x4  }
0xbf: {  	v1 =	vmax.f32 v1, v2  }
0xc0: {  	v2 =	vld [tilespmem:s0+$0x118];
	[tilespmem:s0+$0x108] =	vst v1  }
0xc1: {  	v1 =	vld [tilespmem:s25+$0xFFFFFFD0];
	_ =	sdelay $0x4  }
0xc2: {  	v1 =	vmax.f32 v1, v2  }
0xc3: {  	v2 =	vld [tilespmem:s0+$0x128];
	[tilespmem:s0+$0x118] =	vst v1  }
0xc4: {  	v1 =	vld [tilespmem:s25+$0xFFFFFFE0];
	_ =	sdelay $0x4  }
0xc5: {  	v1 =	vmax.f32 v1, v2  }
0xc6: {  	v2 =	vld [tilespmem:s0+$0x138];
	[tilespmem:s0+$0x128] =	vst v1  }
0xc7: {  	v1 =	vld [tilespmem:s25+$0xFFFFFFF0];
	_ =	sdelay $0x4  }
0xc8: {  	v1 =	vmax.f32 v1, v2  }
0xc9: {  	v2 =	vld [tilespmem:s0+$0x148];
	[tilespmem:s0+$0x138] =	vst v1  }
0xca: {  	v1 =	vld [tilespmem:s25+$0x0];
	_ =	sdelay $0x4  }
0xcb: {  	v1 =	vmax.f32 v1, v2  }
0xcc: {  	v2 =	vld [tilespmem:s0+$0x158];
	[tilespmem:s0+$0x148] =	vst v1  }
0xcd: {  	v1 =	vld [tilespmem:s25+$0x10];
	_ =	sdelay $0x4  }
0xce: {  	v1 =	vmax.f32 v1, v2  }
0xcf: {  	v2 =	vld [tilespmem:s0+$0x168];
	[tilespmem:s0+$0x158] =	vst v1  }
0xd0: {  	v1 =	vld [tilespmem:s25+$0x20];
	_ =	sdelay $0x4  }
0xd1: {  	v1 =	vmax.f32 v1, v2  }
0xd2: {  	v2 =	vld [tilespmem:s0+$0x178];
	[tilespmem:s0+$0x168] =	vst v1  }
0xd3: {  	v1 =	vld [tilespmem:s25+$0x30];
	_ =	sdelay $0x4  }
0xd4: {  	v1 =	vmax.f32 v1, v2  }
0xd5: {  	[tilespmem:s0+$0x178] =	vst v1  }
.LBB2_17:
0xd6: {  	s26 =	sadd.s32 $0x1, s26  }
0xd7: {  	p1 =	seq.s32 s26, $0x0  }
.Ltmp11:
0xd8: {  	_ = 	snop;
	(pc) =	sbr.rel @p1 .LBB2_18-.Ltmp11, $2  }
0xd9: {  	_ =	sdelay $0x2  }
0xda: {  	s23 =	sadd.s32 $0x1, s23;
	s25 =	sadd.s32 $0x80, s25;
	s29 =	smov.u32 s30  }
.LBB2_12:
0xdb: {  	v1 =	vld.msk [tilespmem:s23+$0x0], $0x1;
	_ =	sdelay $0x4  }
0xdc: {  	(v2sf) =	vpush v1, $0x0;
	_ =	sdelay $0xe  }
0xdd: {  	s30 =	spop (v2sf)  }
0xde: {  	p1 =	sne.s32 s29, s30  }
.Ltmp12:
0xdf: {  	_ = 	snop;
	(pc) =	sbr.rel @!p1 .LBB2_13-.Ltmp12, $2  }
0xe0: {  	_ =	sdelay $0x2  }
0xe1: {  	s0 =	sshll.u32 s22, $0x9  }
0xe2: {  	p1 =	seq.s32 s29, s24  }
.Ltmp13:
0xe3: {  	_ = 	snop;
	(pc) =	sbr.rel @!p1 .LBB2_15-.Ltmp13, $1  }
0xe4: {  	_ =	sdelay $0x3  }
0xe5: {  	s0 =	sshra.s32 s0, $0x2  }
.Ltmp14:
0xe6: {  	s0 =	sadd.s32 $0x108, s0;
	(pc) =	sbr.rel .LBB2_16-.Ltmp14, $4  }
0xe7: {  	[spmem:s16] =	stream.linear.scatter [tilespmem:s0], [sflag:$0x1], $0x80, $0x38;
	[tilespmem:$0x1F6F8] =	vst v63  }
0xe8: {  	_ =	swait.ge [sflag:s12], $0x80  }
0xe9: {  	[sflag:s12] =	ssyncset.done $0x0  }
0xea: {  	[sflag:s12] =	ssyncadd.s32 $0xFFFFFF80  }
.LBB2_15:
0xeb: {  	s2 =	sshll.u32 s28, $0x9;
	s0 =	sshra.s32 s0, $0x2  }
0xec: {  	s2 =	sshra.s32 s2, $0x2;
	v2 =	vld [tilespmem:s0+$0x108]  }
0xed: {  	v1 =	vld [tilespmem:s2+$0x7988];
	_ =	sdelay $0x4  }
0xee: {  	v1 =	vmax.f32 v1, v2  }
0xef: {  	v2 =	vld [tilespmem:s0+$0x118];
	[tilespmem:s0+$0x108] =	vst v1  }
0xf0: {  	v1 =	vld [tilespmem:s2+$0x7998];
	_ =	sdelay $0x4  }
0xf1: {  	v1 =	vmax.f32 v1, v2  }
0xf2: {  	v2 =	vld [tilespmem:s0+$0x128];
	[tilespmem:s0+$0x118] =	vst v1  }
0xf3: {  	v1 =	vld [tilespmem:s2+$0x79A8];
	_ =	sdelay $0x4  }
0xf4: {  	v1 =	vmax.f32 v1, v2  }
0xf5: {  	v2 =	vld [tilespmem:s0+$0x138];
	[tilespmem:s0+$0x128] =	vst v1  }
0xf6: {  	v1 =	vld [tilespmem:s2+$0x79B8];
	_ =	sdelay $0x4  }
0xf7: {  	v1 =	vmax.f32 v1, v2  }
0xf8: {  	v2 =	vld [tilespmem:s0+$0x148];
	[tilespmem:s0+$0x138] =	vst v1  }
0xf9: {  	v1 =	vld [tilespmem:s2+$0x79C8];
	_ =	sdelay $0x4  }
0xfa: {  	v1 =	vmax.f32 v1, v2  }
0xfb: {  	v2 =	vld [tilespmem:s0+$0x158];
	[tilespmem:s0+$0x148] =	vst v1  }
0xfc: {  	v1 =	vld [tilespmem:s2+$0x79D8];
	_ =	sdelay $0x4  }
0xfd: {  	v1 =	vmax.f32 v1, v2  }
0xfe: {  	v2 =	vld [tilespmem:s0+$0x168];
	[tilespmem:s0+$0x158] =	vst v1  }
0xff: {  	v1 =	vld [tilespmem:s2+$0x79E8];
	_ =	sdelay $0x4  }
0x100: {  	v1 =	vmax.f32 v1, v2  }
0x101: {  	v2 =	vld [tilespmem:s0+$0x178];
	[tilespmem:s0+$0x168] =	vst v1  }
0x102: {  	v1 =	vld [tilespmem:s2+$0x79F8];
	_ =	sdelay $0x3  }
0x103: {  	p1 =	sgt.u32 s29, $0x44BFF0  }
0x104: {  	s2 =	sand.u32 @!p1 $0x7FFFF8, s29;
	v1 =	vmax.f32 v1, v2  }
0x105: {  	s3 =	sadd.s32 $0x108, s0;
	[tilespmem:s0+$0x178] =	vst v1;
	s0 =	sadd.s32 @!p1 s1, s2;
	s2 =	sand.u32 @!p1 $0x7, s29  }
0x106: {  	[hbm4b:s0+s2] =	stream.linear.scatter @!p1 [tilespmem:s3], [sflag:$0xC], $0x80, $0x38;
	[tilespmem:$0x1F6F8] =	vst v63  }
0x107: {  	s0 =	simm.s32 $0x0  }
0x108: {  	s0 =	simm.s32 @!p1 $0x200  }
0x109: {  	s31 =	sadd.s32 s0, s31  }
.LBB2_16:
0x10a: {  	s0 =	sadd.s32 $0x1, s22  }
0x10b: {  	s2 =	smulhi.u32 $0x88888889, s0;
	_ =	sdelay $0x1  }
0x10c: {  	v1 =	vld [tilespmem:s25+$0xFFFFFFC0];
	s2 =	sshrl.u32 s2, $0x7  }
0x10d: {  	s2 =	smul.u32 $0xF0, s2;
	_ =	sdelay $0x1  }
0x10e: {  	s22 =	ssub.s32 s0, s2  }
0x10f: {  	s0 =	sshll.u32 s22, $0x7  }
0x110: {  	[tilespmem:s0+$0x108] =	vst v1  }
0x111: {  	v1 =	vld [tilespmem:s25+$0xFFFFFFD0];
	_ =	sdelay $0x4  }
0x112: {  	[tilespmem:s0+$0x118] =	vst v1  }
0x113: {  	v1 =	vld [tilespmem:s25+$0xFFFFFFE0];
	_ =	sdelay $0x4  }
0x114: {  	[tilespmem:s0+$0x128] =	vst v1  }
0x115: {  	v1 =	vld [tilespmem:s25+$0xFFFFFFF0];
	_ =	sdelay $0x4  }
0x116: {  	[tilespmem:s0+$0x138] =	vst v1  }
0x117: {  	v1 =	vld [tilespmem:s25+$0x0];
	_ =	sdelay $0x4  }
0x118: {  	[tilespmem:s0+$0x148] =	vst v1  }
0x119: {  	v1 =	vld [tilespmem:s25+$0x10];
	_ =	sdelay $0x4  }
0x11a: {  	[tilespmem:s0+$0x158] =	vst v1  }
0x11b: {  	v1 =	vld [tilespmem:s25+$0x20];
	_ =	sdelay $0x4  }
0x11c: {  	[tilespmem:s0+$0x168] =	vst v1  }
0x11d: {  	v1 =	vld [tilespmem:s25+$0x30]  }
.Ltmp15:
0x11e: {  	_ = 	snop;
	(pc) =	sbr.rel .LBB2_17-.Ltmp15, $2  }
0x11f: {  	_ =	sdelay $0x2  }
0x120: {  	s28 =	sadd.s32 $0x1, s28;
	[tilespmem:s0+$0x178] =	vst v1  }
.LBB2_19:
.Ltmp16:
0x121: {  	(pc) =	sbr.rel .LBB2_20-.Ltmp16, $4  }
0x122: {  	_ = 	snop  }
0x123: {  	s0 =	simm.s32 $0x2  }
0x124: {  	_ =	swait.ge [sflag:s0], $0x0  }
0x125: {  	s30 =	smov.u32 s29;
	[sflag:s0] =	ssyncset.done $0x0;
	s0 =	simm.s32 $0x0  }
.LBB2_22:
0x126: {  	_ =	sfence.sel $0x180000  }
0x127: {  	s0 =	simm.s32 $0x9;
	[bflag:$0x0] =	sbarrier.arrive $0xFFFF  }
0x128: {  	s24 =	simm.s32 $0xA;
	[sflag:s0] =	ssyncpa.u1 $0x1  }
0x129: {  	s25 =	simm.s32 $0xB;
	[sflag:s24] =	ssyncpa.u1 $0x1  }
0x12a: {  	s26 =	simm.s32 $0x2;
	[sflag:s25] =	ssyncpa.u1 $0x1  }
0x12b: {  	[sflag:s26] =	ssyncpa.u1 $0x1  }
0x12c: {  	v0 =	vld [tilespmem:$0xF208];
	_ =	sdelay $0x4  }
0x12d: {  	(v2sf) =	vpush v0, $0x0  }
0x12e: {  	(v2sf) =	vpush v0, $0x1;
	_ =	sdelay $0x1  }
0x12f: {  	(v2sf) =	vpush v0, $0x2;
	_ =	sdelay $0xb  }
0x130: {  	s0 =	spop (v2sf)  }
0x131: {  	s2 =	spop (v2sf)  }
0x132: {  	s3 =	smov.u32 s0;
	p0 =	sne.s32 s0, s2  }
0x133: {  	s4 =	spop (v2sf);
	s3 =	simm.s32 @!p0 $0xFFFFFFFF  }
0x134: {  	v2 =	vimm.s32 $0x1;
	v3 =	vlaneseq.u32;
	p0 =	seq.s32 s4, $0xFFFFFFFF;
	v1 =	vmov s3  }
0x135: {  	s16 =	stileid.u32;
	v0 =	vperm.xlane v0, v2;
	p1 =	sne.s32 @!p0 s0, s2;
	v1 =	vperm.xlane v1, v3  }
0x136: {  	vm0 =	vcmask $0x3F04;
	s6 =	simm.s32 $0xF208;
	s0 =	simm.s32 @!p0 $0x1;
	p1 =	por !p1, p0  }
0x137: {  	s3 =	sshll.u32 s16, $0x1;
	s2 =	sshll.u32 @!p0 s4, $0x9;
	s0 =	simm.s32 @p1 $0x0;
	v0 =	vsel vm0, v1, v0  }
0x138: {  	s5 =	sor.u32 $0x1000, s3;
	s2 =	sshra.s32 @!p0 s2, $0x2;
	s0 =	sor.u32 @!p0 s0, s3;
	[tilespmem:$0xF208] =	vst v0  }
0x139: {  	[spmem:s5] =	stream.linear.scatter [tilespmem:s6], [sflag:$0x1], $0x2, $0x38;
	[tilespmem:$0x1F6F8] =	vst v63  }
0x13a: {  	s2 =	sadd.s32 @!p0 $0x108, s2;
	s0 =	sshll.u32 @!p0 s0, $0x7  }
0x13b: {  	[spmem:s0] =	stream.linear.scatter @!p0 [tilespmem:s2], [sflag:$0x1], $0x80, $0x38;
	[tilespmem:$0x1F6F8] =	vst v63  }
0x13c: {  	s0 =	simm.s32 @!p0 $0x82  }
0x13d: {  	s28 =	simm.s32 $0x1;
	s0 =	simm.s32 @p0 $0x2  }
0x13e: {  	_ =	swait.ge [sflag:s28], s0  }
0x13f: {  	s0 =	ssub.s32 $0x0, s0;
	[sflag:s28] =	ssyncset.done $0x0  }
0x140: {  	p0 =	sne.s32 s16, $0x0;
	[sflag:s28] =	ssyncadd.s32 s0  }
.Ltmp17:
0x141: {  	_ =	sfence.stream.spmem;
	(pc) =	sbr.rel @p0 .LBB2_39-.Ltmp17, $4  }
0x142: {  	s29 =	simm.s32 $0x3;
	[bflag:$0x0] =	sbarrier.arrive $0xFFFF  }
0x143: {  	s30 =	simm.s32 $0x4;
	[sflag:s29] =	ssyncpa.u1 $0x1  }
0x144: {  	s31 =	simm.s32 $0x3C;
	[sflag:s30] =	ssyncpa.u1 $0x1  }
0x145: {  	s15 =	rddreg [dreg:$0x5];
	[sflag:s31] =	ssyncpa.u1 $0x1  }
0x146: {  	_ =	sfence.stream.spmem;
	s0 =	simm.s32 $0x5  }
0x147: {  	s2 =	simm.s32 $0x1000;
	s3 =	simm.s32 $0xF218;
	[sflag:s0] =	ssyncpa.u1 $0x0  }
0x148: {  	[tilespmem:s3], [sflag:$0x5] =	stream.linear.gather [spmem:s2], $0x20, $0x38;
	[tilespmem:$0x1F6F8] =	vst v63  }
0x149: {  	s26 =	simm.s32 $0x0;
	s28 =	simm.s32 $0xF238  }
0x14a: {  	[tilespmem:s28], [sflag:$0x5] =	stream.linear.gather [spmem:s26], $0x1000, $0x38;
	[tilespmem:$0x1F6F8] =	vst v63  }
0x14b: {  	_ =	swait.ge [sflag:s0], $0x1020  }
0x14c: {  	[sflag:s0] =	ssyncset.done $0x0  }
0x14d: {  	s29 =	simm.s32 $0x0;
	[sflag:s0] =	ssyncadd.s32 $0xFFFFEFE0  }
0x14e: {  	v0 =	vld.msk [tilespmem:s29+$0xF218], $0x1;
	_ =	sdelay $0x1  }
0x14f: {  	s30 =	simm.s32 $0x1  }
0x150: {  	v1 =	vld.msk [tilespmem:s30+$0xF218], $0x1;
	_ =	sdelay $0x1  }
0x151: {  	(v2sf) =	vpush v0, $0x0;
	_ =	sdelay $0x2  }
0x152: {  	(v2sf) =	vpush v1, $0x0;
	_ =	sdelay $0x2  }
0x153: {  	s31 =	simm.s32 $0x2  }
0x154: {  	v0 =	vld.msk [tilespmem:s31+$0xF218], $0x1;
	_ =	sdelay $0x2  }
0x155: {  	s4 =	simm.s32 $0xFFFFFFFF;
	s5 =	simm.s32 $0xFFFFFFFF;
	s0 =	simm.s32 $0xC  }
.LBB2_24:
0x156: {  	s2 =	smov.u32 s5;
	s3 =	smov.u32 s4  }
0x157: {  	s4 =	sshra.s32 s0, $0x2;
	p1 =	sne.s32 s0, $0x7C;
	s0 =	sadd.s32 $0x4, s0;
	(v2sf) =	vpush v0, $0x0  }
0x158: {  	v0 =	vld.msk [tilespmem:s4+$0xF218], $0x1  }
.Ltmp18:
0x159: {  	(pc) =	sbr.rel @p1 .LBB2_24-.Ltmp18, $4  }
0x15a: {  	s5 =	spop (v2sf)  }
0x15b: {  	p2 =	sne.s32 s3, $0xFFFFFFFF;
	s4 =	smov.u32 s5  }
0x15c: {  	p3 =	seq.s32 s5, $0xFFFFFFFF;
	s4 =	smov.u32 @p2 s3  }
0x15d: {  	s5 =	smov.u32 @p3 s2;
	s4 =	smov.u32 @p3 s3  }
0x15e: {  	(v2sf) =	vpush v0, $0x0;
	_ =	sdelay $0x8  }
0x15f: {  	s0 =	spop (v2sf)  }
0x160: {  	p1 =	sne.s32 s4, $0xFFFFFFFF;
	s2 =	smov.u32 s0  }
0x161: {  	s9 =	simm.s32 $0x6;
	p2 =	seq.s32 s0, $0xFFFFFFFF;
	s2 =	smov.u32 @p1 s4  }
0x162: {  	s6 =	simm.s32 $0x0;
	s2 =	smov.u32 @p2 s4;
	s3 =	spop (v2sf)  }
0x163: {  	s0 =	smov.u32 @p2 s5;
	p1 =	sne.s32 s2, $0xFFFFFFFF;
	s4 =	smov.u32 s3  }
.Ltmp19:
0x164: {  	p2 =	seq.s32 s3, $0xFFFFFFFF;
	s4 =	smov.u32 @p1 s2;
	(pc) =	sbr.rel .LBB2_26-.Ltmp19, $4  }
0x165: {  	s10 =	simm.s32 $0xF188;
	s4 =	smov.u32 @p2 s2;
	s7 =	spop (v2sf)  }
0x166: {  	s11 =	simm.s32 $0x0;
	p1 =	sne.s32 s4, $0xFFFFFFFF;
	s8 =	smov.u32 s7  }
0x167: {  	s3 =	smov.u32 @p2 s0;
	p2 =	seq.s32 s7, $0xFFFFFFFF;
	s8 =	smov.u32 @p1 s4  }
0x168: {  	[sflag:s9] =	ssyncpa.u1 $0x0;
	s7 =	smov.u32 @p2 s3;
	s8 =	smov.u32 @p2 s4  }
.LBB2_32:
0x169: {  	p1 =	sgt.u32 s12, $0x44BFF0  }
0x16a: {  	p2 =	seq.s32 @!p1 s12, s8  }
0x16b: {  	p1 =	por p1, p2  }
0x16c: {  	p2 =	sne.s32 @!p1 s12, s7  }
0x16d: {  	p1 =	por p1, !p2  }
0x16e: {  	s0 =	sshll.u32 @p1 s11, $0x9  }
0x16f: {  	s0 =	sand.u32 @!p1 $0x7FFFF8, s12  }
0x170: {  	s2 =	sand.u32 @!p1 $0x7, s12;
	s0 =	sadd.s32 @!p1 s1, s0  }
0x171: {  	[tilespmem:s10], [sflag:$0x6] =	stream.linear.gather @!p1 [hbm4b:s0+s2], $0x80, $0x38;
	[tilespmem:$0x1F6F8] =	vst v63  }
0x172: {  	_ =	swait.ge @!p1 [sflag:s9], $0x80  }
0x173: {  	[sflag:s9] =	ssyncset.done @!p1 $0x0  }
0x174: {  	s0 =	sshll.u32 @!p1 s11, $0x9;
	[sflag:s9] =	ssyncadd.s32 @!p1 $0xFFFFFF80  }
0x175: {  	s2 =	sshrl.u32 @!p1 s0, $0x2;
	v1 =	vld @!p1 [tilespmem:$0xF188]  }
0x176: {  	v2 =	vld @!p1 [tilespmem:s2+$0xF238];
	_ =	sdelay $0x4  }
0x177: {  	v1 =	vmax.f32 @!p1 v1, v2  }
0x178: {  	v2 =	vld @!p1 [tilespmem:s2+$0xF248];
	[tilespmem:s2+$0xF238] =	vst @!p1 v1  }
0x179: {  	v1 =	vld @!p1 [tilespmem:$0xF198];
	_ =	sdelay $0x4  }
0x17a: {  	v1 =	vmax.f32 @!p1 v1, v2  }
0x17b: {  	v2 =	vld @!p1 [tilespmem:s2+$0xF258];
	[tilespmem:s2+$0xF248] =	vst @!p1 v1  }
0x17c: {  	v1 =	vld @!p1 [tilespmem:$0xF1A8];
	_ =	sdelay $0x4  }
0x17d: {  	v1 =	vmax.f32 @!p1 v1, v2  }
0x17e: {  	v2 =	vld @!p1 [tilespmem:s2+$0xF268];
	[tilespmem:s2+$0xF258] =	vst @!p1 v1  }
0x17f: {  	v1 =	vld @!p1 [tilespmem:$0xF1B8];
	_ =	sdelay $0x4  }
0x180: {  	v1 =	vmax.f32 @!p1 v1, v2  }
0x181: {  	v2 =	vld @!p1 [tilespmem:s2+$0xF278];
	[tilespmem:s2+$0xF268] =	vst @!p1 v1  }
0x182: {  	v1 =	vld @!p1 [tilespmem:$0xF1C8];
	_ =	sdelay $0x4  }
0x183: {  	v1 =	vmax.f32 @!p1 v1, v2  }
0x184: {  	v2 =	vld @!p1 [tilespmem:s2+$0xF288];
	[tilespmem:s2+$0xF278] =	vst @!p1 v1  }
0x185: {  	v1 =	vld @!p1 [tilespmem:$0xF1D8];
	_ =	sdelay $0x4  }
0x186: {  	v1 =	vmax.f32 @!p1 v1, v2  }
0x187: {  	v2 =	vld @!p1 [tilespmem:s2+$0xF298];
	[tilespmem:s2+$0xF288] =	vst @!p1 v1  }
0x188: {  	v1 =	vld @!p1 [tilespmem:$0xF1E8];
	_ =	sdelay $0x4  }
0x189: {  	v1 =	vmax.f32 @!p1 v1, v2  }
0x18a: {  	v2 =	vld @!p1 [tilespmem:s2+$0xF2A8];
	[tilespmem:s2+$0xF298] =	vst @!p1 v1  }
0x18b: {  	v1 =	vld @!p1 [tilespmem:$0xF1F8];
	_ =	sdelay $0x4  }
0x18c: {  	v1 =	vmax.f32 @!p1 v1, v2  }
0x18d: {  	[tilespmem:s2+$0xF2A8] =	vst @!p1 v1  }
0x18e: {  	s0 =	sshrl.u32 s0, $0x2;
	[tilespmem:s6+$0xF218] =	vst.msk $0x1, v0  }
0x18f: {  	v0 =	vld [tilespmem:s0+$0xF238];
	_ =	sdelay $0x2  }
0x190: {  	s31 =	sshll.u32 s6, $0x9  }
0x191: {  	s2 =	sshra.s32 s31, $0x2  }
0x192: {  	[tilespmem:s2+$0xF238] =	vst v0  }
0x193: {  	v0 =	vld [tilespmem:s0+$0xF248];
	_ =	sdelay $0x4  }
0x194: {  	[tilespmem:s2+$0xF248] =	vst v0  }
0x195: {  	v0 =	vld [tilespmem:s0+$0xF258];
	_ =	sdelay $0x4  }
0x196: {  	[tilespmem:s2+$0xF258] =	vst v0  }
0x197: {  	v0 =	vld [tilespmem:s0+$0xF268];
	_ =	sdelay $0x4  }
0x198: {  	[tilespmem:s2+$0xF268] =	vst v0  }
0x199: {  	v0 =	vld [tilespmem:s0+$0xF278];
	_ =	sdelay $0x4  }
0x19a: {  	[tilespmem:s2+$0xF278] =	vst v0  }
0x19b: {  	v0 =	vld [tilespmem:s0+$0xF288];
	_ =	sdelay $0x4  }
0x19c: {  	[tilespmem:s2+$0xF288] =	vst v0  }
0x19d: {  	v0 =	vld [tilespmem:s0+$0xF298];
	_ =	sdelay $0x4  }
0x19e: {  	[tilespmem:s2+$0xF298] =	vst v0  }
0x19f: {  	v0 =	vld [tilespmem:s0+$0xF2A8];
	_ =	sdelay $0x4  }
0x1a0: {  	s6 =	sadd.s32 $0x1, s6;
	[tilespmem:s2+$0xF2A8] =	vst v0  }
.LBB2_33:
0x1a1: {  	s11 =	sadd.s32 $0x1, s11  }
0x1a2: {  	p1 =	sne.s32 s11, $0x20  }
.Ltmp20:
0x1a3: {  	_ = 	snop;
	(pc) =	sbr.rel @!p1 .LBB2_34-.Ltmp20, $1  }
0x1a4: {  	_ =	sdelay $0x3  }
.LBB2_26:
0x1a5: {  	v0 =	vld.msk [tilespmem:s11+$0xF218], $0x1;
	_ =	sdelay $0x4  }
0x1a6: {  	(v2sf) =	vpush v0, $0x0;
	_ =	sdelay $0xe  }
0x1a7: {  	s12 =	spop (v2sf)  }
0x1a8: {  	p1 =	seq.s32 s12, $0xFFFFFFFF  }
.Ltmp21:
0x1a9: {  	_ = 	snop;
	(pc) =	sbr.rel @p1 .LBB2_33-.Ltmp21, $1  }
0x1aa: {  	_ =	sdelay $0x3  }
0x1ab: {  	p1 =	slt.s32 s6, $0x1  }
.Ltmp22:
0x1ac: {  	_ = 	snop;
	(pc) =	sbr.rel @p1 .LBB2_32-.Ltmp22, $1  }
0x1ad: {  	_ =	sdelay $0x3  }
0x1ae: {  	s13 =	simm.s32 $0xF218;
	p1 =	por $0x0, $0x0  }
0x1af: {  	v1 =	vld.msk @!p1 [tilespmem:s13+$0x0], $0x1;
	_ =	sdelay $0x4  }
0x1b0: {  	(v2sf) =	vpush @!p1 v1, $0x0;
	_ =	sdelay $0xd  }
0x1b1: {  	p3 =	sne.s32 s6, $0x1  }
.Ltmp23:
0x1b2: {  	s0 =	spop @!p1 (v2sf);
	(pc) =	sbr.rel @!p3 .LBB2_30-.Ltmp23, $4  }
0x1b3: {  	p2 =	seq.s32 @!p1 s12, s0  }
0x1b4: {  	s14 =	simm.s32 $0x0;
	p2 =	por !p2, p1  }
0x1b5: {  	s2 =	simm.s32 $0xFFFFFFFF;
	s14 =	simm.s32 @p2 $0xFFFFFFFF  }
0x1b6: {  	s0 =	simm.s32 $0x1;
	s14 =	smov.u32 @p1 s2  }
.LBB2_29:
0x1b7: {  	s2 =	smov.u32 s14;
	p1 =	sne.s32 s14, $0xFFFFFFFF  }
0x1b8: {  	s13 =	sadd.s32 $0x1, s13;
	s14 =	smov.u32 s0;
	s0 =	sadd.s32 $0x1, s0  }
0x1b9: {  	p2 =	sne.s32 s6, s0;
	v1 =	vld.msk @!p1 [tilespmem:s13+$0x0], $0x1;
	_ =	sdelay $0x4  }
0x1ba: {  	(v2sf) =	vpush @!p1 v1, $0x0;
	_ =	sdelay $0xe  }
.Ltmp24:
0x1bb: {  	s3 =	spop @!p1 (v2sf);
	(pc) =	sbr.rel @p2 .LBB2_29-.Ltmp24, $4  }
0x1bc: {  	p3 =	seq.s32 @!p1 s12, s3  }
0x1bd: {  	p3 =	por !p3, p1  }
0x1be: {  	s14 =	simm.s32 @p3 $0xFFFFFFFF  }
0x1bf: {  	s14 =	smov.u32 @p1 s2  }
.LBB2_30:
0x1c0: {  	p1 =	seq.s32 s14, $0xFFFFFFFF  }
.Ltmp25:
0x1c1: {  	_ = 	snop;
	(pc) =	sbr.rel @p1 .LBB2_32-.Ltmp25, $1  }
0x1c2: {  	_ =	sdelay $0x3  }
0x1c3: {  	s0 =	sshll.u32 s11, $0x7  }
0x1c4: {  	s2 =	sshll.u32 s14, $0x9;
	s0 =	sand.u32 $0x3FFFFF80, s0  }
0x1c5: {  	s2 =	sshra.s32 s2, $0x2;
	v0 =	vld [tilespmem:s0+$0xF238]  }
0x1c6: {  	v1 =	vld [tilespmem:s2+$0xF238];
	_ =	sdelay $0x4  }
0x1c7: {  	v0 =	vmax.f32 v0, v1  }
0x1c8: {  	v57 =	vld [tilespmem:s2+$0xF248];
	[tilespmem:s2+$0xF238] =	vst v0  }
0x1c9: {  	v0 =	vld [tilespmem:s0+$0xF248];
	_ =	sdelay $0x4  }
0x1ca: {  	v0 =	vmax.f32 v0, v57  }
0x1cb: {  	v58 =	vld [tilespmem:s2+$0xF258];
	[tilespmem:s2+$0xF248] =	vst v0  }
0x1cc: {  	v0 =	vld [tilespmem:s0+$0xF258];
	_ =	sdelay $0x4  }
0x1cd: {  	v0 =	vmax.f32 v0, v58  }
0x1ce: {  	v59 =	vld [tilespmem:s2+$0xF268];
	[tilespmem:s2+$0xF258] =	vst v0  }
0x1cf: {  	v0 =	vld [tilespmem:s0+$0xF268];
	_ =	sdelay $0x4  }
0x1d0: {  	v0 =	vmax.f32 v0, v59  }
0x1d1: {  	v60 =	vld [tilespmem:s2+$0xF278];
	[tilespmem:s2+$0xF268] =	vst v0  }
0x1d2: {  	v0 =	vld [tilespmem:s0+$0xF278];
	_ =	sdelay $0x4  }
0x1d3: {  	v0 =	vmax.f32 v0, v60  }
0x1d4: {  	v61 =	vld [tilespmem:s2+$0xF288];
	[tilespmem:s2+$0xF278] =	vst v0  }
0x1d5: {  	v0 =	vld [tilespmem:s0+$0xF288];
	_ =	sdelay $0x4  }
0x1d6: {  	v0 =	vmax.f32 v0, v61  }
0x1d7: {  	v62 =	vld [tilespmem:s2+$0xF298];
	[tilespmem:s2+$0xF288] =	vst v0  }
0x1d8: {  	v0 =	vld [tilespmem:s0+$0xF298];
	_ =	sdelay $0x4  }
0x1d9: {  	v0 =	vmax.f32 v0, v62  }
0x1da: {  	v63 =	vld [tilespmem:s2+$0xF2A8];
	[tilespmem:s2+$0xF298] =	vst v0  }
0x1db: {  	v0 =	vld [tilespmem:s0+$0xF2A8];
	_ =	sdelay $0x1  }
.Ltmp26:
0x1dc: {  	_ = 	snop;
	(pc) =	sbr.rel .LBB2_33-.Ltmp26, $3  }
0x1dd: {  	_ =	sdelay $0x1  }
0x1de: {  	v0 =	vmax.f32 v0, v63  }
0x1df: {  	[tilespmem:s2+$0xF2A8] =	vst v0  }
.LBB2_34:
0x1e0: {  	s0 =	simm.s32 $0x6;
	p1 =	seq.s32 s6, $0x0  }
0x1e1: {  	[sflag:s0] =	ssyncpa.u1 $0x1;
	v0 =	vimm.s32 @p1 $0xFFFFFFFF  }
0x1e2: {  	s9 =	sadd.s32 $0xFFFFFFFF, s6;
	[tilespmem:$0x10238] =	vst @p1 v0  }
0x1e3: {  	v0 =	vld.msk @!p1 [tilespmem:s9+$0xF218], $0x1;
	_ =	sdelay $0x1  }
0x1e4: {  	v1 =	vld.msk @!p1 [tilespmem:$0xF218], $0x1;
	_ =	sdelay $0x2  }
0x1e5: {  	p2 =	seq.s32 @!p1 s9, $0x0;
	v0 =	vbroadcast @!p1 v0, $0x0  }
0x1e6: {  	vm0 =	vmmov @!p1 $0x1;
	p2 =	por !p2, p1  }
0x1e7: {  	v1 =	vnsel @!p1 vm0, $0xFFFFFFFF, v1;
	vm0 =	vcmask @!p1 $0x308;
	v0 =	vpsel !p2, $0xFFFFFFFF, v0  }
0x1e8: {  	p2 =	sne.s32 @!p1 s8, s7;
	v0 =	vsel @!p1 vm0, v1, v0  }
0x1e9: {  	s0 =	simm.s32 @!p1 $0xF238;
	s2 =	simm.s32 @!p1 $0x0;
	p3 =	por !p2, p1;
	[tilespmem:$0x10238] =	vst @!p1 v0  }
0x1ea: {  	[spmem:s2] =	stream.linear.scatter @!p1 [tilespmem:s0], [sflag:$0x1], $0x80, $0x38;
	[tilespmem:$0x1F6F8] =	vst v63  }
0x1eb: {  	s0 =	sshll.u32 @!p3 s9, $0x9  }
0x1ec: {  	s0 =	sshra.s32 @!p3 s0, $0x2  }
0x1ed: {  	s2 =	simm.s32 @!p3 $0x80;
	s0 =	sadd.s32 @!p3 $0xF238, s0  }
0x1ee: {  	[spmem:s2] =	stream.linear.scatter @!p3 [tilespmem:s0], [sflag:$0x1], $0x80, $0x38;
	[tilespmem:$0x1F6F8] =	vst v63  }
0x1ef: {  	s0 =	simm.s32 @!p3 $0x1  }
0x1f0: {  	_ =	swait.ge @!p3 [sflag:s0], $0x100  }
0x1f1: {  	p1 =	por p2, p1;
	[sflag:s0] =	ssyncset.done @!p3 $0x0  }
0x1f2: {  	[sflag:s0] =	ssyncadd.s32 @!p3 $0xFFFFFF00;
	s0 =	simm.s32 @!p1 $0x1  }
0x1f3: {  	_ =	swait.ge @!p1 [sflag:s0], $0x80  }
0x1f4: {  	s29 =	simm.s32 $0x10238;
	[sflag:s0] =	ssyncset.done @!p1 $0x0  }
0x1f5: {  	s30 =	simm.s32 $0x1000;
	s31 =	simm.s32 $0x1;
	[sflag:s0] =	ssyncadd.s32 @!p1 $0xFFFFFF80  }
0x1f6: {  	[spmem:s30] =	stream.linear.scatter [tilespmem:s29], [sflag:$0x1], $0x10, $0x38;
	[tilespmem:$0x1F6F8] =	vst v63  }
0x1f7: {  	_ =	swait.ge [sflag:s31], $0x10  }
0x1f8: {  	[sflag:s31] =	ssyncset.done $0x0  }
0x1f9: {  	p1 =	seq.s32 s15, $0x0;
	s8 =	rddreg [dreg:$0x2];
	[sflag:s31] =	ssyncadd.s32 $0xFFFFFFF0  }
0x1fa: {  	s2 =	sshll.u32 @p1 s8, $0xE;
	s7 =	rddreg [dreg:$0x3]  }
0x1fb: {  	s0 =	sadd.s32 @p1 $0x15C3C, s2;
	s2 =	sshll.u32 @p1 s7, $0x11  }
0x1fc: {  	_ =	sfence.stream.spmem;
	s0 =	sor.u32 @p1 s2, s0  }
0x1fd: {  	[sflag:s0] =	ssyncadd.remote.s32 @p1 $0x1;
	s0 =	simm.s32 @p1 $0x4  }
0x1fe: {  	s3 =	simm.s32 @!p1 $0x3C;
	s2 =	sand.u32 $0xFFFFFFFE, s8;
	_ =	swait.ge @p1 [sflag:s0], $0x22  }
0x1ff: {  	s4 =	simm.s32 @!p1 $0x0;
	s2 =	sadd.s32 @!p1 $0x4, s2;
	[sflag:s0] =	ssyncset.done @p1 $0x0  }
0x200: {  	s5 =	simm.s32 @!p1 $0x100;
	[sflag:s0] =	ssyncadd.s32 @p1 $0xFFFFFFDE;
	s0 =	sshll.u32 @!p1 s2, $0x1A  }
0x201: {  	s2 =	sshll.u32 @!p1 s2, $0xD;
	s0 =	sor.u32 @!p1 s0, s7;
	_ =	swait.eq @!p1 [sflag:s3], $0x1  }
0x202: {  	s2 =	sor.u32 @!p1 $0x1C04, s2;
	s3 =	simm.s32 @!p1 $0x1C03;
	s0 =	sor.u32 @!p1 $0x80004000, s0  }
0x203: {  	[spmem:s5], [sflag:s2] =	dma.general @!p1 [spmem:s4], [sflag:s3], length:$0x20, [dreg:$0x0], stride_count:$0x0, ici_dest:s0, dma_misc:DstOpCode:WRITE  }
0x204: {  	p2 =	slt.s32 s9, $0x2;
	s4 =	simm.s32 @!p1 $0x200;
	s5 =	simm.s32 @!p1 $0x202  }
0x205: {  	[spmem:s5], [sflag:s2] =	dma.general @!p1 [spmem:s4], [sflag:s3], length:$0x2, [dreg:$0x0], stride_count:$0x0, ici_dest:s0, dma_misc:DstOpCode:WRITE  }
.Ltmp27:
0x206: {  	s0 =	simm.s32 @!p1 $0x3;
	(pc) =	sbr.rel @p2 .LBB2_38-.Ltmp27, $4  }
0x207: {  	s2 =	sshll.u32 @!p1 s8, $0xE;
	_ =	swait.ge @!p1 [sflag:s0], $0x22  }
0x208: {  	s3 =	sshll.u32 @!p1 s7, $0x11;
	s2 =	sadd.s32 @!p1 $0x11C3C, s2;
	[sflag:s0] =	ssyncset.done @!p1 $0x0  }
0x209: {  	[sflag:s0] =	ssyncadd.s32 @!p1 $0xFFFFFFDE;
	s0 =	sor.u32 @!p1 s3, s2  }
0x20a: {  	[sflag:s0] =	ssyncadd.remote.s32 @!p1 $0xFFFFFFFF;
	s0 =	simm.s32 $0x0  }
0x20b: {  	s0 =	simm.s32 $0xF219  }
0x20c: {  	v0 =	vld.msk [tilespmem:s0+$0x0], $0x1;
	_ =	sdelay $0x4  }
0x20d: {  	(v2sf) =	vpush v0, $0x0;
	_ =	sdelay $0xb  }
0x20e: {  	s31 =	sadd.s32 $0xFFFFFFFE, s6  }
0x20f: {  	s0 =	sadd.s32 $0xFFFFFFFF, s31  }
0x210: {  	p2 =	sne.s32 s0, $0x0  }
.Ltmp28:
0x211: {  	s2 =	spop (v2sf);
	(pc) =	sbr.rel @!p2 .LBB2_37-.Ltmp28, $4  }
0x212: {  	s4 =	simm.s32 $0xF2B8;
	s7 =	simm.s32 $0x0;
	p1 =	sgt.u32 s2, $0x44BFF0  }
0x213: {  	s5 =	simm.s32 $0x0;
	s6 =	simm.s32 $0xF21A;
	s3 =	sand.u32 @!p1 $0x7FFFF8, s2  }
0x214: {  	s2 =	sand.u32 @!p1 $0x7, s2;
	s7 =	simm.s32 @!p1 $0x200;
	s3 =	sadd.s32 @!p1 s1, s3  }
0x215: {  	[hbm4b:s3+s2] =	stream.linear.scatter @!p1 [tilespmem:s4], [sflag:$0x5], $0x80, $0x38;
	[tilespmem:$0x1F6F8] =	vst v63  }
.LBB2_36:
0x216: {  	v0 =	vld.msk [tilespmem:s6+$0x0], $0x1;
	s0 =	sadd.s32 $0xFFFFFFFF, s0;
	s5 =	sadd.s32 s5, s7  }
0x217: {  	p1 =	sne.s32 s0, $0x0;
	_ =	sdelay $0x3  }
0x218: {  	(v2sf) =	vpush v0, $0x0;
	_ =	sdelay $0xe  }
.Ltmp29:
0x219: {  	s2 =	spop (v2sf);
	(pc) =	sbr.rel @p1 .LBB2_36-.Ltmp29, $4  }
0x21a: {  	s7 =	simm.s32 $0x0;
	p2 =	sgt.u32 s2, $0x44BFF0  }
0x21b: {  	s4 =	sadd.s32 $0x80, s4;
	s7 =	simm.s32 @!p2 $0x200;
	s3 =	sand.u32 @!p2 $0x7FFFF8, s2  }
0x21c: {  	s6 =	sadd.s32 $0x1, s6;
	s2 =	sand.u32 @!p2 $0x7, s2;
	s3 =	sadd.s32 @!p2 s1, s3  }
0x21d: {  	[hbm4b:s3+s2] =	stream.linear.scatter @!p2 [tilespmem:s4], [sflag:$0x5], $0x80, $0x38;
	[tilespmem:$0x1F6F8] =	vst v63  }
.LBB2_37:
0x21e: {  	s0 =	sadd.s32 s5, s7  }
0x21f: {  	s0 =	sshrl.u32 s0, $0x2  }
.LBB2_38:
0x220: {  	s2 =	simm.s32 $0x5  }
0x221: {  	_ =	swait.ge [sflag:s2], s0  }
0x222: {  	s31 =	ssub.s32 $0x0, s0;
	[sflag:s2] =	ssyncset.done $0x0  }
0x223: {  	[sflag:s2] =	ssyncadd.s32 s31  }
0x224: {  	[sflag:s2] =	ssyncpa.u1 $0x1  }
.LBB2_39:
0x225: {  	s0 =	sor.u32 s15, s16  }
0x226: {  	p1 =	sne.s32 s0, $0x0  }
.Ltmp30:
0x227: {  	_ = 	snop;
	(pc) =	sbr.rel @p1 .LBB2_54-.Ltmp30, $3  }
0x228: {  	_ =	sdelay $0x1  }
0x229: {  	[bflag:$0x0] =	sbarrier.arrive $0xFFFF  }
0x22a: {  	_ =	sfence  }
0x22b: {  	s0 =	simm.s32 $0x7  }
0x22c: {  	s2 =	simm.s32 $0x1000;
	s3 =	simm.s32 $0xF218;
	[sflag:s0] =	ssyncpa.u1 $0x0  }
0x22d: {  	[tilespmem:s3], [sflag:$0x7] =	stream.linear.gather [spmem:s2], $0x20, $0x38;
	[tilespmem:$0x1F6F8] =	vst v63  }
0x22e: {  	s30 =	simm.s32 $0xF238;
	s2 =	simm.s32 $0x0  }
0x22f: {  	[tilespmem:s30], [sflag:$0x7] =	stream.linear.gather [spmem:s2], $0x1000, $0x38;
	[tilespmem:$0x1F6F8] =	vst v63  }
.Ltmp31:
0x230: {  	_ = 	snop;
	(pc) =	sbr.rel .LBB2_41-.Ltmp31, $4  }
0x231: {  	_ =	swait.ge [sflag:s0], $0x1020  }
0x232: {  	[sflag:s0] =	ssyncset.done $0x0  }
0x233: {  	s31 =	simm.s32 $0x8;
	[sflag:s0] =	ssyncadd.s32 $0xFFFFEFE0  }
0x234: {  	s3 =	simm.s32 $0x0;
	[sflag:s31] =	ssyncpa.u1 $0x0  }
.LBB2_47:
0x235: {  	p1 =	slt.u32 s4, $0x44BFF1  }
0x236: {  	s0 =	sand.u32 @p1 $0x7FFFF8, s4  }
0x237: {  	s4 =	sand.u32 @p1 $0x7, s4;
	s5 =	simm.s32 @p1 $0xF188;
	s0 =	sadd.s32 @p1 s1, s0  }
0x238: {  	[tilespmem:s5], [sflag:$0x8] =	stream.linear.gather @p1 [hbm4b:s0+s4], $0x80, $0x38;
	[tilespmem:$0x1F6F8] =	vst v63  }
0x239: {  	s0 =	simm.s32 @p1 $0x8  }
0x23a: {  	_ =	swait.ge @p1 [sflag:s0], $0x80  }
0x23b: {  	[sflag:s0] =	ssyncset.done @p1 $0x0  }
0x23c: {  	[sflag:s0] =	ssyncadd.s32 @p1 $0xFFFFFF80;
	s0 =	sshll.u32 @p1 s3, $0x9  }
0x23d: {  	s4 =	sshrl.u32 @p1 s0, $0x2;
	v1 =	vld @p1 [tilespmem:$0xF188]  }
0x23e: {  	v2 =	vld @p1 [tilespmem:s4+$0xF238];
	_ =	sdelay $0x4  }
0x23f: {  	v1 =	vmax.f32 @p1 v1, v2  }
0x240: {  	v2 =	vld @p1 [tilespmem:s4+$0xF248];
	[tilespmem:s4+$0xF238] =	vst @p1 v1  }
0x241: {  	v1 =	vld @p1 [tilespmem:$0xF198];
	_ =	sdelay $0x4  }
0x242: {  	v1 =	vmax.f32 @p1 v1, v2  }
0x243: {  	v2 =	vld @p1 [tilespmem:s4+$0xF258];
	[tilespmem:s4+$0xF248] =	vst @p1 v1  }
0x244: {  	v1 =	vld @p1 [tilespmem:$0xF1A8];
	_ =	sdelay $0x4  }
0x245: {  	v1 =	vmax.f32 @p1 v1, v2  }
0x246: {  	v2 =	vld @p1 [tilespmem:s4+$0xF268];
	[tilespmem:s4+$0xF258] =	vst @p1 v1  }
0x247: {  	v1 =	vld @p1 [tilespmem:$0xF1B8];
	_ =	sdelay $0x4  }
0x248: {  	v1 =	vmax.f32 @p1 v1, v2  }
0x249: {  	v2 =	vld @p1 [tilespmem:s4+$0xF278];
	[tilespmem:s4+$0xF268] =	vst @p1 v1  }
0x24a: {  	v1 =	vld @p1 [tilespmem:$0xF1C8];
	_ =	sdelay $0x4  }
0x24b: {  	v1 =	vmax.f32 @p1 v1, v2  }
0x24c: {  	v2 =	vld @p1 [tilespmem:s4+$0xF288];
	[tilespmem:s4+$0xF278] =	vst @p1 v1  }
0x24d: {  	v1 =	vld @p1 [tilespmem:$0xF1D8];
	_ =	sdelay $0x4  }
0x24e: {  	v1 =	vmax.f32 @p1 v1, v2  }
0x24f: {  	v2 =	vld @p1 [tilespmem:s4+$0xF298];
	[tilespmem:s4+$0xF288] =	vst @p1 v1  }
0x250: {  	v1 =	vld @p1 [tilespmem:$0xF1E8];
	_ =	sdelay $0x4  }
0x251: {  	v1 =	vmax.f32 @p1 v1, v2  }
0x252: {  	v2 =	vld @p1 [tilespmem:s4+$0xF2A8];
	[tilespmem:s4+$0xF298] =	vst @p1 v1  }
0x253: {  	v1 =	vld @p1 [tilespmem:$0xF1F8];
	_ =	sdelay $0x4  }
0x254: {  	s5 =	sshll.u32 @!p1 s3, $0x9;
	v1 =	vmax.f32 @p1 v1, v2  }
0x255: {  	s5 =	smov.u32 @p1 s0;
	[tilespmem:s4+$0xF2A8] =	vst @p1 v1  }
0x256: {  	s0 =	sshrl.u32 s5, $0x2;
	[tilespmem:s2+$0xF218] =	vst.msk $0x1, v0  }
0x257: {  	v0 =	vld [tilespmem:s0+$0xF238];
	_ =	sdelay $0x2  }
0x258: {  	s31 =	sshll.u32 s2, $0x9  }
0x259: {  	s4 =	sshra.s32 s31, $0x2  }
0x25a: {  	[tilespmem:s4+$0xF238] =	vst v0  }
0x25b: {  	v0 =	vld [tilespmem:s0+$0xF248];
	_ =	sdelay $0x4  }
0x25c: {  	[tilespmem:s4+$0xF248] =	vst v0  }
0x25d: {  	v0 =	vld [tilespmem:s0+$0xF258];
	_ =	sdelay $0x4  }
0x25e: {  	[tilespmem:s4+$0xF258] =	vst v0  }
0x25f: {  	v0 =	vld [tilespmem:s0+$0xF268];
	_ =	sdelay $0x4  }
0x260: {  	[tilespmem:s4+$0xF268] =	vst v0  }
0x261: {  	v0 =	vld [tilespmem:s0+$0xF278];
	_ =	sdelay $0x4  }
0x262: {  	[tilespmem:s4+$0xF278] =	vst v0  }
0x263: {  	v0 =	vld [tilespmem:s0+$0xF288];
	_ =	sdelay $0x4  }
0x264: {  	[tilespmem:s4+$0xF288] =	vst v0  }
0x265: {  	v0 =	vld [tilespmem:s0+$0xF298];
	_ =	sdelay $0x4  }
0x266: {  	[tilespmem:s4+$0xF298] =	vst v0  }
0x267: {  	v0 =	vld [tilespmem:s0+$0xF2A8];
	_ =	sdelay $0x4  }
0x268: {  	s2 =	sadd.s32 $0x1, s2;
	[tilespmem:s4+$0xF2A8] =	vst v0  }
.LBB2_48:
0x269: {  	s3 =	sadd.s32 $0x1, s3  }
0x26a: {  	p1 =	sne.s32 s3, $0x20  }
.Ltmp32:
0x26b: {  	_ = 	snop;
	(pc) =	sbr.rel @!p1 .LBB2_49-.Ltmp32, $1  }
0x26c: {  	_ =	sdelay $0x3  }
.LBB2_41:
0x26d: {  	v0 =	vld.msk [tilespmem:s3+$0xF218], $0x1;
	_ =	sdelay $0x4  }
0x26e: {  	(v2sf) =	vpush v0, $0x0;
	_ =	sdelay $0xe  }
0x26f: {  	s4 =	spop (v2sf)  }
0x270: {  	p1 =	seq.s32 s4, $0xFFFFFFFF  }
.Ltmp33:
0x271: {  	_ = 	snop;
	(pc) =	sbr.rel @p1 .LBB2_48-.Ltmp33, $1  }
0x272: {  	_ =	sdelay $0x3  }
0x273: {  	p1 =	slt.s32 s2, $0x1  }
.Ltmp34:
0x274: {  	_ = 	snop;
	(pc) =	sbr.rel @p1 .LBB2_47-.Ltmp34, $1  }
0x275: {  	_ =	sdelay $0x3  }
0x276: {  	s5 =	simm.s32 $0xF218;
	p1 =	por $0x0, $0x0  }
0x277: {  	v1 =	vld.msk @!p1 [tilespmem:s5+$0x0], $0x1;
	_ =	sdelay $0x4  }
0x278: {  	(v2sf) =	vpush @!p1 v1, $0x0;
	_ =	sdelay $0xd  }
0x279: {  	p3 =	sne.s32 s2, $0x1  }
.Ltmp35:
0x27a: {  	s0 =	spop @!p1 (v2sf);
	(pc) =	sbr.rel @!p3 .LBB2_45-.Ltmp35, $4  }
0x27b: {  	p2 =	seq.s32 @!p1 s4, s0  }
0x27c: {  	s6 =	simm.s32 $0x0;
	p2 =	por !p2, p1  }
0x27d: {  	s7 =	simm.s32 $0xFFFFFFFF;
	s6 =	simm.s32 @p2 $0xFFFFFFFF  }
0x27e: {  	s0 =	simm.s32 $0x1;
	s6 =	smov.u32 @p1 s7  }
.LBB2_44:
0x27f: {  	s7 =	smov.u32 s6;
	p1 =	sne.s32 s6, $0xFFFFFFFF  }
0x280: {  	s5 =	sadd.s32 $0x1, s5;
	s6 =	smov.u32 s0;
	s0 =	sadd.s32 $0x1, s0  }
0x281: {  	p2 =	sne.s32 s2, s0;
	v1 =	vld.msk @!p1 [tilespmem:s5+$0x0], $0x1;
	_ =	sdelay $0x4  }
0x282: {  	(v2sf) =	vpush @!p1 v1, $0x0;
	_ =	sdelay $0xe  }
.Ltmp36:
0x283: {  	s8 =	spop @!p1 (v2sf);
	(pc) =	sbr.rel @p2 .LBB2_44-.Ltmp36, $4  }
0x284: {  	p3 =	seq.s32 @!p1 s4, s8  }
0x285: {  	p3 =	por !p3, p1  }
0x286: {  	s6 =	simm.s32 @p3 $0xFFFFFFFF  }
0x287: {  	s6 =	smov.u32 @p1 s7  }
.LBB2_45:
0x288: {  	p1 =	seq.s32 s6, $0xFFFFFFFF  }
.Ltmp37:
0x289: {  	_ = 	snop;
	(pc) =	sbr.rel @p1 .LBB2_47-.Ltmp37, $1  }
0x28a: {  	_ =	sdelay $0x3  }
0x28b: {  	s0 =	sshll.u32 s3, $0x7  }
0x28c: {  	s4 =	sshll.u32 s6, $0x9;
	s0 =	sand.u32 $0x3FFFFF80, s0  }
0x28d: {  	s4 =	sshra.s32 s4, $0x2;
	v0 =	vld [tilespmem:s0+$0xF238]  }
0x28e: {  	v1 =	vld [tilespmem:s4+$0xF238];
	_ =	sdelay $0x4  }
0x28f: {  	v0 =	vmax.f32 v0, v1  }
0x290: {  	v57 =	vld [tilespmem:s4+$0xF248];
	[tilespmem:s4+$0xF238] =	vst v0  }
0x291: {  	v0 =	vld [tilespmem:s0+$0xF248];
	_ =	sdelay $0x4  }
0x292: {  	v0 =	vmax.f32 v0, v57  }
0x293: {  	v58 =	vld [tilespmem:s4+$0xF258];
	[tilespmem:s4+$0xF248] =	vst v0  }
0x294: {  	v0 =	vld [tilespmem:s0+$0xF258];
	_ =	sdelay $0x4  }
0x295: {  	v0 =	vmax.f32 v0, v58  }
0x296: {  	v59 =	vld [tilespmem:s4+$0xF268];
	[tilespmem:s4+$0xF258] =	vst v0  }
0x297: {  	v0 =	vld [tilespmem:s0+$0xF268];
	_ =	sdelay $0x4  }
0x298: {  	v0 =	vmax.f32 v0, v59  }
0x299: {  	v60 =	vld [tilespmem:s4+$0xF278];
	[tilespmem:s4+$0xF268] =	vst v0  }
0x29a: {  	v0 =	vld [tilespmem:s0+$0xF278];
	_ =	sdelay $0x4  }
0x29b: {  	v0 =	vmax.f32 v0, v60  }
0x29c: {  	v61 =	vld [tilespmem:s4+$0xF288];
	[tilespmem:s4+$0xF278] =	vst v0  }
0x29d: {  	v0 =	vld [tilespmem:s0+$0xF288];
	_ =	sdelay $0x4  }
0x29e: {  	v0 =	vmax.f32 v0, v61  }
0x29f: {  	v62 =	vld [tilespmem:s4+$0xF298];
	[tilespmem:s4+$0xF288] =	vst v0  }
0x2a0: {  	v0 =	vld [tilespmem:s0+$0xF298];
	_ =	sdelay $0x4  }
0x2a1: {  	v0 =	vmax.f32 v0, v62  }
0x2a2: {  	v63 =	vld [tilespmem:s4+$0xF2A8];
	[tilespmem:s4+$0xF298] =	vst v0  }
0x2a3: {  	v0 =	vld [tilespmem:s0+$0xF2A8];
	_ =	sdelay $0x1  }
.Ltmp38:
0x2a4: {  	_ = 	snop;
	(pc) =	sbr.rel .LBB2_48-.Ltmp38, $3  }
0x2a5: {  	_ =	sdelay $0x1  }
0x2a6: {  	v0 =	vmax.f32 v0, v63  }
0x2a7: {  	[tilespmem:s4+$0xF2A8] =	vst v0  }
.LBB2_49:
0x2a8: {  	p1 =	slt.s32 s2, $0x1  }
.Ltmp39:
0x2a9: {  	_ = 	snop;
	(pc) =	sbr.rel @p1 .LBB2_53-.Ltmp39, $3  }
0x2aa: {  	_ =	sdelay $0x1  }
0x2ab: {  	s0 =	simm.s32 $0x8  }
0x2ac: {  	s3 =	simm.s32 $0x0;
	[sflag:s0] =	ssyncpa.u1 $0x1  }
0x2ad: {  	s0 =	simm.s32 $0xF218  }
0x2ae: {  	v0 =	vld.msk [tilespmem:s0+$0x0], $0x1;
	_ =	sdelay $0x4  }
0x2af: {  	(v2sf) =	vpush v0, $0x0;
	_ =	sdelay $0xe  }
0x2b0: {  	s0 =	sadd.s32 $0xFFFFFFFF, s2;
	s5 =	spop (v2sf)  }
0x2b1: {  	p2 =	sne.s32 s0, $0x0;
	p1 =	sgt.u32 s5, $0x44BFF0  }
.Ltmp40:
0x2b2: {  	s6 =	sand.u32 @!p1 $0x7FFFF8, s5;
	(pc) =	sbr.rel @!p2 .LBB2_52-.Ltmp40, $4  }
0x2b3: {  	s4 =	simm.s32 $0xF238;
	s5 =	sand.u32 @!p1 $0x7, s5;
	s2 =	sadd.s32 @!p1 s1, s6  }
0x2b4: {  	[hbm4b:s2+s5] =	stream.linear.scatter @!p1 [tilespmem:s4], [sflag:$0x7], $0x80, $0x38;
	[tilespmem:$0x1F6F8] =	vst v63  }
0x2b5: {  	s5 =	simm.s32 $0x0  }
0x2b6: {  	s2 =	simm.s32 $0xF219;
	s5 =	simm.s32 @!p1 $0x200  }
.LBB2_51:
0x2b7: {  	v0 =	vld.msk [tilespmem:s2+$0x0], $0x1;
	s0 =	sadd.s32 $0xFFFFFFFF, s0;
	s3 =	sadd.s32 s3, s5  }
0x2b8: {  	p1 =	sne.s32 s0, $0x0;
	_ =	sdelay $0x3  }
0x2b9: {  	(v2sf) =	vpush v0, $0x0;
	_ =	sdelay $0xe  }
.Ltmp41:
0x2ba: {  	s6 =	spop (v2sf);
	(pc) =	sbr.rel @p1 .LBB2_51-.Ltmp41, $4  }
0x2bb: {  	s5 =	simm.s32 $0x0;
	p2 =	sgt.u32 s6, $0x44BFF0  }
0x2bc: {  	s4 =	sadd.s32 $0x80, s4;
	s5 =	simm.s32 @!p2 $0x200;
	s7 =	sand.u32 @!p2 $0x7FFFF8, s6  }
0x2bd: {  	s2 =	sadd.s32 $0x1, s2;
	s6 =	sand.u32 @!p2 $0x7, s6;
	s7 =	sadd.s32 @!p2 s1, s7  }
0x2be: {  	[hbm4b:s7+s6] =	stream.linear.scatter @!p2 [tilespmem:s4], [sflag:$0x7], $0x80, $0x38;
	[tilespmem:$0x1F6F8] =	vst v63  }
.LBB2_52:
0x2bf: {  	s0 =	sadd.s32 s3, s5  }
0x2c0: {  	s3 =	sshrl.u32 s0, $0x2  }
.LBB2_53:
0x2c1: {  	s0 =	simm.s32 $0x7  }
0x2c2: {  	_ =	swait.ge [sflag:s0], s3  }
0x2c3: {  	s1 =	ssub.s32 $0x0, s3;
	[sflag:s0] =	ssyncset.done $0x0  }
0x2c4: {  	[sflag:s0] =	ssyncadd.s32 s1  }
0x2c5: {  	[sflag:s0] =	ssyncpa.u1 $0x1  }
.LBB2_54:
0x2c6: {  	_ =	sfence;
	s0 =	simm.s32 $0x1  }
0x2c7: {  	[sflag:s0] =	ssyncpa.u1 $0x1  }
0x2c8: {  	_ =	strace $0x90000050  }
0x2c9: {  	[bflag:$0x2] =	sbarrier.arrive $0xFFFF  }
0x2ca: {  	s0 =	rddreg [dreg:$0x4]  }
0x2cb: {  	s0 =	sadd.s32 @!p0 $0x100000, s0  }
0x2cc: {  	[sflag:s0] =	ssyncadd.tile.s32 @!p0 $0x1;
	_ =	shalt  }
.Lfunc_end2:
_tile_overlayer_lowered:
.L_overlay_start_2:
0x2cd: {  	(tag) =	ssettag $0x2  }
0x2ce: {  	s0 =	rddreg [dreg:$0x0];
	s2 =	stileid.u32  }
0x2cf: {  	s1 =	rddreg [dreg:$0x1];
	p0 =	sne.s32 s2, $0x0  }
0x2d0: {  	s3 =	rddreg [dreg:$0x2];
	[bflag:$0x3] =	sbarrier.arrive $0xFFFF;
	s2 =	simm.s32 @!p0 $0x1C01  }
0x2d1: {  	[timem:s3], [sflag:s2] =	dma.local @!p0 [hbm:s0], s1  }
0x2d2: {  	s0 =	simm.s32 @!p0 $0x1  }
0x2d3: {  	_ =	swait.ge @!p0 [sflag:s0], s1  }
0x2d4: {  	s1 =	ssub.s32 @!p0 $0x0, s1;
	[sflag:s0] =	ssyncset.done @!p0 $0x0  }
0x2d5: {  	[sflag:s0] =	ssyncadd.s32 @!p0 s1  }
0x2d6: {  	[bflag:$0x3] =	sbarrier.arrive $0xFFFF  }
0x2d7: {  	_ =	shalt  }

// kernel: scatter_offload_async_start
scs
__scs_entry_jumppad:
0x0: {  	(pc) =	sbr.rel $0x88, $3  }
0x1: {  	(tag) =	ssettag $0x0;
	lr =	simm.s32 $0x1  }
0x2: {  	[smem:$0x3F9A] =	sst lr;
	_ =	strace $0xD0000000  }
0x3: {  	_ = 	snop  }
0x4: {  	_ = 	snop  }
0x5: {  	_ = 	snop  }
0x6: {  	_ = 	snop  }
0x7: {  	_ = 	snop  }
__scs_overlays_trampoline_lowered:
0x8: {  	[smem:$0x3FA9] =	sst s0  }
0x9: {  	[smem:$0x3FAA] =	sst s1  }
0xa: {  	[smem:$0x3FAB] =	sst s2  }
0xb: {  	[smem:$0x3FAC] =	sst s3  }
0xc: {  	[smem:$0x3FAD] =	sst s4  }
0xd: {  	[smem:$0x3FAE] =	sst s5  }
0xe: {  	[smem:$0x3FAF] =	sst s6  }
0xf: {  	[smem:$0x3FB0] =	sst s7  }
0x10: {  	[smem:$0x3FB1] =	sst s8  }
0x11: {  	[smem:$0x3FB2] =	sst s9;
	s0 =	simm.s32 @!p0 $0x0  }
0x12: {  	s1 =	sld [smem:$0x3F98];
	s0 =	simm.s32 @p0 $0x1  }
0x13: {  	[smem:$0x3FB3] =	sst s0;
	s0 =	simm.s32 @!p1 $0x0  }
0x14: {  	s2 =	sld [smem:$0x3F97];
	s0 =	simm.s32 @p1 $0x1  }
0x15: {  	[smem:$0x3FB4] =	sst s0;
	s0 =	simm.s32 @!p2 $0x0  }
0x16: {  	s3 =	sld [smem:$0x3FDB];
	s0 =	simm.s32 @p2 $0x1  }
0x17: {  	s4 =	simm.s32 $0x1BF5;
	[smem:$0x3FB6] =	sst s0  }
0x18: {  	s0 =	sld [smem:$0x3F99];
	_ =	swait.ge [sflag:s4], $0x0  }
0x19: {  	s7 =	sld [smem:$0x3F9A]  }
0x1a: {  	s8 =	sadd.s32 $0xFFFFE003, lr  }
0x1b: {  	s9 =	sadd.s32 $0xFFFFFEF7, lr;
	s5 =	simm.s32 $0xFFFFFFFF;
	p2 =	slt.u32 s8, $0xFFFFF086  }
0x1c: {  	p1 =	slt.u32 s9, $0xF7A;
	s5 =	simm.s32 @!p2 $0x0  }
0x1d: {  	s5 =	simm.s32 @p1 $0x1;
	p0 =	seq.s32 s7, s2  }
0x1e: {  	s7 =	smul.u32 @!p0 $0xF7A, s2;
	p2 =	seq.s32 @!p0 s5, $0x0  }
0x1f: {  	s9 =	smul.u32 $0xF7A, s1;
	s8 =	simm.s32 @!p0 $0x1BF5;
	p2 =	por !p2, p0  }
0x20: {  	[sflag:s8] =	ssyncset.s32 @!p0 $0xFFFFF086;
	s6 =	sadd.s32 @!p0 s3, s7;
	s7 =	simm.s32 @!p0 $0x108  }
0x21: {  	s3 =	sadd.s32 s3, s9;
	s6 =	sadd.s32 @!p0 $0x88, s6;
	s7 =	simm.s32 @p2 $0x1082  }
0x22: {  	[simem:s7], [sflag:s8] =	dma.local @!p0 [hbm:s6], $0xF7A  }
0x23: {  	s9 =	sor.u32 $0xD0000000, s2;
	s6 =	simm.s32 $0x108;
	_ =	swait.ge @!p0 [sflag:s8], $0x0  }
0x24: {  	s3 =	sadd.s32 $0x88, s3;
	s6 =	simm.s32 @!p1 $0x1082;
	[sflag:s4] =	ssyncset.s32 $0xFFFFF086  }
0x25: {  	[simem:s6], [sflag:s4] =	dma.local [hbm:s3], $0xF7A  }
0x26: {  	[smem:$0x3F9A] =	sst s1;
	(tag) =	ssettag s2;
	_ =	strace s9  }
0x27: {  	s1 =	sld [smem:$0x3FAA]  }
0x28: {  	s2 =	sld [smem:$0x3FAB]  }
0x29: {  	s4 =	sld [smem:$0x3FAD]  }
0x2a: {  	p0 =	seq.s32 s5, $0x0;
	s5 =	sld [smem:$0x3FAE]  }
0x2b: {  	s6 =	sld [smem:$0x3FAF]  }
0x2c: {  	s7 =	sld [smem:$0x3FB0]  }
0x2d: {  	s3 =	simm.s32 $0x108;
	s8 =	sld [smem:$0x3FB1]  }
0x2e: {  	s3 =	simm.s32 @!p0 $0x1082;
	s9 =	sld [smem:$0x3FB2]  }
0x2f: {  	lr =	sadd.s32 s0, s3;
	s0 =	sld [smem:$0x3FA9]  }
0x30: {  	s3 =	sld [smem:$0x3FAC]  }
0x31: {  	[smem:$0x3FB5] =	sst s10  }
0x32: {  	s10 =	sld [smem:$0x3FB3];
	_ =	sdelay $0x3  }
0x33: {  	p0 =	seq.s32 s10, $0x1;
	s10 =	sld [smem:$0x3FB5];
	_ =	sdelay $0x3  }
0x34: {  	[smem:$0x3FB5] =	sst s10  }
0x35: {  	s10 =	sld [smem:$0x3FB4];
	_ =	sdelay $0x3  }
0x36: {  	p1 =	seq.s32 s10, $0x1;
	s10 =	sld [smem:$0x3FB5];
	_ =	sdelay $0x3  }
0x37: {  	[smem:$0x3FB5] =	sst s10  }
0x38: {  	s10 =	sld [smem:$0x3FB6]  }
0x39: {  	_ = 	snop;
	(pc) =	sbr.ind lr, $3  }
0x3a: {  	_ = 	snop  }
0x3b: {  	_ = 	snop  }
0x3c: {  	p2 =	seq.s32 s10, $0x1;
	s10 =	sld [smem:$0x3FB5]  }
0x3d: {  	_ =	shalt  }
0x3e: {  	_ =	shalt  }
0x3f: {  	_ =	shalt  }
0x40: {  	_ =	shalt  }
0x41: {  	_ =	shalt  }
0x42: {  	_ =	shalt  }
0x43: {  	_ =	shalt  }
0x44: {  	_ =	shalt  }
0x45: {  	_ =	shalt  }
0x46: {  	_ =	shalt  }
0x47: {  	_ =	shalt  }
0x48: {  	_ =	shalt  }
0x49: {  	_ =	shalt  }
0x4a: {  	_ =	shalt  }
0x4b: {  	_ =	shalt  }
0x4c: {  	_ =	shalt  }
0x4d: {  	_ =	shalt  }
0x4e: {  	_ =	shalt  }
0x4f: {  	_ =	shalt  }
0x50: {  	_ =	shalt  }
0x51: {  	_ =	shalt  }
0x52: {  	_ =	shalt  }
0x53: {  	_ =	shalt  }
0x54: {  	_ =	shalt  }
0x55: {  	_ =	shalt  }
0x56: {  	_ =	shalt  }
0x57: {  	_ =	shalt  }
0x58: {  	_ =	shalt  }
0x59: {  	_ =	shalt  }
0x5a: {  	_ =	shalt  }
0x5b: {  	_ =	shalt  }
0x5c: {  	_ =	shalt  }
0x5d: {  	_ =	shalt  }
0x5e: {  	_ =	shalt  }
0x5f: {  	_ =	shalt  }
0x60: {  	_ =	shalt  }
0x61: {  	_ =	shalt  }
0x62: {  	_ =	shalt  }
0x63: {  	_ =	shalt  }
0x64: {  	_ =	shalt  }
0x65: {  	_ =	shalt  }
0x66: {  	_ =	shalt  }
0x67: {  	_ =	shalt  }
0x68: {  	_ =	shalt  }
0x69: {  	_ =	shalt  }
0x6a: {  	_ =	shalt  }
0x6b: {  	_ =	shalt  }
0x6c: {  	_ =	shalt  }
0x6d: {  	_ =	shalt  }
0x6e: {  	_ =	shalt  }
0x6f: {  	_ =	shalt  }
0x70: {  	_ =	shalt  }
0x71: {  	_ =	shalt  }
0x72: {  	_ =	shalt  }
0x73: {  	_ =	shalt  }
0x74: {  	_ =	shalt  }
0x75: {  	_ =	shalt  }
0x76: {  	_ =	shalt  }
0x77: {  	_ =	shalt  }
0x78: {  	_ =	shalt  }
0x79: {  	_ =	shalt  }
0x7a: {  	_ =	shalt  }
0x7b: {  	_ =	shalt  }
0x7c: {  	_ =	shalt  }
0x7d: {  	_ =	shalt  }
0x7e: {  	_ =	shalt  }
0x7f: {  	_ =	shalt  }
0x80: {  	_ =	shalt  }
0x81: {  	_ =	shalt  }
0x82: {  	_ =	shalt  }
0x83: {  	_ =	shalt  }
0x84: {  	_ =	shalt  }
0x85: {  	_ =	shalt  }
0x86: {  	_ =	shalt  }
0x87: {  	_ =	shalt  }
.Lfunc_end0:
.L_simem_size_0:
called_computation_lowered:
.L_overlay_start_0:
0x88: {  	s2 =	sld [smem:$0x3FD9]  }
0x89: {  	s3 =	sld [smem:$0x3FFE];
	_ =	sdelay $0x1  }
0x8a: {  	s1 =	srdreg.scid  }
0x8b: {  	s0 =	sand.u32 $0x1, s1  }
0x8c: {  	s16 =	sshll.u32 s0, $0xA;
	s2 =	sadd.s32 s3, s2  }
0x8d: {  	s2 =	sadd.s32 s2, s16  }
0x8e: {  	[smem:$0x3FC1] =	sst s2  }
0x8f: {  	_ = 	snop  }
0x90: {  	s2 =	sld [smem:$0x3FD0];
	(tm) =	ssettm $0x1  }
0x91: {  	s17 =	sld [smem:$0x3FFB];
	_ =	sdelay $0x3  }
0x92: {  	_ =	strace s17  }
0x93: {  	s3 =	sld [smem:$0x3FFC];
	_ =	sdelay $0x3  }
0x94: {  	_ =	strace s3  }
0x95: {  	s3 =	sld [smem:$0x3FFD];
	_ =	sdelay $0x3  }
0x96: {  	_ =	strace s3  }
0x97: {  	_ =	strace $0x8FFFFFFF  }
0x98: {  	s18 =	sld [smem:$0x3FDB];
	_ =	sdelay $0x1  }
0x99: {  	s4 =	simm.s32 $_scs_section_size  }
0x9a: {  	s5 =	simm.s32 $_size__tile_overlayer_lowered;
	s6 =	simm.s32 $_tile_overlayer_lowered  }
0x9b: {  	s21 =	simm.s32 $0x1BFF;
	s20 =	sshll.u32 s6, $0x1;
	s3 =	sadd.s32 s4, s18  }
0x9c: {  	s7 =	simm.s32 $0x0;
	s19 =	sshll.u32 s5, $0x1;
	s5 =	sadd.s32 s20, s3  }
0x9d: {  	[timem:s7], [sflag:s21] =	dma.local [hbm:s5], s19  }
0x9e: {  	_ =	swait.ge [sflag:s21], s19  }
0x9f: {  	s4 =	ssub.s32 $0x0, s19;
	[sflag:s21] =	ssyncset.done $0x0  }
0xa0: {  	[sflag:s21] =	ssyncadd.s32 s4;
	_ =	sdelay $0x1  }
0xa1: {  	s22 =	simm.s32 $0x1B8B  }
0xa2: {  	_ =	swait.ge [sflag:s22], $0x1  }
0xa3: {  	[sflag:s22] =	ssyncset.done $0x0  }
0xa4: {  	s23 =	sld [smem:$0x3FFE];
	[sflag:s22] =	ssyncadd.s32 $0xFFFFFFFF  }
0xa5: {  	s25 =	simm.s32 $0x1B8E;
	s24 =	sld [smem:$0x0]  }
0xa6: {  	s26 =	simm.s32 $execute0_lowered;
	[smem:$0x3FD2] =	sst s25  }
0xa7: {  	s6 =	sshll.u32 s26, $0x1;
	_ =	strace $0x80000049;
	[dreg:$0x1] =	wrdreg $0xFFFFFFFF  }
0xa8: {  	s28 =	simm.s32 $_size_execute0_lowered;
	s3 =	sadd.s32 s3, s6;
	[dreg:$0x0] =	wrdreg $0x0  }
0xa9: {  	s6 =	sshll.u32 s28, $0x1;
	[dreg:$0x2] =	wrdreg s3  }
0xaa: {  	[dreg:$0x3] =	wrdreg s6  }
0xab: {  	[dreg:$0x4] =	wrdreg $0xC0  }
0xac: {  	_ =	task [dreg:s7], $0x5FFFF  }
0xad: {  	[dreg:$0x1] =	wrdreg $0xFFFFFFFF  }
0xae: {  	[dreg:$0x0] =	wrdreg $0x60  }
0xaf: {  	[dreg:$0x2] =	wrdreg s2  }
0xb0: {  	[dreg:$0x3] =	wrdreg s23  }
0xb1: {  	[dreg:$0x4] =	wrdreg s1  }
0xb2: {  	[dreg:$0x5] =	wrdreg s24  }
0xb3: {  	[dreg:$0x6] =	wrdreg $0x9  }
0xb4: {  	_ =	task.clear_ibuf [dreg:s7], $0x7FFFF;
	_ =	strace $0x90000049  }
0xb5: {  	s29 =	simm.s32 $0x9;
	_ =	strace $0x8000004B  }
0xb6: {  	_ =	swait.ge [sflag:s29], $0x1  }
0xb7: {  	[sflag:s29] =	ssyncadd.s32 $0xFFFFFFFF  }
0xb8: {  	_ =	strace $0x9000004B  }
0xb9: {  	_ =	sfence  }
0xba: {  	s30 =	sld [smem:$0x0];
	_ =	sdelay $0x2  }
0xbb: {  	s31 =	sshll.u32 s1, $0xD;
	s1 =	sshrl.u32 s1, $0x2  }
0xbc: {  	s3 =	sand.u32 $0x4000, s31;
	s1 =	sadd.s32 s1, s30  }
0xbd: {  	s0 =	sor.u32 s3, s0;
	s1 =	sshll.u32 s1, $0x11  }
0xbe: {  	s0 =	sor.u32 s1, s0  }
0xbf: {  	s0 =	sadd.s32 $0x8F2B, s0  }
0xc0: {  	[sflag:s0] =	ssyncadd.remote.s32 $0x1  }
0xc1: {  	_ =	sfence.sel $0xFFFF  }
0xc2: {  	[dreg:$0x0] =	wrdreg $0xFFFFFFFF;
	(pc) =	sbr.abs _section_cstart, $3  }
0xc3: {  	[dreg:$0x1] =	wrdreg $0xFFFFFFFF  }
0xc4: {  	_ =	task.clear_ibuf [dreg:s7], $0x2FFFF;
	_ =	strace $0x9FFFFFFF  }
0xc5: {  	(tm) =	ssettm $0x7FFFFFFF  }
tec
execute0_lowered:
.L_overlay_start_1:
0x0: {  	(tag) =	ssettag $0x1  }
0x1: {  	s1 =	rddreg [dreg:$0x0]  }
0x2: {  	s2 =	rddreg [dreg:$0x1]  }
0x3: {  	s3 =	rddreg [dreg:$0x2];
	_ =	strace $0x8000004A;
	s0 =	simm.s32 $0x1  }
0x4: {  	s4 =	simm.s32 $0x88;
	v0 =	vimm.s32 $0x0;
	[sflag:s0] =	ssyncpa.u1 $0x0  }
0x5: {  	s0 =	sadd.s32 $0x59200, s2;
	[tilespmem:s4+$0x30] =	vst v0  }
0x6: {  	s6 =	sadd.s32 $0x69200, s2;
	s3 =	sand.u32 $0x1, s3;
	s14 =	sadd.s32 $0x61200, s2;
	[tilespmem:s4+$0x20] =	vst v0  }
0x7: {  	s2 =	simm.s32 $0x40;
	[dreg:$0x5] =	wrdreg s3;
	s15 =	sshll.u32 s3, $0xE;
	[tilespmem:s4+$0x10] =	vst v0  }
.LBB2_1:
0x8: {  	s2 =	sadd.s32 $0x40, s2  }
0x9: {  	[tilespmem:s4+$0x0] =	vst v0;
	s4 =	sadd.s32 $0x40, s4;
	p0 =	slt.u32 s2, $0x5040  }
.Ltmp0:
0xa: {  	(pc) =	sbr.rel @p0 .LBB2_1-.Ltmp0, $4  }
0xb: {  	_ = 	snop  }
0xc: {  	[tilespmem:s4+$0x30] =	vst v0  }
0xd: {  	[tilespmem:s4+$0x20] =	vst v0  }
0xe: {  	[tilespmem:s4+$0x10] =	vst v0  }
0xf: {  	s9 =	stileid.u32  }
0x10: {  	s2 =	smul.u32 $0x19, s9  }
0x11: {  	s3 =	smin.u32 s9, $0xA  }
0x12: {  	s2 =	sadd.s32 s3, s2  }
0x13: {  	p0 =	slt.u32 s9, $0xA;
	s7 =	smul.u32 $0x140, s2;
	s2 =	simm.s32 $0x2080  }
0x14: {  	s2 =	simm.s32 @!p0 $0x1F40  }
0x15: {  	s2 =	sadd.s32 s2, s7  }
0x16: {  	s8 =	smin.u32 s2, $0x20000  }
0x17: {  	s2 =	ssub.s32 s8, s7  }
0x18: {  	p0 =	sgt.s32 s2, $0x0  }
0x19: {  	s28 =	simm.s32 $0x2;
	s30 =	simm.s32 $0x9;
	s2 =	simm.s32 @!p0 $0x0  }
0x1a: {  	s31 =	simm.s32 $0xA;
	s11 =	simm.s32 $0xB;
	s29 =	smulhi.u32 $0x66666667, s2  }
0x1b: {  	s12 =	simm.s32 $0x1;
	s14 =	sadd.s32 s15, s14;
	s15 =	sadd.s32 s15, s0  }
0x1c: {  	s18 =	simm.s32 $0x0;
	p1 =	por $0x0, $0x0;
	s3 =	sshrl.u32 s29, $0x7  }
0x1d: {  	s19 =	simm.s32 $0xC;
	s23 =	simm.s32 $0x0;
	s5 =	smul.u32 $0x140, s3  }
.Ltmp1:
0x1e: {  	[tilespmem:s4+$0x0] =	vst v0;
	v0 =	vimm.s32 $0xFFFFFFFF;
	s20 =	simm.s32 $0x0;
	[sflag:s28] =	ssyncpa.u1 $0x0;
	(pc) =	sbr.rel .LBB2_3-.Ltmp1, $4  }
0x1f: {  	[tilespmem:$0xA108] =	vst v0;
	[sflag:s30] =	ssyncpa.u1 $0x0;
	p0 =	sne.s32 s2, s5;
	s2 =	simm.s32 $0x1  }
0x20: {  	s22 =	simm.s32 $0x0;
	[sflag:s31] =	ssyncpa.u1 $0x0;
	s2 =	simm.s32 @!p0 $0x0  }
0x21: {  	s16 =	sshll.u32 s9, $0x7;
	[sflag:s11] =	ssyncpa.u1 $0x0;
	s13 =	sadd.s32 s2, s3  }
0x22: {  	v0 =	vlaneseq.u32;
	s21 =	smov.u32 s7;
	p0 =	por $0x1, $0x1;
	s17 =	sadd.s32 $0x1, s13  }
.LBB2_24:
0x23: {  	s0 =	sshrl.u32 s0, $0x2  }
.LBB2_26:
0x24: {  	_ =	swait.ge [sflag:s19], s0  }
0x25: {  	s30 =	ssub.s32 $0x0, s0;
	v1 =	vmov s25;
	vm0 =	veq.s32 v0, $0x0;
	[sflag:s19] =	ssyncset.done $0x0  }
0x26: {  	vm15 =	veq.s32 v0, $0x2;
	v1 =	vsel vm0, s31, v1;
	[sflag:s19] =	ssyncadd.s32 s30  }
0x27: {  	v1 =	vsel vm15, s23, v1;
	[sflag:s19] =	ssyncpa.u1 $0x1  }
0x28: {  	[tilespmem:$0xA108] =	vst v1  }
.LBB2_27:
0x29: {  	s0 =	sadd.s32 $0x140, s21  }
0x2a: {  	s2 =	smov.u32 s7;
	p2 =	slt.s32 s0, s8  }
0x2b: {  	s2 =	smov.u32 @p2 s0;
	p2 =	sne.s32 s22, s17  }
.Ltmp2:
0x2c: {  	_ = 	snop;
	(pc) =	sbr.rel @!p2 .LBB2_28-.Ltmp2, $4  }
0x2d: {  	_ = 	snop  }
0x2e: {  	s23 =	smov.u32 s20  }
0x2f: {  	s31 =	sadd.s32 $0x1, s22;
	s20 =	smov.u32 s21;
	p0 =	por !p0, !p0  }
0x30: {  	p1 =	por !p1, !p1;
	s22 =	smov.u32 s31;
	s21 =	smov.u32 s2  }
.LBB2_3:
0x31: {  	p2 =	sge.u32 s22, s13  }
0x32: {  	s0 =	smulhi.u32 @!p2 $0xAAAAAAAB, s22  }
0x33: {  	s2 =	smov.u32 s21;
	p3 =	sgt.s32 @!p2 s21, $0x1FEC0  }
0x34: {  	s3 =	sshra.s32 @!p2 s21, $0x1F;
	p3 =	por !p3, p2;
	s0 =	sshrl.u32 @!p2 s0, $0x1  }
0x35: {  	s3 =	sand.u32 @!p2 s3, s21;
	s2 =	simm.s32 @p3 $0x1FEC0;
	s0 =	smul.u32 @!p2 $0x3, s0  }
0x36: {  	s2 =	ssub.s32 @!p2 s2, s3  }
0x37: {  	s2 =	sadd.s32 @!p2 $0xFFFE0140, s2;
	s0 =	ssub.s32 @!p2 s22, s0  }
0x38: {  	s3 =	sshll.u32 @!p2 s2, $0x2;
	p3 =	sgt.s32 @!p2 s2, $0x13F;
	s0 =	smul.u32 @!p2 $0x500, s0  }
0x39: {  	s4 =	sand.u32 @!p2 $0x7, s21;
	s2 =	ssub.s32 @!p2 $0x500, s3;
	p3 =	por !p3, p2  }
0x3a: {  	s3 =	sshrl.u32 @!p2 s21, $0x3;
	s2 =	sshrl.u32 @!p2 s2, $0x2;
	s0 =	sshrl.u32 @!p2 s0, $0x2  }
0x3b: {  	s3 =	sadd.s32 @!p2 s3, s14;
	s2 =	simm.s32 @!p3 $0x0;
	s0 =	sadd.s32 @!p2 $0xA948, s0  }
0x3c: {  	[tilespmem:s0], [sflag:$0xA] =	stream.linear.gather @!p2 [hbm4b:s3+s4], s2, $0x38;
	[tilespmem:$0x1EF88] =	vst v63  }
0x3d: {  	s4 =	sadd.s32 $0xFFFFFFFF, s22  }
0x3e: {  	p2 =	sge.u32 s4, s13  }
0x3f: {  	p3 =	sgt.s32 @!p2 s20, $0x1FEC0  }
0x40: {  	s0 =	smov.u32 s20;
	s2 =	sshra.s32 @!p2 s20, $0x1F;
	p3 =	por !p3, p2  }
0x41: {  	s2 =	sand.u32 @!p2 s2, s20;
	s0 =	simm.s32 @p3 $0x1FEC0  }
0x42: {  	s0 =	ssub.s32 @!p2 s0, s2  }
0x43: {  	s0 =	sadd.s32 @!p2 $0xFFFE0140, s0  }
0x44: {  	s2 =	sshll.u32 @!p2 s0, $0x2  }
0x45: {  	p3 =	sgt.s32 @!p2 s0, $0x13F;
	s0 =	ssub.s32 @!p2 $0x500, s2  }
0x46: {  	p3 =	por !p3, p2;
	s0 =	sshrl.u32 @!p2 s0, $0x2  }
0x47: {  	s3 =	simm.s32 @!p2 $0xA;
	s2 =	sand.u32 @!p2 $0x1, s4;
	s0 =	simm.s32 @!p3 $0x0  }
0x48: {  	s2 =	smul.u32 @!p2 $0x500, s2;
	_ =	swait.ge @!p2 [sflag:s3], s0  }
0x49: {  	s5 =	ssub.s32 @!p2 $0x0, s0;
	[sflag:s3] =	ssyncset.done @!p2 $0x0  }
0x4a: {  	s2 =	sshrl.u32 @!p2 s2, $0x2;
	[sflag:s3] =	ssyncadd.s32 @!p2 s5;
	s3 =	sshrl.u32 @!p2 s20, $0x3  }
0x4b: {  	s2 =	sadd.s32 @!p2 $0xAD08, s2;
	s5 =	sand.u32 @!p2 $0x7, s20;
	s3 =	sadd.s32 @!p2 s3, s15  }
0x4c: {  	[tilespmem:s2], [sflag:$0xB] =	stream.linear.gather @!p2 [hbm4b:s3+s5], s0, $0x38;
	[tilespmem:$0x1EF88] =	vst v63  }
0x4d: {  	s0 =	ssub.s32 @!p2 $0x20000, s20  }
0x4e: {  	p3 =	slt.s32 @!p2 s0, $0x1  }
0x4f: {  	p3 =	por p2, p3  }
.Ltmp3:
0x50: {  	_ = 	snop;
	(pc) =	sbr.rel @p3 .LBB2_9-.Ltmp3, $1  }
0x51: {  	_ =	sdelay $0x3  }
0x52: {  	s2 =	smulhi.u32 $0xAAAAAAAB, s4;
	_ =	sdelay $0x1  }
0x53: {  	s2 =	sshrl.u32 s2, $0x1  }
0x54: {  	s2 =	smul.u32 $0x3, s2;
	_ =	sdelay $0x1  }
0x55: {  	s2 =	ssub.s32 s4, s2  }
0x56: {  	s3 =	simm.s32 $0x1;
	s2 =	smul.u32 $0x500, s2  }
.Ltmp4:
0x57: {  	s3 =	simm.s32 @!p0 $0x0;
	(pc) =	sbr.rel .LBB2_6-.Ltmp4, $4  }
0x58: {  	s3 =	smul.u32 $0x28000, s3  }
0x59: {  	p3 =	slt.s32 @!p2 s0, $0x140;
	s2 =	sshrl.u32 s2, $0x2  }
0x5a: {  	p2 =	por !p3, p2;
	s3 =	sshrl.u32 s3, $0x2;
	s2 =	sadd.s32 $0xA948, s2  }
0x5b: {  	s24 =	simm.s32 $0x0;
	s0 =	simm.s32 @p2 $0x140;
	s4 =	sadd.s32 $0xAF88, s3;
	v1 =	vmov s2  }
.LBB2_5:
0x5c: {  	p2 =	sge.s32 s24, s0  }
.Ltmp5:
0x5d: {  	_ = 	snop;
	(pc) =	sbr.rel @p2 .LBB2_9-.Ltmp5, $2  }
0x5e: {  	_ =	sdelay $0x2  }
0x5f: {  	s4 =	sadd.s32 $0x800, s4  }
.LBB2_6:
0x60: {  	p2 =	sle.s32 s0, s24  }
.Ltmp6:
0x61: {  	_ = 	snop;
	(pc) =	sbr.rel @p2 .LBB2_5-.Ltmp6, $2  }
0x62: {  	_ =	sdelay $0x2  }
0x63: {  	s5 =	smov.u32 s24;
	s24 =	sadd.s32 $0x10, s24  }
0x64: {  	s2 =	ssub.s32 s0, s5  }
0x65: {  	p2 =	slt.s32 s2, $0x10  }
0x66: {  	s2 =	simm.s32 @!p2 $0x10  }
0x67: {  	v2 =	vmov s2  }
0x68: {  	vm0 =	vgt.s32 v2, v0;
	_ =	sdelay $0x5  }
0x69: {  	v2 =	vld.idx.msk [tilespmem:v1+s5+$0x0 ss:$0x1], vm0;
	_ =	sdelay $0x2  }
0x6a: {  	p2 =	slt.s32 s24, s0;
	s2 =	smov.u32 s0  }
0x6b: {  	s3 =	smov.u32 s4;
	s25 =	simm.s32 $0x0;
	s2 =	smov.u32 @p2 s24  }
.LBB2_8:
0x6c: {  	(v2sf) =	vpush v2, s25;
	_ =	sdelay $0xc  }
0x6d: {  	s25 =	sadd.s32 $0x1, s25  }
0x6e: {  	s31 =	sadd.s32 s25, s5  }
0x6f: {  	p2 =	slt.s32 s31, s2;
	s9 =	spop (v2sf)  }
.Ltmp7:
0x70: {  	s9 =	sshll.u32 s9, $0x4;
	(pc) =	sbr.rel @p2 .LBB2_8-.Ltmp7, $4  }
0x71: {  	s9 =	sand.u32 $0x1FFFFFF0, s9  }
0x72: {  	s9 =	sadd.s32 s6, s9  }
0x73: {  	[tilespmem:s3], [sflag:$0x9] =	stream.linear.gather [hbm4b:s9+s18], $0x40, $0x38;
	[tilespmem:$0x1EF88] =	vst v63  }
0x74: {  	s3 =	sadd.s32 $0x80, s3  }
.Ltmp8:
0x75: {  	_ = 	snop;
	(pc) =	sbr.rel .LBB2_5-.Ltmp8, $1  }
0x76: {  	_ =	sdelay $0x3  }
.LBB2_9:
0x77: {  	p2 =	slt.u32 s22, $0x2  }
.Ltmp9:
0x78: {  	_ = 	snop;
	(pc) =	sbr.rel @p2 .LBB2_27-.Ltmp9, $1  }
0x79: {  	_ =	sdelay $0x3  }
0x7a: {  	p2 =	sgt.s32 s23, $0x1FEC0  }
0x7b: {  	s0 =	smov.u32 s23;
	s2 =	sshra.s32 s23, $0x1F;
	s3 =	ssub.s32 $0x20000, s23  }
0x7c: {  	s0 =	simm.s32 @!p2 $0x1FEC0;
	s2 =	sand.u32 s2, s23;
	p2 =	slt.s32 s3, $0x140  }
0x7d: {  	s0 =	ssub.s32 s0, s2;
	s3 =	simm.s32 @!p2 $0x140  }
0x7e: {  	s0 =	sadd.s32 $0xFFFE0140, s0;
	s10 =	sshll.u32 s3, $0x6  }
0x7f: {  	s26 =	simm.s32 $0x9;
	s24 =	sshll.u32 s0, $0x2;
	s2 =	sand.u32 $0x3FFFFFC0, s10  }
0x80: {  	p2 =	sgt.s32 s0, $0x13F;
	s25 =	ssub.s32 $0x500, s24;
	_ =	swait.ge [sflag:s26], s2  }
0x81: {  	s2 =	ssub.s32 $0x0, s2;
	[sflag:s26] =	ssyncset.done $0x0;
	s0 =	sshrl.u32 s25, $0x2  }
0x82: {  	[sflag:s26] =	ssyncadd.s32 s2;
	s0 =	simm.s32 @p2 $0x0  }
0x83: {  	_ =	swait.ge [sflag:s11], s0  }
0x84: {  	s0 =	ssub.s32 $0x0, s0;
	[sflag:s11] =	ssyncset.done $0x0  }
0x85: {  	[sflag:s11] =	ssyncadd.s32 s0  }
0x86: {  	v1 =	vld [tilespmem:$0xA108];
	_ =	sdelay $0x4  }
0x87: {  	(v2sf) =	vpush v1, $0x0  }
0x88: {  	(v2sf) =	vpush v1, $0x1  }
0x89: {  	(v2sf) =	vpush v1, $0x2;
	_ =	sdelay $0x3  }
0x8a: {  	s0 =	sadd.s32 $0x140, s23  }
0x8b: {  	s2 =	ssub.s32 $0x40000, s23;
	p2 =	slt.s32 s8, s0  }
0x8c: {  	s0 =	smov.u32 @p2 s8;
	p2 =	sgt.s32 s2, $0x0  }
0x8d: {  	s0 =	ssub.s32 s0, s23;
	s2 =	simm.s32 @!p2 $0x0  }
0x8e: {  	p2 =	slt.s32 s2, s0  }
0x8f: {  	s0 =	smov.u32 @p2 s2  }
0x90: {  	s26 =	simm.s32 $0x1;
	p2 =	slt.s32 s0, $0x1  }
.Ltmp10:
0x91: {  	s26 =	simm.s32 @!p1 $0x0;
	(pc) =	sbr.rel @p2 .LBB2_14-.Ltmp10, $4  }
0x92: {  	s30 =	smul.u32 $0x500, s26  }
0x93: {  	s28 =	spop (v2sf)  }
0x94: {  	s31 =	sshrl.u32 s30, $0x2;
	s29 =	spop (v2sf)  }
0x95: {  	s24 =	sadd.s32 $0xAD08, s31;
	s23 =	spop (v2sf)  }
0x96: {  	s2 =	smin.u32 s0, $0x10  }
0x97: {  	v1 =	vmov s2  }
0x98: {  	p3 =	sgt.s32 s0, $0x10;
	vm1 =	vgt.u32 v1, v0  }
.Ltmp11:
0x99: {  	_ = 	snop;
	(pc) =	sbr.rel @!p3 .LBB2_13-.Ltmp11, $2  }
0x9a: {  	_ =	sdelay $0x2  }
0x9b: {  	s5 =	simm.s32 $0x10;
	s25 =	sadd.s32 $0xFFFFFFF0, s0;
	s4 =	smov.u32 s24;
	vm0 =	vmmov vm1  }
.LBB2_12:
0x9c: {  	s2 =	smin.u32 s25, $0x10;
	s5 =	sadd.s32 $0x10, s5;
	v1 =	vld.msk [tilespmem:s4+$0x0 ss:$0x1], vm1  }
0x9d: {  	v2 =	vmov s2;
	p3 =	slt.s32 s5, s0  }
0x9e: {  	vm1 =	vgt.u32 v2, v0  }
.Ltmp12:
0x9f: {  	(pc) =	sbr.rel @p3 .LBB2_12-.Ltmp12, $3  }
0xa0: {  	_ =	sdelay $0x1  }
0xa1: {  	v1 =	vshll.u32 v1, $0x4  }
0xa2: {  	s25 =	sadd.s32 $0xFFFFFFF0, s25;
	[tilespmem:s4+$0x0] =	vst.msk vm0, v1;
	s4 =	sadd.s32 $0x10, s4;
	vm0 =	vmmov vm1  }
.LBB2_13:
0xa3: {  	_ =	sdelay $0x4  }
0xa4: {  	v1 =	vld.msk [tilespmem:s4+$0x0 ss:$0x1], vm1;
	_ =	sdelay $0x4  }
0xa5: {  	v1 =	vshll.u32 v1, $0x4  }
0xa6: {  	[tilespmem:s4+$0x0] =	vst.msk vm0, v1  }
.LBB2_14:
0xa7: {  	s2 =	sand.u32 $0x1, s22  }
0xa8: {  	s3 =	smul.u32 $0xA000, s2  }
0xa9: {  	p3 =	sne.s32 s29, $0xFFFFFFFF;
	s2 =	smul.u32 $0x140, s2  }
0xaa: {  	v1 =	vld @!p3 [tilespmem:s3+$0xAF88]  }
0xab: {  	v2 =	vld.msk @!p3 [tilespmem:s2+$0xAD08], $0x1;
	_ =	sdelay $0x3  }
0xac: {  	[tilespmem:$0x88] =	vst @!p3 v1  }
0xad: {  	(v2sf) =	vpush @!p3 v2, $0x0;
	v1 =	vld @!p3 [tilespmem:s3+$0xAF98];
	_ =	sdelay $0x4  }
0xae: {  	[tilespmem:$0x98] =	vst @!p3 v1  }
0xaf: {  	v1 =	vld @!p3 [tilespmem:s3+$0xAFA8];
	_ =	sdelay $0x4  }
0xb0: {  	[tilespmem:$0xA8] =	vst @!p3 v1  }
0xb1: {  	v1 =	vld @!p3 [tilespmem:s3+$0xAFB8]  }
.Ltmp13:
0xb2: {  	_ = 	snop;
	(pc) =	sbr.rel @p2 .LBB2_25-.Ltmp13, $4  }
0xb3: {  	_ = 	snop  }
0xb4: {  	s30 =	spop @!p3 (v2sf)  }
0xb5: {  	s23 =	simm.s32 @!p3 $0x0;
	s25 =	smov.u32 s30  }
0xb6: {  	s30 =	smov.u32 @p3 s28;
	s25 =	smov.u32 @p3 s29;
	[tilespmem:$0xB8] =	vst @!p3 v1;
	[sflag:s19] =	ssyncpa.u1 $0x0  }
0xb7: {  	v1 =	vld.msk [tilespmem:s24+$0x0], $0x1;
	_ =	sdelay $0x4  }
0xb8: {  	(v2sf) =	vpush v1, $0x0;
	_ =	sdelay $0xe  }
0xb9: {  	s2 =	smul.u32 $0x28000, s26;
	s4 =	spop (v2sf)  }
0xba: {  	s28 =	ssub.s32 $0x0, s0;
	p2 =	seq.s32 s30, s4  }
0xbb: {  	s0 =	sadd.s32 $0x1, s28;
	s2 =	sshrl.u32 s2, $0x2;
	p3 =	sgt.s32 @!p2 s30, $0x0  }
0xbc: {  	s26 =	sadd.s32 $0xAFA8, s2;
	s2 =	smov.u32 s30;
	p3 =	por !p3, p2  }
0xbd: {  	s2 =	simm.s32 @p3 $0x0;
	p3 =	seq.s32 s0, $0x0  }
.Ltmp14:
0xbe: {  	_ = 	snop;
	(pc) =	sbr.rel @p3 .LBB2_17-.Ltmp14, $4  }
0xbf: {  	_ = 	snop  }
0xc0: {  	s29 =	simm.s32 $0x0;
	s5 =	simm.s32 @!p2 $0x1;
	s3 =	smin.u32 @!p2 s2, $0x44BFF8  }
0xc1: {  	s31 =	sadd.s32 $0x1, s24;
	s5 =	smov.u32 @p2 s29;
	s9 =	sand.u32 @!p2 $0x7FFFF8, s3  }
0xc2: {  	s2 =	simm.s32 @!p2 $0x50C8;
	s3 =	sand.u32 @!p2 $0x7, s3;
	s9 =	sadd.s32 @!p2 s1, s9  }
.LBB2_16:
0xc3: {  	s10 =	smov.u32 s5  }
0xc4: {  	[tilespmem:s2], [sflag:$0x2] =	stream.linear.gather @!p2 [hbm4b:s9+s3], $0x40, $0x38;
	[tilespmem:$0x1EF88] =	vst v63  }
0xc5: {  	s0 =	sadd.s32 $0x1, s0;
	s3 =	smov.u32 s4;
	v1 =	vld.msk [tilespmem:s31+$0x0], $0x1  }
0xc6: {  	p3 =	seq.s32 s0, $0x0;
	_ =	sdelay $0x3  }
0xc7: {  	(v2sf) =	vpush v1, $0x0;
	_ =	sdelay $0xe  }
0xc8: {  	s4 =	spop (v2sf)  }
0xc9: {  	p2 =	seq.s32 s3, s4  }
0xca: {  	p4 =	sgt.s32 @!p2 s3, $0x0;
	s2 =	sshll.u32 @!p2 s5, $0x8;
	s5 =	sadd.s32 @!p2 $0x1, s5  }
.Ltmp15:
0xcb: {  	p4 =	por !p4, p2;
	s2 =	sshra.s32 @!p2 s2, $0x2;
	(pc) =	sbr.rel @!p3 .LBB2_16-.Ltmp15, $4  }
0xcc: {  	s5 =	smov.u32 @p2 s10;
	s3 =	simm.s32 @p4 $0x0;
	s2 =	sadd.s32 @!p2 $0x50C8, s2  }
0xcd: {  	s3 =	smin.u32 @!p2 s3, $0x44BFF8  }
0xce: {  	s9 =	sand.u32 @!p2 $0x7FFFF8, s3;
	s3 =	sand.u32 @!p2 $0x7, s3  }
0xcf: {  	s31 =	sadd.s32 $0x1, s31;
	s9 =	sadd.s32 @!p2 s1, s9  }
.LBB2_17:
0xd0: {  	[tilespmem:s2], [sflag:$0x2] =	stream.linear.gather @!p2 [hbm4b:s9+s3], $0x40, $0x38;
	[tilespmem:$0x1EF88] =	vst v63  }
.Ltmp16:
0xd1: {  	s0 =	sshll.u32 s5, $0x6;
	(pc) =	sbr.rel .LBB2_18-.Ltmp16, $4  }
0xd2: {  	s31 =	simm.s32 $0x2;
	s0 =	sand.u32 $0x3FFFFFC0, s0  }
0xd3: {  	_ =	swait.ge [sflag:s31], s0  }
0xd4: {  	s0 =	ssub.s32 $0x0, s0;
	[sflag:s31] =	ssyncset.done $0x0  }
0xd5: {  	[sflag:s31] =	ssyncadd.s32 s0;
	s0 =	simm.s32 $0x0  }
.LBB2_19:
0xd6: {  	v1 =	vld [tilespmem:s26+$0xFFFFFFE0]  }
0xd7: {  	v2 =	vld [tilespmem:s4+$0x88];
	_ =	sdelay $0x4  }
0xd8: {  	v1 =	vmax.f32 v1, v2  }
0xd9: {  	v2 =	vld [tilespmem:s4+$0x98];
	[tilespmem:s4+$0x88] =	vst v1  }
0xda: {  	v1 =	vld [tilespmem:s26+$0xFFFFFFF0];
	_ =	sdelay $0x4  }
0xdb: {  	v1 =	vmax.f32 v1, v2  }
0xdc: {  	v2 =	vld [tilespmem:s4+$0xA8];
	[tilespmem:s4+$0x98] =	vst v1  }
0xdd: {  	v1 =	vld [tilespmem:s26+$0x0];
	_ =	sdelay $0x4  }
0xde: {  	v1 =	vmax.f32 v1, v2  }
0xdf: {  	v2 =	vld [tilespmem:s4+$0xB8];
	[tilespmem:s4+$0xA8] =	vst v1  }
0xe0: {  	v1 =	vld [tilespmem:s26+$0x10];
	_ =	sdelay $0x4  }
0xe1: {  	v1 =	vmax.f32 v1, v2  }
0xe2: {  	[tilespmem:s4+$0xB8] =	vst v1  }
.LBB2_23:
0xe3: {  	s28 =	sadd.s32 $0x1, s28  }
0xe4: {  	p2 =	seq.s32 s28, $0x0  }
.Ltmp17:
0xe5: {  	_ = 	snop;
	(pc) =	sbr.rel @p2 .LBB2_24-.Ltmp17, $2  }
0xe6: {  	_ =	sdelay $0x2  }
0xe7: {  	s26 =	sadd.s32 $0x80, s26;
	s24 =	sadd.s32 $0x1, s24;
	s30 =	smov.u32 s31  }
.LBB2_18:
0xe8: {  	v1 =	vld.msk [tilespmem:s24+$0x0], $0x1;
	_ =	sdelay $0x4  }
0xe9: {  	(v2sf) =	vpush v1, $0x0;
	_ =	sdelay $0xe  }
0xea: {  	s31 =	spop (v2sf)  }
0xeb: {  	p2 =	sne.s32 s30, s31  }
.Ltmp18:
0xec: {  	_ = 	snop;
	(pc) =	sbr.rel @!p2 .LBB2_19-.Ltmp18, $3  }
0xed: {  	_ =	sdelay $0x1  }
0xee: {  	s2 =	sshll.u32 s23, $0x8  }
0xef: {  	s4 =	sshra.s32 s2, $0x2  }
0xf0: {  	p2 =	seq.s32 s30, s25  }
.Ltmp19:
0xf1: {  	_ = 	snop;
	(pc) =	sbr.rel @!p2 .LBB2_21-.Ltmp19, $1  }
0xf2: {  	_ =	sdelay $0x3  }
.Ltmp20:
0xf3: {  	s2 =	sadd.s32 $0x88, s4;
	(pc) =	sbr.rel .LBB2_22-.Ltmp20, $4  }
0xf4: {  	[spmem:s16] =	stream.linear.scatter [tilespmem:s2], [sflag:$0x1], $0x40, $0x38;
	[tilespmem:$0x1EF88] =	vst v63  }
0xf5: {  	_ =	swait.ge [sflag:s12], $0x40  }
0xf6: {  	[sflag:s12] =	ssyncset.done $0x0  }
0xf7: {  	[sflag:s12] =	ssyncadd.s32 $0xFFFFFFC0  }
.LBB2_21:
0xf8: {  	s2 =	sshll.u32 s29, $0x8  }
0xf9: {  	v2 =	vld [tilespmem:s4+$0x88];
	s2 =	sshra.s32 s2, $0x2  }
0xfa: {  	v1 =	vld [tilespmem:s2+$0x50C8];
	_ =	sdelay $0x4  }
0xfb: {  	v1 =	vmax.f32 v1, v2  }
0xfc: {  	v2 =	vld [tilespmem:s4+$0x98];
	[tilespmem:s4+$0x88] =	vst v1  }
0xfd: {  	v1 =	vld [tilespmem:s2+$0x50D8];
	_ =	sdelay $0x4  }
0xfe: {  	v1 =	vmax.f32 v1, v2  }
0xff: {  	v2 =	vld [tilespmem:s4+$0xA8];
	[tilespmem:s4+$0x98] =	vst v1  }
0x100: {  	v1 =	vld [tilespmem:s2+$0x50E8];
	_ =	sdelay $0x4  }
0x101: {  	v1 =	vmax.f32 v1, v2  }
0x102: {  	v2 =	vld [tilespmem:s4+$0xB8];
	[tilespmem:s4+$0xA8] =	vst v1  }
0x103: {  	v1 =	vld [tilespmem:s2+$0x50F8];
	_ =	sdelay $0x3  }
0x104: {  	p2 =	sgt.u32 s30, $0x44BFF8  }
0x105: {  	s2 =	sand.u32 @!p2 $0x7FFFF8, s30;
	v1 =	vmax.f32 v1, v2  }
0x106: {  	s3 =	sadd.s32 $0x88, s4;
	s2 =	sadd.s32 @!p2 s1, s2;
	[tilespmem:s4+$0xB8] =	vst v1;
	s4 =	sand.u32 @!p2 $0x7, s30  }
0x107: {  	[hbm4b:s2+s4] =	stream.linear.scatter @!p2 [tilespmem:s3], [sflag:$0xC], $0x40, $0x38;
	[tilespmem:$0x1EF88] =	vst v63  }
0x108: {  	s2 =	simm.s32 $0x0  }
0x109: {  	s2 =	simm.s32 @!p2 $0x100  }
0x10a: {  	s0 =	sadd.s32 s2, s0  }
.LBB2_22:
0x10b: {  	s2 =	sadd.s32 $0x1, s23  }
0x10c: {  	s3 =	smulhi.u32 $0xCCCCCCCD, s2;
	_ =	sdelay $0x1  }
0x10d: {  	v1 =	vld [tilespmem:s26+$0xFFFFFFE0];
	s3 =	sshrl.u32 s3, $0x8  }
0x10e: {  	s3 =	smul.u32 $0x140, s3;
	_ =	sdelay $0x1  }
0x10f: {  	s23 =	ssub.s32 s2, s3  }
0x110: {  	s2 =	sshll.u32 s23, $0x6  }
0x111: {  	[tilespmem:s2+$0x88] =	vst v1  }
0x112: {  	v1 =	vld [tilespmem:s26+$0xFFFFFFF0];
	_ =	sdelay $0x4  }
0x113: {  	[tilespmem:s2+$0x98] =	vst v1  }
0x114: {  	v1 =	vld [tilespmem:s26+$0x0];
	_ =	sdelay $0x4  }
0x115: {  	[tilespmem:s2+$0xA8] =	vst v1  }
0x116: {  	v1 =	vld [tilespmem:s26+$0x10]  }
.Ltmp21:
0x117: {  	_ = 	snop;
	(pc) =	sbr.rel .LBB2_23-.Ltmp21, $2  }
0x118: {  	_ =	sdelay $0x2  }
0x119: {  	s29 =	sadd.s32 $0x1, s29;
	[tilespmem:s2+$0xB8] =	vst v1  }
.LBB2_25:
.Ltmp22:
0x11a: {  	(pc) =	sbr.rel .LBB2_26-.Ltmp22, $4  }
0x11b: {  	_ = 	snop  }
0x11c: {  	s0 =	simm.s32 $0x2  }
0x11d: {  	_ =	swait.ge [sflag:s0], $0x0  }
0x11e: {  	s31 =	smov.u32 s30;
	[sflag:s0] =	ssyncset.done $0x0;
	s0 =	simm.s32 $0x0  }
.LBB2_28:
0x11f: {  	_ =	sfence.sel $0x180000  }
0x120: {  	s0 =	simm.s32 $0x9;
	[bflag:$0x0] =	sbarrier.arrive $0xFFFF  }
0x121: {  	s24 =	simm.s32 $0xA;
	[sflag:s0] =	ssyncpa.u1 $0x1  }
0x122: {  	s25 =	simm.s32 $0xB;
	[sflag:s24] =	ssyncpa.u1 $0x1  }
0x123: {  	s26 =	simm.s32 $0x2;
	[sflag:s25] =	ssyncpa.u1 $0x1  }
0x124: {  	[sflag:s26] =	ssyncpa.u1 $0x1  }
0x125: {  	v0 =	vld [tilespmem:$0xA108];
	_ =	sdelay $0x4  }
0x126: {  	(v2sf) =	vpush v0, $0x0  }
0x127: {  	(v2sf) =	vpush v0, $0x1;
	_ =	sdelay $0x1  }
0x128: {  	(v2sf) =	vpush v0, $0x2;
	_ =	sdelay $0xb  }
0x129: {  	s0 =	spop (v2sf)  }
0x12a: {  	s2 =	spop (v2sf)  }
0x12b: {  	s3 =	smov.u32 s0;
	p0 =	sne.s32 s0, s2  }
0x12c: {  	s4 =	spop (v2sf);
	s3 =	simm.s32 @!p0 $0xFFFFFFFF  }
0x12d: {  	v2 =	vimm.s32 $0x1;
	v3 =	vlaneseq.u32;
	p0 =	seq.s32 s4, $0xFFFFFFFF;
	v1 =	vmov s3  }
0x12e: {  	s15 =	stileid.u32;
	v0 =	vperm.xlane v0, v2;
	p1 =	sne.s32 @!p0 s0, s2;
	v1 =	vperm.xlane v1, v3  }
0x12f: {  	vm0 =	vcmask $0x3F04;
	s6 =	simm.s32 $0xA108;
	s0 =	simm.s32 @!p0 $0x1;
	p1 =	por !p1, p0  }
0x130: {  	s3 =	sshll.u32 s15, $0x1;
	s2 =	sshll.u32 @!p0 s4, $0x8;
	s0 =	simm.s32 @p1 $0x0;
	v0 =	vsel vm0, v1, v0  }
0x131: {  	s5 =	sor.u32 $0x800, s3;
	s2 =	sshra.s32 @!p0 s2, $0x2;
	s0 =	sor.u32 @!p0 s0, s3;
	[tilespmem:$0xA108] =	vst v0  }
0x132: {  	[spmem:s5] =	stream.linear.scatter [tilespmem:s6], [sflag:$0x1], $0x2, $0x38;
	[tilespmem:$0x1EF88] =	vst v63  }
0x133: {  	s2 =	sadd.s32 @!p0 $0x88, s2;
	s0 =	sshll.u32 @!p0 s0, $0x6  }
0x134: {  	[spmem:s0] =	stream.linear.scatter @!p0 [tilespmem:s2], [sflag:$0x1], $0x40, $0x38;
	[tilespmem:$0x1EF88] =	vst v63  }
0x135: {  	s0 =	simm.s32 @!p0 $0x42  }
0x136: {  	s28 =	simm.s32 $0x1;
	s0 =	simm.s32 @p0 $0x2  }
0x137: {  	_ =	swait.ge [sflag:s28], s0  }
0x138: {  	s0 =	ssub.s32 $0x0, s0;
	[sflag:s28] =	ssyncset.done $0x0  }
0x139: {  	p0 =	sne.s32 s15, $0x0;
	[sflag:s28] =	ssyncadd.s32 s0  }
.Ltmp23:
0x13a: {  	_ =	sfence.stream.spmem;
	(pc) =	sbr.rel @p0 .LBB2_45-.Ltmp23, $4  }
0x13b: {  	s29 =	simm.s32 $0x3;
	[bflag:$0x0] =	sbarrier.arrive $0xFFFF  }
0x13c: {  	s30 =	simm.s32 $0x4;
	[sflag:s29] =	ssyncpa.u1 $0x1  }
0x13d: {  	s31 =	simm.s32 $0x3C;
	[sflag:s30] =	ssyncpa.u1 $0x1  }
0x13e: {  	s14 =	rddreg [dreg:$0x5];
	[sflag:s31] =	ssyncpa.u1 $0x1  }
0x13f: {  	_ =	sfence.stream.spmem;
	s0 =	simm.s32 $0x5  }
0x140: {  	s2 =	simm.s32 $0x800;
	s3 =	simm.s32 $0xA118;
	[sflag:s0] =	ssyncpa.u1 $0x0  }
0x141: {  	[tilespmem:s3], [sflag:$0x5] =	stream.linear.gather [spmem:s2], $0x20, $0x38;
	[tilespmem:$0x1EF88] =	vst v63  }
0x142: {  	s26 =	simm.s32 $0x0;
	s28 =	simm.s32 $0xA138  }
0x143: {  	[tilespmem:s28], [sflag:$0x5] =	stream.linear.gather [spmem:s26], $0x800, $0x38;
	[tilespmem:$0x1EF88] =	vst v63  }
0x144: {  	_ =	swait.ge [sflag:s0], $0x820  }
0x145: {  	[sflag:s0] =	ssyncset.done $0x0  }
0x146: {  	s29 =	simm.s32 $0x0;
	[sflag:s0] =	ssyncadd.s32 $0xFFFFF7E0  }
0x147: {  	v0 =	vld.msk [tilespmem:s29+$0xA118], $0x1;
	_ =	sdelay $0x1  }
0x148: {  	s30 =	simm.s32 $0x1  }
0x149: {  	v1 =	vld.msk [tilespmem:s30+$0xA118], $0x1;
	_ =	sdelay $0x1  }
0x14a: {  	(v2sf) =	vpush v0, $0x0;
	_ =	sdelay $0x2  }
0x14b: {  	(v2sf) =	vpush v1, $0x0;
	_ =	sdelay $0x2  }
0x14c: {  	s31 =	simm.s32 $0x2  }
0x14d: {  	v0 =	vld.msk [tilespmem:s31+$0xA118], $0x1;
	_ =	sdelay $0x2  }
0x14e: {  	s4 =	simm.s32 $0xFFFFFFFF;
	s2 =	simm.s32 $0xFFFFFFFF;
	s0 =	simm.s32 $0xC  }
.LBB2_30:
0x14f: {  	s3 =	smov.u32 s4;
	s5 =	smov.u32 s2  }
0x150: {  	s2 =	sshra.s32 s0, $0x2;
	p1 =	sne.s32 s0, $0x7C;
	s0 =	sadd.s32 $0x4, s0;
	(v2sf) =	vpush v0, $0x0  }
0x151: {  	v0 =	vld.msk [tilespmem:s2+$0xA118], $0x1  }
.Ltmp24:
0x152: {  	(pc) =	sbr.rel @p1 .LBB2_30-.Ltmp24, $4  }
0x153: {  	s4 =	spop (v2sf)  }
0x154: {  	p2 =	sne.s32 s5, $0xFFFFFFFF;
	s2 =	smov.u32 s4  }
0x155: {  	p3 =	seq.s32 s4, $0xFFFFFFFF;
	s2 =	smov.u32 @p2 s5  }
0x156: {  	s4 =	smov.u32 @p3 s3;
	s2 =	smov.u32 @p3 s5  }
0x157: {  	(v2sf) =	vpush v0, $0x0;
	_ =	sdelay $0x8  }
0x158: {  	s0 =	spop (v2sf)  }
0x159: {  	p1 =	sne.s32 s2, $0xFFFFFFFF;
	s3 =	smov.u32 s0  }
0x15a: {  	s9 =	simm.s32 $0x6;
	p2 =	seq.s32 s0, $0xFFFFFFFF;
	s3 =	smov.u32 @p1 s2  }
0x15b: {  	s6 =	simm.s32 $0x0;
	s3 =	smov.u32 @p2 s2;
	s2 =	spop (v2sf)  }
0x15c: {  	s0 =	smov.u32 @p2 s4;
	p1 =	sne.s32 s3, $0xFFFFFFFF;
	s5 =	smov.u32 s2  }
.Ltmp25:
0x15d: {  	p2 =	seq.s32 s2, $0xFFFFFFFF;
	s5 =	smov.u32 @p1 s3;
	(pc) =	sbr.rel .LBB2_32-.Ltmp25, $4  }
0x15e: {  	s10 =	simm.s32 $0xA0C8;
	s5 =	smov.u32 @p2 s3;
	s7 =	spop (v2sf)  }
0x15f: {  	s11 =	simm.s32 $0x0;
	p1 =	sne.s32 s5, $0xFFFFFFFF;
	s8 =	smov.u32 s7  }
0x160: {  	s2 =	smov.u32 @p2 s0;
	p2 =	seq.s32 s7, $0xFFFFFFFF;
	s8 =	smov.u32 @p1 s5  }
0x161: {  	[sflag:s9] =	ssyncpa.u1 $0x0;
	s7 =	smov.u32 @p2 s2;
	s8 =	smov.u32 @p2 s5  }
.LBB2_38:
0x162: {  	p1 =	sgt.u32 s0, $0x44BFF8  }
0x163: {  	p2 =	seq.s32 @!p1 s0, s8  }
0x164: {  	p1 =	por p1, p2  }
0x165: {  	p2 =	sne.s32 @!p1 s0, s7  }
0x166: {  	p1 =	por p1, !p2  }
0x167: {  	s0 =	sshll.u32 @p1 s11, $0x8  }
0x168: {  	s2 =	sand.u32 @!p1 $0x7FFFF8, s0  }
0x169: {  	s0 =	sand.u32 @!p1 $0x7, s0;
	s2 =	sadd.s32 @!p1 s1, s2  }
0x16a: {  	[tilespmem:s10], [sflag:$0x6] =	stream.linear.gather @!p1 [hbm4b:s2+s0], $0x40, $0x38;
	[tilespmem:$0x1EF88] =	vst v63  }
0x16b: {  	_ =	swait.ge @!p1 [sflag:s9], $0x40  }
0x16c: {  	[sflag:s9] =	ssyncset.done @!p1 $0x0  }
0x16d: {  	s0 =	sshll.u32 @!p1 s11, $0x8;
	[sflag:s9] =	ssyncadd.s32 @!p1 $0xFFFFFFC0  }
0x16e: {  	s2 =	sshrl.u32 @!p1 s0, $0x2;
	v1 =	vld @!p1 [tilespmem:$0xA0C8]  }
0x16f: {  	v2 =	vld @!p1 [tilespmem:s2+$0xA138];
	_ =	sdelay $0x4  }
0x170: {  	v1 =	vmax.f32 @!p1 v1, v2  }
0x171: {  	v2 =	vld @!p1 [tilespmem:s2+$0xA148];
	[tilespmem:s2+$0xA138] =	vst @!p1 v1  }
0x172: {  	v1 =	vld @!p1 [tilespmem:$0xA0D8];
	_ =	sdelay $0x4  }
0x173: {  	v1 =	vmax.f32 @!p1 v1, v2  }
0x174: {  	v2 =	vld @!p1 [tilespmem:s2+$0xA158];
	[tilespmem:s2+$0xA148] =	vst @!p1 v1  }
0x175: {  	v1 =	vld @!p1 [tilespmem:$0xA0E8];
	_ =	sdelay $0x4  }
0x176: {  	v1 =	vmax.f32 @!p1 v1, v2  }
0x177: {  	v2 =	vld @!p1 [tilespmem:s2+$0xA168];
	[tilespmem:s2+$0xA158] =	vst @!p1 v1  }
0x178: {  	v1 =	vld @!p1 [tilespmem:$0xA0F8];
	_ =	sdelay $0x4  }
0x179: {  	v1 =	vmax.f32 @!p1 v1, v2  }
0x17a: {  	[tilespmem:s2+$0xA168] =	vst @!p1 v1  }
0x17b: {  	s0 =	sshrl.u32 s0, $0x2;
	[tilespmem:s6+$0xA118] =	vst.msk $0x1, v0  }
0x17c: {  	v0 =	vld [tilespmem:s0+$0xA138];
	_ =	sdelay $0x2  }
0x17d: {  	s31 =	sshll.u32 s6, $0x8  }
0x17e: {  	s2 =	sshra.s32 s31, $0x2  }
0x17f: {  	[tilespmem:s2+$0xA138] =	vst v0  }
0x180: {  	v0 =	vld [tilespmem:s0+$0xA148];
	_ =	sdelay $0x4  }
0x181: {  	[tilespmem:s2+$0xA148] =	vst v0  }
0x182: {  	v0 =	vld [tilespmem:s0+$0xA158];
	_ =	sdelay $0x4  }
0x183: {  	[tilespmem:s2+$0xA158] =	vst v0  }
0x184: {  	v0 =	vld [tilespmem:s0+$0xA168];
	_ =	sdelay $0x4  }
0x185: {  	s6 =	sadd.s32 $0x1, s6;
	[tilespmem:s2+$0xA168] =	vst v0  }
.LBB2_39:
0x186: {  	s11 =	sadd.s32 $0x1, s11  }
0x187: {  	p1 =	sne.s32 s11, $0x20  }
.Ltmp26:
0x188: {  	_ = 	snop;
	(pc) =	sbr.rel @!p1 .LBB2_40-.Ltmp26, $1  }
0x189: {  	_ =	sdelay $0x3  }
.LBB2_32:
0x18a: {  	v0 =	vld.msk [tilespmem:s11+$0xA118], $0x1;
	_ =	sdelay $0x4  }
0x18b: {  	(v2sf) =	vpush v0, $0x0;
	_ =	sdelay $0xe  }
0x18c: {  	s0 =	spop (v2sf)  }
0x18d: {  	p1 =	seq.s32 s0, $0xFFFFFFFF  }
.Ltmp27:
0x18e: {  	_ = 	snop;
	(pc) =	sbr.rel @p1 .LBB2_39-.Ltmp27, $1  }
0x18f: {  	_ =	sdelay $0x3  }
0x190: {  	p1 =	slt.s32 s6, $0x1  }
.Ltmp28:
0x191: {  	_ = 	snop;
	(pc) =	sbr.rel @p1 .LBB2_38-.Ltmp28, $1  }
0x192: {  	_ =	sdelay $0x3  }
0x193: {  	s12 =	simm.s32 $0xA118;
	p1 =	por $0x0, $0x0  }
0x194: {  	v1 =	vld.msk @!p1 [tilespmem:s12+$0x0], $0x1;
	_ =	sdelay $0x4  }
0x195: {  	(v2sf) =	vpush @!p1 v1, $0x0;
	_ =	sdelay $0xd  }
0x196: {  	p3 =	sne.s32 s6, $0x1  }
.Ltmp29:
0x197: {  	s2 =	spop @!p1 (v2sf);
	(pc) =	sbr.rel @!p3 .LBB2_36-.Ltmp29, $4  }
0x198: {  	p2 =	seq.s32 @!p1 s0, s2  }
0x199: {  	s13 =	simm.s32 $0x0;
	p2 =	por !p2, p1  }
0x19a: {  	s2 =	simm.s32 $0xFFFFFFFF;
	s13 =	simm.s32 @p2 $0xFFFFFFFF  }
0x19b: {  	s4 =	simm.s32 $0x1;
	s13 =	smov.u32 @p1 s2  }
.LBB2_35:
0x19c: {  	s2 =	smov.u32 s13;
	p1 =	sne.s32 s13, $0xFFFFFFFF  }
0x19d: {  	s12 =	sadd.s32 $0x1, s12;
	s13 =	smov.u32 s4;
	s4 =	sadd.s32 $0x1, s4  }
0x19e: {  	p2 =	sne.s32 s6, s4;
	v1 =	vld.msk @!p1 [tilespmem:s12+$0x0], $0x1;
	_ =	sdelay $0x4  }
0x19f: {  	(v2sf) =	vpush @!p1 v1, $0x0;
	_ =	sdelay $0xe  }
.Ltmp30:
0x1a0: {  	s3 =	spop @!p1 (v2sf);
	(pc) =	sbr.rel @p2 .LBB2_35-.Ltmp30, $4  }
0x1a1: {  	p3 =	seq.s32 @!p1 s0, s3  }
0x1a2: {  	p3 =	por !p3, p1  }
0x1a3: {  	s13 =	simm.s32 @p3 $0xFFFFFFFF  }
0x1a4: {  	s13 =	smov.u32 @p1 s2  }
.LBB2_36:
0x1a5: {  	p1 =	seq.s32 s13, $0xFFFFFFFF  }
.Ltmp31:
0x1a6: {  	_ = 	snop;
	(pc) =	sbr.rel @p1 .LBB2_38-.Ltmp31, $1  }
0x1a7: {  	_ =	sdelay $0x3  }
0x1a8: {  	s0 =	sshll.u32 s11, $0x6  }
0x1a9: {  	s2 =	sshll.u32 s13, $0x8;
	s0 =	sand.u32 $0x3FFFFFC0, s0  }
0x1aa: {  	s2 =	sshra.s32 s2, $0x2;
	v0 =	vld [tilespmem:s0+$0xA138]  }
0x1ab: {  	v1 =	vld [tilespmem:s2+$0xA138];
	_ =	sdelay $0x4  }
0x1ac: {  	v0 =	vmax.f32 v0, v1  }
0x1ad: {  	v61 =	vld [tilespmem:s2+$0xA148];
	[tilespmem:s2+$0xA138] =	vst v0  }
0x1ae: {  	v0 =	vld [tilespmem:s0+$0xA148];
	_ =	sdelay $0x4  }
0x1af: {  	v0 =	vmax.f32 v0, v61  }
0x1b0: {  	v62 =	vld [tilespmem:s2+$0xA158];
	[tilespmem:s2+$0xA148] =	vst v0  }
0x1b1: {  	v0 =	vld [tilespmem:s0+$0xA158];
	_ =	sdelay $0x4  }
0x1b2: {  	v0 =	vmax.f32 v0, v62  }
0x1b3: {  	v63 =	vld [tilespmem:s2+$0xA168];
	[tilespmem:s2+$0xA158] =	vst v0  }
0x1b4: {  	v0 =	vld [tilespmem:s0+$0xA168];
	_ =	sdelay $0x1  }
.Ltmp32:
0x1b5: {  	_ = 	snop;
	(pc) =	sbr.rel .LBB2_39-.Ltmp32, $3  }
0x1b6: {  	_ =	sdelay $0x1  }
0x1b7: {  	v0 =	vmax.f32 v0, v63  }
0x1b8: {  	[tilespmem:s2+$0xA168] =	vst v0  }
.LBB2_40:
0x1b9: {  	s0 =	simm.s32 $0x6;
	p1 =	seq.s32 s6, $0x0  }
0x1ba: {  	[sflag:s0] =	ssyncpa.u1 $0x1;
	v0 =	vimm.s32 @p1 $0xFFFFFFFF  }
0x1bb: {  	s0 =	sadd.s32 $0xFFFFFFFF, s6;
	[tilespmem:$0xA938] =	vst @p1 v0  }
0x1bc: {  	v0 =	vld.msk @!p1 [tilespmem:s0+$0xA118], $0x1;
	_ =	sdelay $0x1  }
0x1bd: {  	v1 =	vld.msk @!p1 [tilespmem:$0xA118], $0x1;
	_ =	sdelay $0x2  }
0x1be: {  	p2 =	seq.s32 @!p1 s0, $0x0;
	v0 =	vbroadcast @!p1 v0, $0x0  }
0x1bf: {  	vm0 =	vmmov @!p1 $0x1;
	p2 =	por !p2, p1  }
0x1c0: {  	v1 =	vnsel @!p1 vm0, $0xFFFFFFFF, v1;
	vm0 =	vcmask @!p1 $0x308;
	v0 =	vpsel !p2, $0xFFFFFFFF, v0  }
0x1c1: {  	p2 =	sne.s32 @!p1 s8, s7;
	v0 =	vsel @!p1 vm0, v1, v0  }
0x1c2: {  	s2 =	simm.s32 @!p1 $0xA138;
	s3 =	simm.s32 @!p1 $0x0;
	p3 =	por !p2, p1;
	[tilespmem:$0xA938] =	vst @!p1 v0  }
0x1c3: {  	[spmem:s3] =	stream.linear.scatter @!p1 [tilespmem:s2], [sflag:$0x1], $0x40, $0x38;
	[tilespmem:$0x1EF88] =	vst v63  }
0x1c4: {  	s2 =	sshll.u32 @!p3 s0, $0x8  }
0x1c5: {  	s2 =	sshra.s32 @!p3 s2, $0x2  }
0x1c6: {  	s3 =	simm.s32 @!p3 $0x40;
	s2 =	sadd.s32 @!p3 $0xA138, s2  }
0x1c7: {  	[spmem:s3] =	stream.linear.scatter @!p3 [tilespmem:s2], [sflag:$0x1], $0x40, $0x38;
	[tilespmem:$0x1EF88] =	vst v63  }
0x1c8: {  	s2 =	simm.s32 @!p3 $0x1  }
0x1c9: {  	_ =	swait.ge @!p3 [sflag:s2], $0x80  }
0x1ca: {  	p1 =	por p2, p1;
	[sflag:s2] =	ssyncset.done @!p3 $0x0  }
0x1cb: {  	[sflag:s2] =	ssyncadd.s32 @!p3 $0xFFFFFF80;
	s2 =	simm.s32 @!p1 $0x1  }
0x1cc: {  	_ =	swait.ge @!p1 [sflag:s2], $0x40  }
0x1cd: {  	s29 =	simm.s32 $0xA938;
	[sflag:s2] =	ssyncset.done @!p1 $0x0  }
0x1ce: {  	s30 =	simm.s32 $0x800;
	s31 =	simm.s32 $0x1;
	[sflag:s2] =	ssyncadd.s32 @!p1 $0xFFFFFFC0  }
0x1cf: {  	[spmem:s30] =	stream.linear.scatter [tilespmem:s29], [sflag:$0x1], $0x10, $0x38;
	[tilespmem:$0x1EF88] =	vst v63  }
0x1d0: {  	_ =	swait.ge [sflag:s31], $0x10  }
0x1d1: {  	[sflag:s31] =	ssyncset.done $0x0  }
0x1d2: {  	p1 =	seq.s32 s14, $0x0;
	s9 =	rddreg [dreg:$0x2];
	[sflag:s31] =	ssyncadd.s32 $0xFFFFFFF0  }
0x1d3: {  	s3 =	sshll.u32 @p1 s9, $0xE;
	s8 =	rddreg [dreg:$0x3]  }
0x1d4: {  	s2 =	sadd.s32 @p1 $0x15C3C, s3;
	s3 =	sshll.u32 @p1 s8, $0x11  }
0x1d5: {  	_ =	sfence.stream.spmem;
	s2 =	sor.u32 @p1 s3, s2  }
0x1d6: {  	[sflag:s2] =	ssyncadd.remote.s32 @p1 $0x1;
	s2 =	simm.s32 @p1 $0x4  }
0x1d7: {  	s4 =	simm.s32 @!p1 $0x3C;
	s3 =	sand.u32 $0xFFFFFFFE, s9;
	_ =	swait.ge @p1 [sflag:s2], $0x12  }
0x1d8: {  	s5 =	simm.s32 @!p1 $0x0;
	s3 =	sadd.s32 @!p1 $0x4, s3;
	[sflag:s2] =	ssyncset.done @p1 $0x0  }
0x1d9: {  	s7 =	simm.s32 @!p1 $0x80;
	[sflag:s2] =	ssyncadd.s32 @p1 $0xFFFFFFEE;
	s2 =	sshll.u32 @!p1 s3, $0x1A  }
0x1da: {  	s3 =	sshll.u32 @!p1 s3, $0xD;
	s2 =	sor.u32 @!p1 s2, s8;
	_ =	swait.eq @!p1 [sflag:s4], $0x1  }
0x1db: {  	s3 =	sor.u32 @!p1 $0x1C04, s3;
	s4 =	simm.s32 @!p1 $0x1C03;
	s2 =	sor.u32 @!p1 $0x80004000, s2  }
0x1dc: {  	[spmem:s7], [sflag:s3] =	dma.general @!p1 [spmem:s5], [sflag:s4], length:$0x10, [dreg:$0x0], stride_count:$0x0, ici_dest:s2, dma_misc:DstOpCode:WRITE  }
0x1dd: {  	p2 =	slt.s32 s0, $0x2;
	s5 =	simm.s32 @!p1 $0x100;
	s7 =	simm.s32 @!p1 $0x102  }
0x1de: {  	[spmem:s7], [sflag:s3] =	dma.general @!p1 [spmem:s5], [sflag:s4], length:$0x2, [dreg:$0x0], stride_count:$0x0, ici_dest:s2, dma_misc:DstOpCode:WRITE  }
.Ltmp33:
0x1df: {  	s2 =	simm.s32 @!p1 $0x3;
	(pc) =	sbr.rel @p2 .LBB2_44-.Ltmp33, $4  }
0x1e0: {  	s3 =	sshll.u32 @!p1 s9, $0xE;
	_ =	swait.ge @!p1 [sflag:s2], $0x12  }
0x1e1: {  	s4 =	sshll.u32 @!p1 s8, $0x11;
	s3 =	sadd.s32 @!p1 $0x11C3C, s3;
	[sflag:s2] =	ssyncset.done @!p1 $0x0  }
0x1e2: {  	[sflag:s2] =	ssyncadd.s32 @!p1 $0xFFFFFFEE;
	s2 =	sor.u32 @!p1 s4, s3  }
0x1e3: {  	s0 =	simm.s32 $0x0;
	[sflag:s2] =	ssyncadd.remote.s32 @!p1 $0xFFFFFFFF  }
0x1e4: {  	s0 =	simm.s32 $0xA119  }
0x1e5: {  	v0 =	vld.msk [tilespmem:s0+$0x0], $0x1;
	_ =	sdelay $0x4  }
0x1e6: {  	(v2sf) =	vpush v0, $0x0;
	_ =	sdelay $0xd  }
0x1e7: {  	s3 =	sadd.s32 $0xFFFFFFFE, s6  }
0x1e8: {  	s4 =	sadd.s32 $0xFFFFFFFF, s3;
	s2 =	spop (v2sf)  }
0x1e9: {  	p2 =	sne.s32 s4, $0x0;
	p1 =	sgt.u32 s2, $0x44BFF8  }
.Ltmp34:
0x1ea: {  	s5 =	sand.u32 @!p1 $0x7FFFF8, s2;
	(pc) =	sbr.rel @!p2 .LBB2_43-.Ltmp34, $4  }
0x1eb: {  	s0 =	simm.s32 $0xA178;
	s2 =	sand.u32 @!p1 $0x7, s2;
	s3 =	sadd.s32 @!p1 s1, s5  }
0x1ec: {  	[hbm4b:s3+s2] =	stream.linear.scatter @!p1 [tilespmem:s0], [sflag:$0x5], $0x40, $0x38;
	[tilespmem:$0x1EF88] =	vst v63  }
0x1ed: {  	s2 =	simm.s32 $0x0  }
0x1ee: {  	s6 =	simm.s32 $0xA11A;
	s5 =	simm.s32 $0x0;
	s2 =	simm.s32 @!p1 $0x100  }
.LBB2_42:
0x1ef: {  	v0 =	vld.msk [tilespmem:s6+$0x0], $0x1;
	s4 =	sadd.s32 $0xFFFFFFFF, s4;
	s5 =	sadd.s32 s5, s2  }
0x1f0: {  	p1 =	sne.s32 s4, $0x0;
	_ =	sdelay $0x3  }
0x1f1: {  	(v2sf) =	vpush v0, $0x0;
	_ =	sdelay $0xe  }
.Ltmp35:
0x1f2: {  	s3 =	spop (v2sf);
	(pc) =	sbr.rel @p1 .LBB2_42-.Ltmp35, $4  }
0x1f3: {  	s2 =	simm.s32 $0x0;
	p2 =	sgt.u32 s3, $0x44BFF8  }
0x1f4: {  	s0 =	sadd.s32 $0x40, s0;
	s2 =	simm.s32 @!p2 $0x100;
	s7 =	sand.u32 @!p2 $0x7FFFF8, s3  }
0x1f5: {  	s6 =	sadd.s32 $0x1, s6;
	s3 =	sand.u32 @!p2 $0x7, s3;
	s7 =	sadd.s32 @!p2 s1, s7  }
0x1f6: {  	[hbm4b:s7+s3] =	stream.linear.scatter @!p2 [tilespmem:s0], [sflag:$0x5], $0x40, $0x38;
	[tilespmem:$0x1EF88] =	vst v63  }
.LBB2_43:
0x1f7: {  	s0 =	sadd.s32 s5, s2  }
0x1f8: {  	s0 =	sshrl.u32 s0, $0x2  }
.LBB2_44:
0x1f9: {  	s2 =	simm.s32 $0x5  }
0x1fa: {  	_ =	swait.ge [sflag:s2], s0  }
0x1fb: {  	s31 =	ssub.s32 $0x0, s0;
	[sflag:s2] =	ssyncset.done $0x0  }
0x1fc: {  	[sflag:s2] =	ssyncadd.s32 s31  }
0x1fd: {  	[sflag:s2] =	ssyncpa.u1 $0x1  }
.LBB2_45:
0x1fe: {  	s0 =	sor.u32 s14, s15  }
0x1ff: {  	p1 =	sne.s32 s0, $0x0  }
.Ltmp36:
0x200: {  	_ = 	snop;
	(pc) =	sbr.rel @p1 .LBB2_60-.Ltmp36, $3  }
0x201: {  	_ =	sdelay $0x1  }
0x202: {  	[bflag:$0x0] =	sbarrier.arrive $0xFFFF  }
0x203: {  	_ =	sfence  }
0x204: {  	s0 =	simm.s32 $0x7  }
0x205: {  	s2 =	simm.s32 $0x800;
	s3 =	simm.s32 $0xA118;
	[sflag:s0] =	ssyncpa.u1 $0x0  }
0x206: {  	[tilespmem:s3], [sflag:$0x7] =	stream.linear.gather [spmem:s2], $0x20, $0x38;
	[tilespmem:$0x1EF88] =	vst v63  }
0x207: {  	s30 =	simm.s32 $0xA138;
	s2 =	simm.s32 $0x0  }
0x208: {  	[tilespmem:s30], [sflag:$0x7] =	stream.linear.gather [spmem:s2], $0x800, $0x38;
	[tilespmem:$0x1EF88] =	vst v63  }
.Ltmp37:
0x209: {  	_ = 	snop;
	(pc) =	sbr.rel .LBB2_47-.Ltmp37, $4  }
0x20a: {  	_ =	swait.ge [sflag:s0], $0x820  }
0x20b: {  	[sflag:s0] =	ssyncset.done $0x0  }
0x20c: {  	s31 =	simm.s32 $0x8;
	[sflag:s0] =	ssyncadd.s32 $0xFFFFF7E0  }
0x20d: {  	s3 =	simm.s32 $0x0;
	[sflag:s31] =	ssyncpa.u1 $0x0  }
.LBB2_53:
0x20e: {  	p1 =	slt.u32 s0, $0x44BFF9  }
0x20f: {  	s4 =	sand.u32 @p1 $0x7FFFF8, s0  }
0x210: {  	s0 =	sand.u32 @p1 $0x7, s0;
	s5 =	simm.s32 @p1 $0xA0C8;
	s4 =	sadd.s32 @p1 s1, s4  }
0x211: {  	[tilespmem:s5], [sflag:$0x8] =	stream.linear.gather @p1 [hbm4b:s4+s0], $0x40, $0x38;
	[tilespmem:$0x1EF88] =	vst v63  }
0x212: {  	s0 =	simm.s32 @p1 $0x8  }
0x213: {  	_ =	swait.ge @p1 [sflag:s0], $0x40  }
0x214: {  	[sflag:s0] =	ssyncset.done @p1 $0x0  }
0x215: {  	[sflag:s0] =	ssyncadd.s32 @p1 $0xFFFFFFC0;
	s0 =	sshll.u32 @p1 s3, $0x8  }
0x216: {  	s4 =	sshrl.u32 @p1 s0, $0x2;
	v1 =	vld @p1 [tilespmem:$0xA0C8]  }
0x217: {  	v2 =	vld @p1 [tilespmem:s4+$0xA138];
	_ =	sdelay $0x4  }
0x218: {  	v1 =	vmax.f32 @p1 v1, v2  }
0x219: {  	v2 =	vld @p1 [tilespmem:s4+$0xA148];
	[tilespmem:s4+$0xA138] =	vst @p1 v1  }
0x21a: {  	v1 =	vld @p1 [tilespmem:$0xA0D8];
	_ =	sdelay $0x4  }
0x21b: {  	v1 =	vmax.f32 @p1 v1, v2  }
0x21c: {  	v2 =	vld @p1 [tilespmem:s4+$0xA158];
	[tilespmem:s4+$0xA148] =	vst @p1 v1  }
0x21d: {  	v1 =	vld @p1 [tilespmem:$0xA0E8];
	_ =	sdelay $0x4  }
0x21e: {  	v1 =	vmax.f32 @p1 v1, v2  }
0x21f: {  	v2 =	vld @p1 [tilespmem:s4+$0xA168];
	[tilespmem:s4+$0xA158] =	vst @p1 v1  }
0x220: {  	v1 =	vld @p1 [tilespmem:$0xA0F8];
	_ =	sdelay $0x4  }
0x221: {  	s5 =	sshll.u32 @!p1 s3, $0x8;
	v1 =	vmax.f32 @p1 v1, v2  }
0x222: {  	s5 =	smov.u32 @p1 s0;
	[tilespmem:s4+$0xA168] =	vst @p1 v1  }
0x223: {  	s0 =	sshrl.u32 s5, $0x2;
	[tilespmem:s2+$0xA118] =	vst.msk $0x1, v0  }
0x224: {  	v0 =	vld [tilespmem:s0+$0xA138];
	_ =	sdelay $0x2  }
0x225: {  	s31 =	sshll.u32 s2, $0x8  }
0x226: {  	s4 =	sshra.s32 s31, $0x2  }
0x227: {  	[tilespmem:s4+$0xA138] =	vst v0  }
0x228: {  	v0 =	vld [tilespmem:s0+$0xA148];
	_ =	sdelay $0x4  }
0x229: {  	[tilespmem:s4+$0xA148] =	vst v0  }
0x22a: {  	v0 =	vld [tilespmem:s0+$0xA158];
	_ =	sdelay $0x4  }
0x22b: {  	[tilespmem:s4+$0xA158] =	vst v0  }
0x22c: {  	v0 =	vld [tilespmem:s0+$0xA168];
	_ =	sdelay $0x4  }
0x22d: {  	s2 =	sadd.s32 $0x1, s2;
	[tilespmem:s4+$0xA168] =	vst v0  }
.LBB2_54:
0x22e: {  	s3 =	sadd.s32 $0x1, s3  }
0x22f: {  	p1 =	sne.s32 s3, $0x20  }
.Ltmp38:
0x230: {  	_ = 	snop;
	(pc) =	sbr.rel @!p1 .LBB2_55-.Ltmp38, $1  }
0x231: {  	_ =	sdelay $0x3  }
.LBB2_47:
0x232: {  	v0 =	vld.msk [tilespmem:s3+$0xA118], $0x1;
	_ =	sdelay $0x4  }
0x233: {  	(v2sf) =	vpush v0, $0x0;
	_ =	sdelay $0xe  }
0x234: {  	s0 =	spop (v2sf)  }
0x235: {  	p1 =	seq.s32 s0, $0xFFFFFFFF  }
.Ltmp39:
0x236: {  	_ = 	snop;
	(pc) =	sbr.rel @p1 .LBB2_54-.Ltmp39, $1  }
0x237: {  	_ =	sdelay $0x3  }
0x238: {  	p1 =	slt.s32 s2, $0x1  }
.Ltmp40:
0x239: {  	_ = 	snop;
	(pc) =	sbr.rel @p1 .LBB2_53-.Ltmp40, $1  }
0x23a: {  	_ =	sdelay $0x3  }
0x23b: {  	s4 =	simm.s32 $0xA118;
	p1 =	por $0x0, $0x0  }
0x23c: {  	v1 =	vld.msk @!p1 [tilespmem:s4+$0x0], $0x1;
	_ =	sdelay $0x4  }
0x23d: {  	(v2sf) =	vpush @!p1 v1, $0x0;
	_ =	sdelay $0xd  }
0x23e: {  	p3 =	sne.s32 s2, $0x1  }
.Ltmp41:
0x23f: {  	s5 =	spop @!p1 (v2sf);
	(pc) =	sbr.rel @!p3 .LBB2_51-.Ltmp41, $4  }
0x240: {  	p2 =	seq.s32 @!p1 s0, s5  }
0x241: {  	s5 =	simm.s32 $0x0;
	p2 =	por !p2, p1  }
0x242: {  	s7 =	simm.s32 $0xFFFFFFFF;
	s5 =	simm.s32 @p2 $0xFFFFFFFF  }
0x243: {  	s6 =	simm.s32 $0x1;
	s5 =	smov.u32 @p1 s7  }
.LBB2_50:
0x244: {  	s7 =	smov.u32 s5;
	p1 =	sne.s32 s5, $0xFFFFFFFF  }
0x245: {  	s4 =	sadd.s32 $0x1, s4;
	s5 =	smov.u32 s6;
	s6 =	sadd.s32 $0x1, s6  }
0x246: {  	p2 =	sne.s32 s2, s6;
	v1 =	vld.msk @!p1 [tilespmem:s4+$0x0], $0x1;
	_ =	sdelay $0x4  }
0x247: {  	(v2sf) =	vpush @!p1 v1, $0x0;
	_ =	sdelay $0xe  }
.Ltmp42:
0x248: {  	s8 =	spop @!p1 (v2sf);
	(pc) =	sbr.rel @p2 .LBB2_50-.Ltmp42, $4  }
0x249: {  	p3 =	seq.s32 @!p1 s0, s8  }
0x24a: {  	p3 =	por !p3, p1  }
0x24b: {  	s5 =	simm.s32 @p3 $0xFFFFFFFF  }
0x24c: {  	s5 =	smov.u32 @p1 s7  }
.LBB2_51:
0x24d: {  	p1 =	seq.s32 s5, $0xFFFFFFFF  }
.Ltmp43:
0x24e: {  	_ = 	snop;
	(pc) =	sbr.rel @p1 .LBB2_53-.Ltmp43, $1  }
0x24f: {  	_ =	sdelay $0x3  }
0x250: {  	s0 =	sshll.u32 s3, $0x6  }
0x251: {  	s4 =	sshll.u32 s5, $0x8;
	s0 =	sand.u32 $0x3FFFFFC0, s0  }
0x252: {  	s4 =	sshra.s32 s4, $0x2;
	v0 =	vld [tilespmem:s0+$0xA138]  }
0x253: {  	v1 =	vld [tilespmem:s4+$0xA138];
	_ =	sdelay $0x4  }
0x254: {  	v0 =	vmax.f32 v0, v1  }
0x255: {  	v61 =	vld [tilespmem:s4+$0xA148];
	[tilespmem:s4+$0xA138] =	vst v0  }
0x256: {  	v0 =	vld [tilespmem:s0+$0xA148];
	_ =	sdelay $0x4  }
0x257: {  	v0 =	vmax.f32 v0, v61  }
0x258: {  	v62 =	vld [tilespmem:s4+$0xA158];
	[tilespmem:s4+$0xA148] =	vst v0  }
0x259: {  	v0 =	vld [tilespmem:s0+$0xA158];
	_ =	sdelay $0x4  }
0x25a: {  	v0 =	vmax.f32 v0, v62  }
0x25b: {  	v63 =	vld [tilespmem:s4+$0xA168];
	[tilespmem:s4+$0xA158] =	vst v0  }
0x25c: {  	v0 =	vld [tilespmem:s0+$0xA168];
	_ =	sdelay $0x1  }
.Ltmp44:
0x25d: {  	_ = 	snop;
	(pc) =	sbr.rel .LBB2_54-.Ltmp44, $3  }
0x25e: {  	_ =	sdelay $0x1  }
0x25f: {  	v0 =	vmax.f32 v0, v63  }
0x260: {  	[tilespmem:s4+$0xA168] =	vst v0  }
.LBB2_55:
0x261: {  	p1 =	slt.s32 s2, $0x1  }
.Ltmp45:
0x262: {  	_ = 	snop;
	(pc) =	sbr.rel @p1 .LBB2_59-.Ltmp45, $3  }
0x263: {  	_ =	sdelay $0x1  }
0x264: {  	s0 =	simm.s32 $0x8  }
0x265: {  	[sflag:s0] =	ssyncpa.u1 $0x1;
	s0 =	simm.s32 $0x0  }
0x266: {  	s3 =	simm.s32 $0xA118  }
0x267: {  	v0 =	vld.msk [tilespmem:s3+$0x0], $0x1;
	_ =	sdelay $0x4  }
0x268: {  	(v2sf) =	vpush v0, $0x0;
	_ =	sdelay $0xe  }
0x269: {  	s2 =	sadd.s32 $0xFFFFFFFF, s2;
	s4 =	spop (v2sf)  }
0x26a: {  	p2 =	sne.s32 s2, $0x0;
	p1 =	sgt.u32 s4, $0x44BFF8  }
.Ltmp46:
0x26b: {  	s5 =	sand.u32 @!p1 $0x7FFFF8, s4;
	(pc) =	sbr.rel @!p2 .LBB2_58-.Ltmp46, $4  }
0x26c: {  	s3 =	simm.s32 $0xA138;
	s4 =	sand.u32 @!p1 $0x7, s4;
	s5 =	sadd.s32 @!p1 s1, s5  }
0x26d: {  	[hbm4b:s5+s4] =	stream.linear.scatter @!p1 [tilespmem:s3], [sflag:$0x7], $0x40, $0x38;
	[tilespmem:$0x1EF88] =	vst v63  }
0x26e: {  	s5 =	simm.s32 $0x0  }
0x26f: {  	s4 =	simm.s32 $0xA119;
	s5 =	simm.s32 @!p1 $0x100  }
.LBB2_57:
0x270: {  	v0 =	vld.msk [tilespmem:s4+$0x0], $0x1;
	s2 =	sadd.s32 $0xFFFFFFFF, s2;
	s0 =	sadd.s32 s0, s5  }
0x271: {  	p1 =	sne.s32 s2, $0x0;
	_ =	sdelay $0x3  }
0x272: {  	(v2sf) =	vpush v0, $0x0;
	_ =	sdelay $0xe  }
.Ltmp47:
0x273: {  	s6 =	spop (v2sf);
	(pc) =	sbr.rel @p1 .LBB2_57-.Ltmp47, $4  }
0x274: {  	s5 =	simm.s32 $0x0;
	p2 =	sgt.u32 s6, $0x44BFF8  }
0x275: {  	s3 =	sadd.s32 $0x40, s3;
	s5 =	simm.s32 @!p2 $0x100;
	s7 =	sand.u32 @!p2 $0x7FFFF8, s6  }
0x276: {  	s4 =	sadd.s32 $0x1, s4;
	s6 =	sand.u32 @!p2 $0x7, s6;
	s7 =	sadd.s32 @!p2 s1, s7  }
0x277: {  	[hbm4b:s7+s6] =	stream.linear.scatter @!p2 [tilespmem:s3], [sflag:$0x7], $0x40, $0x38;
	[tilespmem:$0x1EF88] =	vst v63  }
.LBB2_58:
0x278: {  	s0 =	sadd.s32 s0, s5  }
0x279: {  	s0 =	sshrl.u32 s0, $0x2  }
.LBB2_59:
0x27a: {  	s1 =	simm.s32 $0x7  }
0x27b: {  	_ =	swait.ge [sflag:s1], s0  }
0x27c: {  	s31 =	ssub.s32 $0x0, s0;
	[sflag:s1] =	ssyncset.done $0x0  }
0x27d: {  	[sflag:s1] =	ssyncadd.s32 s31  }
0x27e: {  	[sflag:s1] =	ssyncpa.u1 $0x1  }
.LBB2_60:
0x27f: {  	_ =	sfence;
	s0 =	simm.s32 $0x1  }
0x280: {  	[sflag:s0] =	ssyncpa.u1 $0x1  }
0x281: {  	_ =	strace $0x9000004A  }
0x282: {  	[bflag:$0x2] =	sbarrier.arrive $0xFFFF  }
0x283: {  	s0 =	rddreg [dreg:$0x4]  }
0x284: {  	s0 =	sadd.s32 @!p0 $0x100000, s0  }
0x285: {  	[sflag:s0] =	ssyncadd.tile.s32 @!p0 $0x1;
	_ =	shalt  }
.Lfunc_end2:
_tile_overlayer_lowered:
.L_overlay_start_2:
0x286: {  	(tag) =	ssettag $0x2  }
0x287: {  	s0 =	rddreg [dreg:$0x0];
	s2 =	stileid.u32  }
0x288: {  	s1 =	rddreg [dreg:$0x1];
	p0 =	sne.s32 s2, $0x0  }
0x289: {  	s3 =	rddreg [dreg:$0x2];
	[bflag:$0x3] =	sbarrier.arrive $0xFFFF;
	s2 =	simm.s32 @!p0 $0x1C01  }
0x28a: {  	[timem:s3], [sflag:s2] =	dma.local @!p0 [hbm:s0], s1  }
0x28b: {  	s0 =	simm.s32 @!p0 $0x1  }
0x28c: {  	_ =	swait.ge @!p0 [sflag:s0], s1  }
0x28d: {  	s1 =	ssub.s32 @!p0 $0x0, s1;
	[sflag:s0] =	ssyncset.done @!p0 $0x0  }
0x28e: {  	[sflag:s0] =	ssyncadd.s32 @!p0 s1  }
0x28f: {  	[bflag:$0x3] =	sbarrier.arrive $0xFFFF  }
0x290: {  	_ =	shalt  }

</sc_bundles>
